<compile_context>
chip_gen: v7x
topology: tpu7x:2x2x1
jax: 0.10.2.dev20260603
libtpu: 0.0.44.dev20260713+nightly
codegen_flags: <defaults>
</compile_context>

<pallas_src>
import dataclasses
import functools

import jax
import jax.numpy as jnp
from jax import lax
from jax.experimental import pallas as pl
from jax.experimental.pallas import tpu as pltpu
from jax.experimental.pallas import tpu_sc as plsc

_WINDOW = 128
_NC, _NS = 2, 16
_NW = _NC * _NS


def _vmem_gather_chunk(tab_v, idx_v, idx_off, row_buf, n_rows, lanes):

    nw = lanes // 16

    @pl.loop(0, n_rows, step=16)
    def _(r):
        iv = idx_v[pl.ds(idx_off + r, 16)]
        srcs = [iv[u] * lanes for u in range(16)]
        vals = [tab_v[pl.ds(s + w * 16, 16)] for s in srcs for w in range(nw)]
        for u in range(16):
            for w in range(nw):
                row_buf[pl.ds((r + u) * lanes + w * 16, 16)] = (
                    vals[u * nw + w])


def _sc_gather_all(idx_w, idx_c, idx_p, wt, ctp, ptp):
    wd = wt.shape[1]
    ncr, cl = ctp.shape
    npr, plp = ptp.shape
    n_tok = idx_w.shape[1]
    n_char = idx_c.shape[0]
    c_per_w = n_char // _NW
    p_per_w = n_tok // _NW
    c_chunk = 640
    p_chunk = 400
    n_cch = c_per_w // c_chunk
    n_pch = p_per_w // p_chunk
    mesh = plsc.VectorSubcoreMesh(core_axis_name="c", subcore_axis_name="s")
    out_types = (
        jax.ShapeDtypeStruct((n_tok, wd), wt.dtype),
        jax.ShapeDtypeStruct((n_char * cl,), jnp.int32),
        jax.ShapeDtypeStruct((n_tok * plp,), jnp.int32),
    )
    scratch = [
        pltpu.VMEM((ncr * cl,), jnp.int32),
        pltpu.VMEM((npr * plp,), jnp.int32),
        pltpu.VMEM((2 * c_chunk,), jnp.int32),
        pltpu.VMEM((c_chunk * cl,), jnp.int32),
        pltpu.VMEM((c_chunk * cl,), jnp.int32),
        pltpu.SemaphoreType.DMA,
        pltpu.SemaphoreType.DMA,
    ]

    cp = pltpu.CompilerParams()
    if "needs_layout_passes" in pltpu.CompilerParams.__dataclass_fields__:
        cp = dataclasses.replace(cp, needs_layout_passes=False)

    @functools.partial(pl.kernel, out_type=out_types, mesh=mesh,
                       scratch_types=scratch, compiler_params=cp)
    def k(wt_hbm, ctp_hbm, ptp_hbm, iw_hbm, ic_hbm, ip_hbm,
          ow_hbm, oc_hbm, op_hbm, tab_v, ptab_v, idx_v, rb0, rb1, s0, s1):
        wid = lax.axis_index("s") * _NC + lax.axis_index("c")
        pltpu.sync_copy(ctp_hbm, tab_v)
        pltpu.sync_copy(ptp_hbm, ptab_v)

        cbase = wid * c_per_w
        cbytes = c_chunk * cl

        def _wait_out(buf, sem):
            pltpu.make_async_copy(buf, oc_hbm.at[pl.ds(0, cbytes)], sem).wait()

        @pl.loop(0, n_cch, step=2)
        def _(ch):
            off = cbase + ch * c_chunk
            pltpu.sync_copy(ic_hbm.at[pl.ds(off, 2 * c_chunk)], idx_v)

            @pl.when(ch > 0)
            def _():
                _wait_out(rb0, s0)

            _vmem_gather_chunk(tab_v, idx_v, 0, rb0, c_chunk, cl)
            pltpu.async_copy(rb0, oc_hbm.at[pl.ds(off * cl, cbytes)], s0)

            @pl.when(ch > 0)
            def _():
                _wait_out(rb1, s1)

            _vmem_gather_chunk(tab_v, idx_v, c_chunk, rb1, c_chunk, cl)
            pltpu.async_copy(
                rb1, oc_hbm.at[pl.ds((off + c_chunk) * cl, cbytes)], s1)

        _wait_out(rb0, s0)
        _wait_out(rb1, s1)

        pbase = wid * p_per_w

        @pl.loop(0, n_pch)
        def _(ch):
            off = pbase + ch * p_chunk
            pltpu.sync_copy(ip_hbm.at[pl.ds(off, p_chunk)],
                            idx_v.at[pl.ds(0, p_chunk)])
            _vmem_gather_chunk(ptab_v, idx_v, 0, rb1, p_chunk, plp)
            pltpu.sync_copy(rb1.at[pl.ds(0, p_chunk * plp)],
                            op_hbm.at[pl.ds(off * plp, p_chunk * plp)])

        def body(i_vmem, o_vmem):
            pltpu.sync_copy(wt_hbm.at[i_vmem.at[0]], o_vmem)

        pltpu.emit_pipeline(
            body,
            grid=(iw_hbm.shape[1] // _WINDOW,),
            in_specs=[pl.BlockSpec((1, _WINDOW), lambda i: (0, i))],
            out_specs=[pl.BlockSpec((_WINDOW, wd), lambda i: (i, 0))],
            core_axis_name=("c", "s"),
            dimension_semantics=(pltpu.PARALLEL,),
        )(iw_hbm, ow_hbm)

    word_g, char_g, pos_g = k(wt, ctp.reshape(-1), ptp.reshape(-1),
                              idx_w, idx_c, idx_p)
    return word_g, char_g.reshape(n_char, cl), pos_g.reshape(n_tok, plp)


def _tc_combine(char_g, word_g, pos_g, wcat, bias2d, t_blk, tp, to, kk, pd):
    bl, wd = word_g.shape
    plp = pos_g.shape[1]
    cl = char_g.shape[1]
    cd = wcat.shape[0] // kk
    f = wcat.shape[1]

    def _unpack(x):
        lo = lax.bitcast_convert_type(x << 16, jnp.float32)
        hi = lax.bitcast_convert_type(x & jnp.int32(-65536), jnp.float32)
        return jnp.concatenate([lo, hi], axis=1)

    def body(cg, wg, pg, wc, b, out):
        e = _unpack(cg[...]).astype(jnp.bfloat16)
        shifted = [e] + [
            jnp.concatenate([e[k:, :], e[:k, :]], axis=0) for k in range(1, kk)
        ]
        x = jnp.concatenate(shifted, axis=1)
        conv = lax.dot_general(
            x, wc[...], (((1,), (0,)), ((), ())),
            preferred_element_type=jnp.float32,
        )
        conv = conv + b[...]
        conv = conv.reshape(t_blk, tp, f)
        t_idx = lax.broadcasted_iota(jnp.int32, (t_blk, tp, f), 1)
        conv = jnp.where(t_idx < to, conv, -jnp.inf)
        feat = jnp.tanh(jnp.max(conv, axis=1))
        pos = _unpack(pg[...])
        out[:, 0:wd] = wg[...]
        out[:, wd:wd + f] = feat
        out[:, wd + f:] = pos
    return pl.pallas_call(
        body,
        grid=(bl // t_blk,),
        in_specs=[
            pl.BlockSpec((t_blk * tp, cl), lambda i: (i, 0)),
            pl.BlockSpec((t_blk, wd), lambda i: (i, 0)),
            pl.BlockSpec((t_blk, plp), lambda i: (i, 0)),
            pl.BlockSpec((kk * cd, f), lambda i: (0, 0)),
            pl.BlockSpec((1, f), lambda i: (0, 0)),
        ],
        out_specs=pl.BlockSpec((t_blk, wd + f + pd), lambda i: (i, 0)),
        out_shape=jax.ShapeDtypeStruct((bl, wd + f + pd), jnp.float32),
    )(char_g, word_g, pos_g, wcat, bias2d)


def kernel(input_word, input_char, input_pos, word_table, char_table, pos_table,
           conv_w, conv_b):
    b, l = input_word.shape
    lc = input_char.shape[2]
    f, cd, kk = conv_w.shape
    wd = word_table.shape[1]
    pd = pos_table.shape[1]
    bl = b * l
    tp = lc + 2 * (kk - 1)
    to = tp - kk + 1
    n_char_rows = char_table.shape[0]

    def _pack(tab):
        h = tab.shape[1] // 2
        pair = jnp.stack([tab[:, :h], tab[:, h:]], axis=-1)
        return lax.bitcast_convert_type(pair, jnp.int32)

    ct = jnp.concatenate(
        [char_table.astype(jnp.bfloat16),
         jnp.zeros((1, cd), jnp.bfloat16)], axis=0)
    ctp = _pack(ct)
    ptp = _pack(pos_table.astype(jnp.bfloat16))

    idx_c = jnp.pad(
        input_char.reshape(bl, lc), ((0, 0), (kk - 1, kk - 1)),
        constant_values=n_char_rows,
    ).reshape(bl * tp).astype(jnp.int32)
    idx_w = input_word.reshape(1, bl).astype(jnp.int32)
    idx_p = input_pos.reshape(bl).astype(jnp.int32)

    word_g, char_g, pos_g = _sc_gather_all(
        idx_w, idx_c, idx_p, word_table, ctp, ptp)

    wcat = jnp.transpose(conv_w, (2, 1, 0)).reshape(kk * cd, f)
    wcat = wcat.astype(jnp.bfloat16)

    out = _tc_combine(char_g, word_g, pos_g, wcat, conv_b.reshape(1, f),
                      512, tp, to, kk, pd)
    return out.reshape(b, l, wd + f + pd)

# --- scband reference (transcript-rebuilt; emitter-appended) ---
"""Pipeline reference for scband-inp-with-dist-encoder-69801808495247 (READ-ONLY COPY).

The authoritative reference and input builder live on the scoring server;
editing this copy changes nothing except your own understanding.
"""

import jax, jax.numpy as jnp
import numpy as np

B, L, LC = 1024, 50, 20
NUM_WORDS, NUM_CHARS, NUM_POS = 100000, 1000, 100
WORD_DIM, CHAR_DIM, POS_DIM, NUM_FILTERS = 128, 64, 64, 128
K = 3


def setup_inputs(seed: int = 0) -> dict:
    key = jax.random.key(seed)
    ks = jax.random.split(key, 8)
    return {
        "input_word": jax.random.randint(ks[0], (B, L), 0, NUM_WORDS),
        "input_char": jax.random.randint(ks[1], (B, L, LC), 0, NUM_CHARS),
        "input_pos": jax.random.randint(ks[2], (B, L), 0, NUM_POS),
        "word_table": jax.random.normal(ks[3], (NUM_WORDS, WORD_DIM), dtype=jnp.float32) * 0.02,
        "char_table": jax.random.normal(ks[4], (NUM_CHARS, CHAR_DIM), dtype=jnp.float32) * 0.02,
        "pos_table": jax.random.normal(ks[5], (NUM_POS, POS_DIM), dtype=jnp.float32) * 0.02,
        "conv_w": jax.random.normal(ks[6], (NUM_FILTERS, CHAR_DIM, K), dtype=jnp.float32) * 0.05,
        "conv_b": jax.random.normal(ks[7], (NUM_FILTERS,), dtype=jnp.float32) * 0.05,
    }


def reference(input_word, input_char, input_pos, word_table, char_table, pos_table, conv_w, conv_b):
    # word embedding lookup: [B, L, WORD_DIM]
    word = jnp.take(word_table, input_word, axis=0)
    # char embedding lookup: [B, L, LC, CHAR_DIM]
    char = jnp.take(char_table, input_char, axis=0)
    # reshape to [B*L, CHAR_DIM, LC] (NCH layout, like torch transpose(1,2))
    char = char.reshape(B * L, LC, CHAR_DIM).transpose(0, 2, 1)
    # Conv1d(char_dim -> num_filters, kernel=3, padding=2 both sides)
    conv = jax.lax.conv_general_dilated(
        char, conv_w,
        window_strides=(1,),
        padding=[(K - 1, K - 1)],
        dimension_numbers=("NCH", "OIH", "NCH"),
    )
    conv = conv + conv_b[None, :, None]
    # max over time then tanh (matches torch: conv.max(dim=2) then tanh)
    char_feat = jnp.tanh(jnp.max(conv, axis=2)).reshape(B, L, NUM_FILTERS)
    # pos embedding lookup: [B, L, POS_DIM]
    pos = jnp.take(pos_table, input_pos, axis=0)
    return jnp.concatenate([word, char_feat, pos], axis=2)

if __name__ == "__main__":
    import jax
    _d = setup_inputs()
    print(jax.jit(kernel)(*tuple(_d.values())))

</pallas_src>

<mosaic_0001>
#map = affine_map<(d0, d1) -> (0, 0)>
#map1 = affine_map<(d0, d1) -> (0)>
module attributes {stable_mosaic.version = 14 : i64} {
  func.func @k(%arg0: i32, %arg1: i32, %arg2: memref<100000x128xf32, #tpu.memory_space<hbm>>, %arg3: memref<32032xi32, #tpu.memory_space<hbm>>, %arg4: memref<3200xi32, #tpu.memory_space<hbm>>, %arg5: memref<1x51200xi32, #tpu.memory_space<hbm>>, %arg6: memref<1228800xi32, #tpu.memory_space<hbm>>, %arg7: memref<51200xi32, #tpu.memory_space<hbm>>, %arg8: memref<51200x128xf32, #tpu.memory_space<hbm>>, %arg9: memref<39321600xi32, #tpu.memory_space<hbm>>, %arg10: memref<1638400xi32, #tpu.memory_space<hbm>>, %arg11: memref<32032xi32, #tpu.memory_space<vmem>>, %arg12: memref<3200xi32, #tpu.memory_space<vmem>>, %arg13: memref<1280xi32, #tpu.memory_space<vmem>>, %arg14: memref<20480xi32, #tpu.memory_space<vmem>>, %arg15: memref<20480xi32, #tpu.memory_space<vmem>>, %arg16: memref<!tpu.dma_semaphore, #tpu.memory_space<semaphore_mem>>, %arg17: memref<!tpu.dma_semaphore, #tpu.memory_space<semaphore_mem>>) attributes {dimension_semantics = [#tpu.dimension_semantics<core_parallel>, #tpu.dimension_semantics<subcore_parallel>], iteration_bounds = array<i64: 2, 16>, scalar_prefetch = 0 : i64, scratch_operands = 7 : i64, tpu.core_type = #tpu.core_type<sc_vector_subcore>, window_params = [{transform_indices = #map}, {transform_indices = #map1}, {transform_indices = #map1}, {transform_indices = #map}, {transform_indices = #map1}, {transform_indices = #map1}, {transform_indices = #map}, {transform_indices = #map1}, {transform_indices = #map1}]} {
    %mul3A = arith.constant 2 : i32
    %mul3A_0 = arith.muli %arg1, %mul3A : i32
    %add3A = arith.addi %mul3A_0, %arg0 : i32
    "tpu.region"() ({
      %run_scoped3A = tpu.sem_alloc : memref<!tpu.dma_semaphore, #tpu.memory_space<semaphore_mem>>
      tpu.enqueue_dma source(%arg3 : memref<32032xi32, #tpu.memory_space<hbm>>) target(%arg11 : memref<32032xi32, #tpu.memory_space<vmem>>) target_semaphore(%run_scoped3A : memref<!tpu.dma_semaphore, #tpu.memory_space<semaphore_mem>>)
      tpu.wait_dma2 semaphore(%run_scoped3A : memref<!tpu.dma_semaphore, #tpu.memory_space<semaphore_mem>>) src(%arg3 : memref<32032xi32, #tpu.memory_space<hbm>>) dst(%arg11 : memref<32032xi32, #tpu.memory_space<vmem>>)
      tpu.yield
    }) : () -> ()
    "tpu.region"() ({
      %run_scoped3A = tpu.sem_alloc : memref<!tpu.dma_semaphore, #tpu.memory_space<semaphore_mem>>
      tpu.enqueue_dma source(%arg4 : memref<3200xi32, #tpu.memory_space<hbm>>) target(%arg12 : memref<3200xi32, #tpu.memory_space<vmem>>) target_semaphore(%run_scoped3A : memref<!tpu.dma_semaphore, #tpu.memory_space<semaphore_mem>>)
      tpu.wait_dma2 semaphore(%run_scoped3A : memref<!tpu.dma_semaphore, #tpu.memory_space<semaphore_mem>>) src(%arg4 : memref<3200xi32, #tpu.memory_space<hbm>>) dst(%arg12 : memref<3200xi32, #tpu.memory_space<vmem>>)
      tpu.yield
    }) : () -> ()
    %mul3A_1 = arith.constant 38400 : i32
    %mul3A_2 = arith.muli %add3A, %mul3A_1 : i32
    %scan3A = arith.constant 0 : i32
    %scan3A_3 = arith.constant 30 : i32
    %scan3A_4 = arith.addi %scan3A, %scan3A_3 : i32
    %scan3A_5 = arith.constant 1 : i32
    scf.for %scan3A_40 = %scan3A to %scan3A_4 step %scan3A_5  : i32 {
      %mul3A_41 = arith.constant 2 : i32
      %mul3A_42 = arith.muli %scan3A_40, %mul3A_41 : i32
      %add3A_43 = arith.constant 0 : i32
      %add3A_44 = arith.addi %add3A_43, %mul3A_42 : i32
      %mul3A_45 = arith.constant 640 : i32
      %mul3A_46 = arith.muli %add3A_44, %mul3A_45 : i32
      %add3A_47 = arith.addi %mul3A_2, %mul3A_46 : i32
      "tpu.region"() ({
        %run_scoped3A = tpu.sem_alloc : memref<!tpu.dma_semaphore, #tpu.memory_space<semaphore_mem>>
        %dma_start3A_74 = tpu.memref_slice %arg6[%add3A_47] : memref<1228800xi32, #tpu.memory_space<hbm>> -> memref<1280xi32, #tpu.memory_space<hbm>>
        %dma_start3A_75 = tpu.memref_slice %arg6[%add3A_47] : memref<1228800xi32, #tpu.memory_space<hbm>> -> memref<1280xi32, #tpu.memory_space<hbm>>
        tpu.enqueue_dma source(%dma_start3A_75 : memref<1280xi32, #tpu.memory_space<hbm>>) target(%arg13 : memref<1280xi32, #tpu.memory_space<vmem>>) target_semaphore(%run_scoped3A : memref<!tpu.dma_semaphore, #tpu.memory_space<semaphore_mem>>)
        %dma_wait3A_76 = tpu.memref_slice %arg6[%add3A_47] : memref<1228800xi32, #tpu.memory_space<hbm>> -> memref<1280xi32, #tpu.memory_space<hbm>>
        %dma_wait3A_77 = tpu.memref_slice %arg6[%add3A_47] : memref<1228800xi32, #tpu.memory_space<hbm>> -> memref<1280xi32, #tpu.memory_space<hbm>>
        tpu.wait_dma2 semaphore(%run_scoped3A : memref<!tpu.dma_semaphore, #tpu.memory_space<semaphore_mem>>) src(%dma_wait3A_77 : memref<1280xi32, #tpu.memory_space<hbm>>) dst(%arg13 : memref<1280xi32, #tpu.memory_space<vmem>>)
        tpu.yield
      }) : () -> ()
      %gt3A = arith.constant 0 : i32
      %gt3A_48 = arith.cmpi sgt, %add3A_44, %gt3A : i32
      %convert_element_type3A = arith.extui %gt3A_48 : i1 to i32
      %cond3A = arith.constant 0 : i32
      %cond3A_49 = arith.cmpi ne, %convert_element_type3A, %cond3A : i32
      scf.if %cond3A_49 {
        %dma_wait3A_74 = arith.constant 0 : i32
        %dma_wait3A_75 = tpu.memref_slice %arg9[%dma_wait3A_74] : memref<39321600xi32, #tpu.memory_space<hbm>> -> memref<20480xi32, #tpu.memory_space<hbm>>
        %dma_wait3A_76 = arith.constant 0 : i32
        %dma_wait3A_77 = tpu.memref_slice %arg9[%dma_wait3A_76] : memref<39321600xi32, #tpu.memory_space<hbm>> -> memref<20480xi32, #tpu.memory_space<hbm>>
        tpu.wait_dma2 semaphore(%arg16 : memref<!tpu.dma_semaphore, #tpu.memory_space<semaphore_mem>>) src(%arg14 : memref<20480xi32, #tpu.memory_space<vmem>>) dst(%dma_wait3A_77 : memref<20480xi32, #tpu.memory_space<hbm>>)
      } else {
      }
      %scan3A_50 = arith.constant 0 : i32
      %scan3A_51 = arith.constant 40 : i32
      %scan3A_52 = arith.addi %scan3A_50, %scan3A_51 : i32
      %scan3A_53 = arith.constant 1 : i32
      scf.for %scan3A_74 = %scan3A_50 to %scan3A_52 step %scan3A_53  : i32 {
        %mul3A_75 = arith.constant 16 : i32
        %mul3A_76 = arith.muli %scan3A_74, %mul3A_75 : i32
        %add3A_77 = arith.constant 0 : i32
        %add3A_78 = arith.addi %add3A_77, %mul3A_76 : i32
        %add3A_79 = arith.constant 0 : i32
        %add3A_80 = arith.addi %add3A_79, %add3A_78 : i32
        %get3A = arith.index_cast %add3A_80 : i32 to index
        %get3A_81 = tpu.vector_load %arg13[%get3A] {strides = array<i32>} : memref<1280xi32, #tpu.memory_space<vmem>>, vector<16xi32>,
        %slice3A = vector.extract_strided_slice %get3A_81 {offsets = [0], sizes = [1], strides = [1]} : vector<16xi32> to vector<1xi32>
        %squeeze3A = vector.extract %slice3A[0] : i32 from vector<1xi32>
        %mul3A_82 = arith.constant 32 : i32
        %mul3A_83 = arith.muli %squeeze3A, %mul3A_82 : i32
        %slice3A_84 = vector.extract_strided_slice %get3A_81 {offsets = [1], sizes = [1], strides = [1]} : vector<16xi32> to vector<1xi32>
        %squeeze3A_85 = vector.extract %slice3A_84[0] : i32 from vector<1xi32>
        %mul3A_86 = arith.constant 32 : i32
        %mul3A_87 = arith.muli %squeeze3A_85, %mul3A_86 : i32
        %slice3A_88 = vector.extract_strided_slice %get3A_81 {offsets = [2], sizes = [1], strides = [1]} : vector<16xi32> to vector<1xi32>
        %squeeze3A_89 = vector.extract %slice3A_88[0] : i32 from vector<1xi32>
        %mul3A_90 = arith.constant 32 : i32
        %mul3A_91 = arith.muli %squeeze3A_89, %mul3A_90 : i32
        %slice3A_92 = vector.extract_strided_slice %get3A_81 {offsets = [3], sizes = [1], strides = [1]} : vector<16xi32> to vector<1xi32>
        %squeeze3A_93 = vector.extract %slice3A_92[0] : i32 from vector<1xi32>
        %mul3A_94 = arith.constant 32 : i32
        %mul3A_95 = arith.muli %squeeze3A_93, %mul3A_94 : i32
        %slice3A_96 = vector.extract_strided_slice %get3A_81 {offsets = [4], sizes = [1], strides = [1]} : vector<16xi32> to vector<1xi32>
        %squeeze3A_97 = vector.extract %slice3A_96[0] : i32 from vector<1xi32>
        %mul3A_98 = arith.constant 32 : i32
        %mul3A_99 = arith.muli %squeeze3A_97, %mul3A_98 : i32
        %slice3A_100 = vector.extract_strided_slice %get3A_81 {offsets = [5], sizes = [1], strides = [1]} : vector<16xi32> to vector<1xi32>
        %squeeze3A_101 = vector.extract %slice3A_100[0] : i32 from vector<1xi32>
        %mul3A_102 = arith.constant 32 : i32
        %mul3A_103 = arith.muli %squeeze3A_101, %mul3A_102 : i32
        %slice3A_104 = vector.extract_strided_slice %get3A_81 {offsets = [6], sizes = [1], strides = [1]} : vector<16xi32> to vector<1xi32>
        %squeeze3A_105 = vector.extract %slice3A_104[0] : i32 from vector<1xi32>
        %mul3A_106 = arith.constant 32 : i32
        %mul3A_107 = arith.muli %squeeze3A_105, %mul3A_106 : i32
        %slice3A_108 = vector.extract_strided_slice %get3A_81 {offsets = [7], sizes = [1], strides = [1]} : vector<16xi32> to vector<1xi32>
        %squeeze3A_109 = vector.extract %slice3A_108[0] : i32 from vector<1xi32>
        %mul3A_110 = arith.constant 32 : i32
        %mul3A_111 = arith.muli %squeeze3A_109, %mul3A_110 : i32
        %slice3A_112 = vector.extract_strided_slice %get3A_81 {offsets = [8], sizes = [1], strides = [1]} : vector<16xi32> to vector<1xi32>
        %squeeze3A_113 = vector.extract %slice3A_112[0] : i32 from vector<1xi32>
        %mul3A_114 = arith.constant 32 : i32
        %mul3A_115 = arith.muli %squeeze3A_113, %mul3A_114 : i32
        %slice3A_116 = vector.extract_strided_slice %get3A_81 {offsets = [9], sizes = [1], strides = [1]} : vector<16xi32> to vector<1xi32>
        %squeeze3A_117 = vector.extract %slice3A_116[0] : i32 from vector<1xi32>
        %mul3A_118 = arith.constant 32 : i32
        %mul3A_119 = arith.muli %squeeze3A_117, %mul3A_118 : i32
        %slice3A_120 = vector.extract_strided_slice %get3A_81 {offsets = [10], sizes = [1], strides = [1]} : vector<16xi32> to vector<1xi32>
        %squeeze3A_121 = vector.extract %slice3A_120[0] : i32 from vector<1xi32>
        %mul3A_122 = arith.constant 32 : i32
        %mul3A_123 = arith.muli %squeeze3A_121, %mul3A_122 : i32
        %slice3A_124 = vector.extract_strided_slice %get3A_81 {offsets = [11], sizes = [1], strides = [1]} : vector<16xi32> to vector<1xi32>
        %squeeze3A_125 = vector.extract %slice3A_124[0] : i32 from vector<1xi32>
        %mul3A_126 = arith.constant 32 : i32
        %mul3A_127 = arith.muli %squeeze3A_125, %mul3A_126 : i32
        %slice3A_128 = vector.extract_strided_slice %get3A_81 {offsets = [12], sizes = [1], strides = [1]} : vector<16xi32> to vector<1xi32>
        %squeeze3A_129 = vector.extract %slice3A_128[0] : i32 from vector<1xi32>
        %mul3A_130 = arith.constant 32 : i32
        %mul3A_131 = arith.muli %squeeze3A_129, %mul3A_130 : i32
        %slice3A_132 = vector.extract_strided_slice %get3A_81 {offsets = [13], sizes = [1], strides = [1]} : vector<16xi32> to vector<1xi32>
        %squeeze3A_133 = vector.extract %slice3A_132[0] : i32 from vector<1xi32>
        %mul3A_134 = arith.constant 32 : i32
        %mul3A_135 = arith.muli %squeeze3A_133, %mul3A_134 : i32
        %slice3A_136 = vector.extract_strided_slice %get3A_81 {offsets = [14], sizes = [1], strides = [1]} : vector<16xi32> to vector<1xi32>
        %squeeze3A_137 = vector.extract %slice3A_136[0] : i32 from vector<1xi32>
        %mul3A_138 = arith.constant 32 : i32
        %mul3A_139 = arith.muli %squeeze3A_137, %mul3A_138 : i32
        %slice3A_140 = vector.extract_strided_slice %get3A_81 {offsets = [15], sizes = [1], strides = [1]} : vector<16xi32> to vector<1xi32>
        %squeeze3A_141 = vector.extract %slice3A_140[0] : i32 from vector<1xi32>
        %mul3A_142 = arith.constant 32 : i32
        %mul3A_143 = arith.muli %squeeze3A_141, %mul3A_142 : i32
        %add3A_144 = arith.constant 0 : i32
        %add3A_145 = arith.addi %mul3A_83, %add3A_144 : i32
        %get3A_146 = arith.index_cast %add3A_145 : i32 to index
        %get3A_147 = tpu.vector_load %arg11[%get3A_146] {strides = array<i32>} : memref<32032xi32, #tpu.memory_space<vmem>>, vector<16xi32>,
        %add3A_148 = arith.constant 16 : i32
        %add3A_149 = arith.addi %mul3A_83, %add3A_148 : i32
        %get3A_150 = arith.index_cast %add3A_149 : i32 to index
        %get3A_151 = tpu.vector_load %arg11[%get3A_150] {strides = array<i32>} : memref<32032xi32, #tpu.memory_space<vmem>>, vector<16xi32>,
        %add3A_152 = arith.constant 0 : i32
        %add3A_153 = arith.addi %mul3A_87, %add3A_152 : i32
        %get3A_154 = arith.index_cast %add3A_153 : i32 to index
        %get3A_155 = tpu.vector_load %arg11[%get3A_154] {strides = array<i32>} : memref<32032xi32, #tpu.memory_space<vmem>>, vector<16xi32>,
        %add3A_156 = arith.constant 16 : i32
        %add3A_157 = arith.addi %mul3A_87, %add3A_156 : i32
        %get3A_158 = arith.index_cast %add3A_157 : i32 to index
        %get3A_159 = tpu.vector_load %arg11[%get3A_158] {strides = array<i32>} : memref<32032xi32, #tpu.memory_space<vmem>>, vector<16xi32>,
        %add3A_160 = arith.constant 0 : i32
        %add3A_161 = arith.addi %mul3A_91, %add3A_160 : i32
        %get3A_162 = arith.index_cast %add3A_161 : i32 to index
        %get3A_163 = tpu.vector_load %arg11[%get3A_162] {strides = array<i32>} : memref<32032xi32, #tpu.memory_space<vmem>>, vector<16xi32>,
        %add3A_164 = arith.constant 16 : i32
        %add3A_165 = arith.addi %mul3A_91, %add3A_164 : i32
        %get3A_166 = arith.index_cast %add3A_165 : i32 to index
        %get3A_167 = tpu.vector_load %arg11[%get3A_166] {strides = array<i32>} : memref<32032xi32, #tpu.memory_space<vmem>>, vector<16xi32>,
        %add3A_168 = arith.constant 0 : i32
        %add3A_169 = arith.addi %mul3A_95, %add3A_168 : i32
        %get3A_170 = arith.index_cast %add3A_169 : i32 to index
        %get3A_171 = tpu.vector_load %arg11[%get3A_170] {strides = array<i32>} : memref<32032xi32, #tpu.memory_space<vmem>>, vector<16xi32>,
        %add3A_172 = arith.constant 16 : i32
        %add3A_173 = arith.addi %mul3A_95, %add3A_172 : i32
        %get3A_174 = arith.index_cast %add3A_173 : i32 to index
        %get3A_175 = tpu.vector_load %arg11[%get3A_174] {strides = array<i32>} : memref<32032xi32, #tpu.memory_space<vmem>>, vector<16xi32>,
        %add3A_176 = arith.constant 0 : i32
        %add3A_177 = arith.addi %mul3A_99, %add3A_176 : i32
        %get3A_178 = arith.index_cast %add3A_177 : i32 to index
        %get3A_179 = tpu.vector_load %arg11[%get3A_178] {strides = array<i32>} : memref<32032xi32, #tpu.memory_space<vmem>>, vector<16xi32>,
        %add3A_180 = arith.constant 16 : i32
        %add3A_181 = arith.addi %mul3A_99, %add3A_180 : i32
        %get3A_182 = arith.index_cast %add3A_181 : i32 to index
        %get3A_183 = tpu.vector_load %arg11[%get3A_182] {strides = array<i32>} : memref<32032xi32, #tpu.memory_space<vmem>>, vector<16xi32>,
        %add3A_184 = arith.constant 0 : i32
        %add3A_185 = arith.addi %mul3A_103, %add3A_184 : i32
        %get3A_186 = arith.index_cast %add3A_185 : i32 to index
        %get3A_187 = tpu.vector_load %arg11[%get3A_186] {strides = array<i32>} : memref<32032xi32, #tpu.memory_space<vmem>>, vector<16xi32>,
        %add3A_188 = arith.constant 16 : i32
        %add3A_189 = arith.addi %mul3A_103, %add3A_188 : i32
        %get3A_190 = arith.index_cast %add3A_189 : i32 to index
        %get3A_191 = tpu.vector_load %arg11[%get3A_190] {strides = array<i32>} : memref<32032xi32, #tpu.memory_space<vmem>>, vector<16xi32>,
        %add3A_192 = arith.constant 0 : i32
        %add3A_193 = arith.addi %mul3A_107, %add3A_192 : i32
        %get3A_194 = arith.index_cast %add3A_193 : i32 to index
        %get3A_195 = tpu.vector_load %arg11[%get3A_194] {strides = array<i32>} : memref<32032xi32, #tpu.memory_space<vmem>>, vector<16xi32>,
        %add3A_196 = arith.constant 16 : i32
        %add3A_197 = arith.addi %mul3A_107, %add3A_196 : i32
        %get3A_198 = arith.index_cast %add3A_197 : i32 to index
        %get3A_199 = tpu.vector_load %arg11[%get3A_198] {strides = array<i32>} : memref<32032xi32, #tpu.memory_space<vmem>>, vector<16xi32>,
        %add3A_200 = arith.constant 0 : i32
        %add3A_201 = arith.addi %mul3A_111, %add3A_200 : i32
        %get3A_202 = arith.index_cast %add3A_201 : i32 to index
        %get3A_203 = tpu.vector_load %arg11[%get3A_202] {strides = array<i32>} : memref<32032xi32, #tpu.memory_space<vmem>>, vector<16xi32>,
        %add3A_204 = arith.constant 16 : i32
        %add3A_205 = arith.addi %mul3A_111, %add3A_204 : i32
        %get3A_206 = arith.index_cast %add3A_205 : i32 to index
        %get3A_207 = tpu.vector_load %arg11[%get3A_206] {strides = array<i32>} : memref<32032xi32, #tpu.memory_space<vmem>>, vector<16xi32>,
        %add3A_208 = arith.constant 0 : i32
        %add3A_209 = arith.addi %mul3A_115, %add3A_208 : i32
        %get3A_210 = arith.index_cast %add3A_209 : i32 to index
        %get3A_211 = tpu.vector_load %arg11[%get3A_210] {strides = array<i32>} : memref<32032xi32, #tpu.memory_space<vmem>>, vector<16xi32>,
        %add3A_212 = arith.constant 16 : i32
        %add3A_213 = arith.addi %mul3A_115, %add3A_212 : i32
        %get3A_214 = arith.index_cast %add3A_213 : i32 to index
        %get3A_215 = tpu.vector_load %arg11[%get3A_214] {strides = array<i32>} : memref<32032xi32, #tpu.memory_space<vmem>>, vector<16xi32>,
        %add3A_216 = arith.constant 0 : i32
        %add3A_217 = arith.addi %mul3A_119, %add3A_216 : i32
        %get3A_218 = arith.index_cast %add3A_217 : i32 to index
        %get3A_219 = tpu.vector_load %arg11[%get3A_218] {strides = array<i32>} : memref<32032xi32, #tpu.memory_space<vmem>>, vector<16xi32>,
        %add3A_220 = arith.constant 16 : i32
        %add3A_221 = arith.addi %mul3A_119, %add3A_220 : i32
        %get3A_222 = arith.index_cast %add3A_221 : i32 to index
        %get3A_223 = tpu.vector_load %arg11[%get3A_222] {strides = array<i32>} : memref<32032xi32, #tpu.memory_space<vmem>>, vector<16xi32>,
        %add3A_224 = arith.constant 0 : i32
        %add3A_225 = arith.addi %mul3A_123, %add3A_224 : i32
        %get3A_226 = arith.index_cast %add3A_225 : i32 to index
        %get3A_227 = tpu.vector_load %arg11[%get3A_226] {strides = array<i32>} : memref<32032xi32, #tpu.memory_space<vmem>>, vector<16xi32>,
        %add3A_228 = arith.constant 16 : i32
        %add3A_229 = arith.addi %mul3A_123, %add3A_228 : i32
        %get3A_230 = arith.index_cast %add3A_229 : i32 to index
        %get3A_231 = tpu.vector_load %arg11[%get3A_230] {strides = array<i32>} : memref<32032xi32, #tpu.memory_space<vmem>>, vector<16xi32>,
        %add3A_232 = arith.constant 0 : i32
        %add3A_233 = arith.addi %mul3A_127, %add3A_232 : i32
        %get3A_234 = arith.index_cast %add3A_233 : i32 to index
        %get3A_235 = tpu.vector_load %arg11[%get3A_234] {strides = array<i32>} : memref<32032xi32, #tpu.memory_space<vmem>>, vector<16xi32>,
        %add3A_236 = arith.constant 16 : i32
        %add3A_237 = arith.addi %mul3A_127, %add3A_236 : i32
        %get3A_238 = arith.index_cast %add3A_237 : i32 to index
        %get3A_239 = tpu.vector_load %arg11[%get3A_238] {strides = array<i32>} : memref<32032xi32, #tpu.memory_space<vmem>>, vector<16xi32>,
        %add3A_240 = arith.constant 0 : i32
        %add3A_241 = arith.addi %mul3A_131, %add3A_240 : i32
        %get3A_242 = arith.index_cast %add3A_241 : i32 to index
        %get3A_243 = tpu.vector_load %arg11[%get3A_242] {strides = array<i32>} : memref<32032xi32, #tpu.memory_space<vmem>>, vector<16xi32>,
        %add3A_244 = arith.constant 16 : i32
        %add3A_245 = arith.addi %mul3A_131, %add3A_244 : i32
        %get3A_246 = arith.index_cast %add3A_245 : i32 to index
        %get3A_247 = tpu.vector_load %arg11[%get3A_246] {strides = array<i32>} : memref<32032xi32, #tpu.memory_space<vmem>>, vector<16xi32>,
        %add3A_248 = arith.constant 0 : i32
        %add3A_249 = arith.addi %mul3A_135, %add3A_248 : i32
        %get3A_250 = arith.index_cast %add3A_249 : i32 to index
        %get3A_251 = tpu.vector_load %arg11[%get3A_250] {strides = array<i32>} : memref<32032xi32, #tpu.memory_space<vmem>>, vector<16xi32>,
        %add3A_252 = arith.constant 16 : i32
        %add3A_253 = arith.addi %mul3A_135, %add3A_252 : i32
        %get3A_254 = arith.index_cast %add3A_253 : i32 to index
        %get3A_255 = tpu.vector_load %arg11[%get3A_254] {strides = array<i32>} : memref<32032xi32, #tpu.memory_space<vmem>>, vector<16xi32>,
        %add3A_256 = arith.constant 0 : i32
        %add3A_257 = arith.addi %mul3A_139, %add3A_256 : i32
        %get3A_258 = arith.index_cast %add3A_257 : i32 to index
        %get3A_259 = tpu.vector_load %arg11[%get3A_258] {strides = array<i32>} : memref<32032xi32, #tpu.memory_space<vmem>>, vector<16xi32>,
        %add3A_260 = arith.constant 16 : i32
        %add3A_261 = arith.addi %mul3A_139, %add3A_260 : i32
        %get3A_262 = arith.index_cast %add3A_261 : i32 to index
        %get3A_263 = tpu.vector_load %arg11[%get3A_262] {strides = array<i32>} : memref<32032xi32, #tpu.memory_space<vmem>>, vector<16xi32>,
        %add3A_264 = arith.constant 0 : i32
        %add3A_265 = arith.addi %mul3A_143, %add3A_264 : i32
        %get3A_266 = arith.index_cast %add3A_265 : i32 to index
        %get3A_267 = tpu.vector_load %arg11[%get3A_266] {strides = array<i32>} : memref<32032xi32, #tpu.memory_space<vmem>>, vector<16xi32>,
        %add3A_268 = arith.constant 16 : i32
        %add3A_269 = arith.addi %mul3A_143, %add3A_268 : i32
        %get3A_270 = arith.index_cast %add3A_269 : i32 to index
        %get3A_271 = tpu.vector_load %arg11[%get3A_270] {strides = array<i32>} : memref<32032xi32, #tpu.memory_space<vmem>>, vector<16xi32>,
        %add3A_272 = arith.constant 0 : i32
        %add3A_273 = arith.addi %add3A_78, %add3A_272 : i32
        %mul3A_274 = arith.constant 32 : i32
        %mul3A_275 = arith.muli %add3A_273, %mul3A_274 : i32
        %add3A_276 = arith.constant 0 : i32
        %add3A_277 = arith.addi %mul3A_275, %add3A_276 : i32
        %swap3A = arith.index_cast %add3A_277 : i32 to index
        %swap3A_278 = tpu.vector_load %arg14[%swap3A] {strides = array<i32>} : memref<20480xi32, #tpu.memory_space<vmem>>, vector<16xi32>,
        tpu.vector_store %arg14[%swap3A], %get3A_147 {strides = array<i32>} : memref<20480xi32, #tpu.memory_space<vmem>>, vector<16xi32>,
        %add3A_279 = arith.constant 0 : i32
        %add3A_280 = arith.addi %add3A_78, %add3A_279 : i32
        %mul3A_281 = arith.constant 32 : i32
        %mul3A_282 = arith.muli %add3A_280, %mul3A_281 : i32
        %add3A_283 = arith.constant 16 : i32
        %add3A_284 = arith.addi %mul3A_282, %add3A_283 : i32
        %swap3A_285 = arith.index_cast %add3A_284 : i32 to index
        %swap3A_286 = tpu.vector_load %arg14[%swap3A_285] {strides = array<i32>} : memref<20480xi32, #tpu.memory_space<vmem>>, vector<16xi32>,
        tpu.vector_store %arg14[%swap3A_285], %get3A_151 {strides = array<i32>} : memref<20480xi32, #tpu.memory_space<vmem>>, vector<16xi32>,
        %add3A_287 = arith.constant 1 : i32
        %add3A_288 = arith.addi %add3A_78, %add3A_287 : i32
        %mul3A_289 = arith.constant 32 : i32
        %mul3A_290 = arith.muli %add3A_288, %mul3A_289 : i32
        %add3A_291 = arith.constant 0 : i32
        %add3A_292 = arith.addi %mul3A_290, %add3A_291 : i32
        %swap3A_293 = arith.index_cast %add3A_292 : i32 to index
        %swap3A_294 = tpu.vector_load %arg14[%swap3A_293] {strides = array<i32>} : memref<20480xi32, #tpu.memory_space<vmem>>, vector<16xi32>,
        tpu.vector_store %arg14[%swap3A_293], %get3A_155 {strides = array<i32>} : memref<20480xi32, #tpu.memory_space<vmem>>, vector<16xi32>,
        %add3A_295 = arith.constant 1 : i32
        %add3A_296 = arith.addi %add3A_78, %add3A_295 : i32
        %mul3A_297 = arith.constant 32 : i32
        %mul3A_298 = arith.muli %add3A_296, %mul3A_297 : i32
        %add3A_299 = arith.constant 16 : i32
        %add3A_300 = arith.addi %mul3A_298, %add3A_299 : i32
        %swap3A_301 = arith.index_cast %add3A_300 : i32 to index
        %swap3A_302 = tpu.vector_load %arg14[%swap3A_301] {strides = array<i32>} : memref<20480xi32, #tpu.memory_space<vmem>>, vector<16xi32>,
        tpu.vector_store %arg14[%swap3A_301], %get3A_159 {strides = array<i32>} : memref<20480xi32, #tpu.memory_space<vmem>>, vector<16xi32>,
        %add3A_303 = arith.constant 2 : i32
        %add3A_304 = arith.addi %add3A_78, %add3A_303 : i32
        %mul3A_305 = arith.constant 32 : i32
        %mul3A_306 = arith.muli %add3A_304, %mul3A_305 : i32
        %add3A_307 = arith.constant 0 : i32
        %add3A_308 = arith.addi %mul3A_306, %add3A_307 : i32
        %swap3A_309 = arith.index_cast %add3A_308 : i32 to index
        %swap3A_310 = tpu.vector_load %arg14[%swap3A_309] {strides = array<i32>} : memref<20480xi32, #tpu.memory_space<vmem>>, vector<16xi32>,
        tpu.vector_store %arg14[%swap3A_309], %get3A_163 {strides = array<i32>} : memref<20480xi32, #tpu.memory_space<vmem>>, vector<16xi32>,
        %add3A_311 = arith.constant 2 : i32
        %add3A_312 = arith.addi %add3A_78, %add3A_311 : i32
        %mul3A_313 = arith.constant 32 : i32
        %mul3A_314 = arith.muli %add3A_312, %mul3A_313 : i32
        %add3A_315 = arith.constant 16 : i32
        %add3A_316 = arith.addi %mul3A_314, %add3A_315 : i32
        %swap3A_317 = arith.index_cast %add3A_316 : i32 to index
        %swap3A_318 = tpu.vector_load %arg14[%swap3A_317] {strides = array<i32>} : memref<20480xi32, #tpu.memory_space<vmem>>, vector<16xi32>,
        tpu.vector_store %arg14[%swap3A_317], %get3A_167 {strides = array<i32>} : memref<20480xi32, #tpu.memory_space<vmem>>, vector<16xi32>,
        %add3A_319 = arith.constant 3 : i32
        %add3A_320 = arith.addi %add3A_78, %add3A_319 : i32
        %mul3A_321 = arith.constant 32 : i32
        %mul3A_322 = arith.muli %add3A_320, %mul3A_321 : i32
        %add3A_323 = arith.constant 0 : i32
        %add3A_324 = arith.addi %mul3A_322, %add3A_323 : i32
        %swap3A_325 = arith.index_cast %add3A_324 : i32 to index
        %swap3A_326 = tpu.vector_load %arg14[%swap3A_325] {strides = array<i32>} : memref<20480xi32, #tpu.memory_space<vmem>>, vector<16xi32>,
        tpu.vector_store %arg14[%swap3A_325], %get3A_171 {strides = array<i32>} : memref<20480xi32, #tpu.memory_space<vmem>>, vector<16xi32>,
        %add3A_327 = arith.constant 3 : i32
        %add3A_328 = arith.addi %add3A_78, %add3A_327 : i32
        %mul3A_329 = arith.constant 32 : i32
        %mul3A_330 = arith.muli %add3A_328, %mul3A_329 : i32
        %add3A_331 = arith.constant 16 : i32
        %add3A_332 = arith.addi %mul3A_330, %add3A_331 : i32
        %swap3A_333 = arith.index_cast %add3A_332 : i32 to index
        %swap3A_334 = tpu.vector_load %arg14[%swap3A_333] {strides = array<i32>} : memref<20480xi32, #tpu.memory_space<vmem>>, vector<16xi32>,
        tpu.vector_store %arg14[%swap3A_333], %get3A_175 {strides = array<i32>} : memref<20480xi32, #tpu.memory_space<vmem>>, vector<16xi32>,
        %add3A_335 = arith.constant 4 : i32
        %add3A_336 = arith.addi %add3A_78, %add3A_335 : i32
        %mul3A_337 = arith.constant 32 : i32
        %mul3A_338 = arith.muli %add3A_336, %mul3A_337 : i32
        %add3A_339 = arith.constant 0 : i32
        %add3A_340 = arith.addi %mul3A_338, %add3A_339 : i32
        %swap3A_341 = arith.index_cast %add3A_340 : i32 to index
        %swap3A_342 = tpu.vector_load %arg14[%swap3A_341] {strides = array<i32>} : memref<20480xi32, #tpu.memory_space<vmem>>, vector<16xi32>,
        tpu.vector_store %arg14[%swap3A_341], %get3A_179 {strides = array<i32>} : memref<20480xi32, #tpu.memory_space<vmem>>, vector<16xi32>,
        %add3A_343 = arith.constant 4 : i32
        %add3A_344 = arith.addi %add3A_78, %add3A_343 : i32
        %mul3A_345 = arith.constant 32 : i32
        %mul3A_346 = arith.muli %add3A_344, %mul3A_345 : i32
        %add3A_347 = arith.constant 16 : i32
        %add3A_348 = arith.addi %mul3A_346, %add3A_347 : i32
        %swap3A_349 = arith.index_cast %add3A_348 : i32 to index
        %swap3A_350 = tpu.vector_load %arg14[%swap3A_349] {strides = array<i32>} : memref<20480xi32, #tpu.memory_space<vmem>>, vector<16xi32>,
        tpu.vector_store %arg14[%swap3A_349], %get3A_183 {strides = array<i32>} : memref<20480xi32, #tpu.memory_space<vmem>>, vector<16xi32>,
        %add3A_351 = arith.constant 5 : i32
        %add3A_352 = arith.addi %add3A_78, %add3A_351 : i32
        %mul3A_353 = arith.constant 32 : i32
        %mul3A_354 = arith.muli %add3A_352, %mul3A_353 : i32
        %add3A_355 = arith.constant 0 : i32
        %add3A_356 = arith.addi %mul3A_354, %add3A_355 : i32
        %swap3A_357 = arith.index_cast %add3A_356 : i32 to index
        %swap3A_358 = tpu.vector_load %arg14[%swap3A_357] {strides = array<i32>} : memref<20480xi32, #tpu.memory_space<vmem>>, vector<16xi32>,
        tpu.vector_store %arg14[%swap3A_357], %get3A_187 {strides = array<i32>} : memref<20480xi32, #tpu.memory_space<vmem>>, vector<16xi32>,
        %add3A_359 = arith.constant 5 : i32
        %add3A_360 = arith.addi %add3A_78, %add3A_359 : i32
        %mul3A_361 = arith.constant 32 : i32
        %mul3A_362 = arith.muli %add3A_360, %mul3A_361 : i32
        %add3A_363 = arith.constant 16 : i32
        %add3A_364 = arith.addi %mul3A_362, %add3A_363 : i32
        %swap3A_365 = arith.index_cast %add3A_364 : i32 to index
        %swap3A_366 = tpu.vector_load %arg14[%swap3A_365] {strides = array<i32>} : memref<20480xi32, #tpu.memory_space<vmem>>, vector<16xi32>,
        tpu.vector_store %arg14[%swap3A_365], %get3A_191 {strides = array<i32>} : memref<20480xi32, #tpu.memory_space<vmem>>, vector<16xi32>,
        %add3A_367 = arith.constant 6 : i32
        %add3A_368 = arith.addi %add3A_78, %add3A_367 : i32
        %mul3A_369 = arith.constant 32 : i32
        %mul3A_370 = arith.muli %add3A_368, %mul3A_369 : i32
        %add3A_371 = arith.constant 0 : i32
        %add3A_372 = arith.addi %mul3A_370, %add3A_371 : i32
        %swap3A_373 = arith.index_cast %add3A_372 : i32 to index
        %swap3A_374 = tpu.vector_load %arg14[%swap3A_373] {strides = array<i32>} : memref<20480xi32, #tpu.memory_space<vmem>>, vector<16xi32>,
        tpu.vector_store %arg14[%swap3A_373], %get3A_195 {strides = array<i32>} : memref<20480xi32, #tpu.memory_space<vmem>>, vector<16xi32>,
        %add3A_375 = arith.constant 6 : i32
        %add3A_376 = arith.addi %add3A_78, %add3A_375 : i32
        %mul3A_377 = arith.constant 32 : i32
        %mul3A_378 = arith.muli %add3A_376, %mul3A_377 : i32
        %add3A_379 = arith.constant 16 : i32
        %add3A_380 = arith.addi %mul3A_378, %add3A_379 : i32
        %swap3A_381 = arith.index_cast %add3A_380 : i32 to index
        %swap3A_382 = tpu.vector_load %arg14[%swap3A_381] {strides = array<i32>} : memref<20480xi32, #tpu.memory_space<vmem>>, vector<16xi32>,
        tpu.vector_store %arg14[%swap3A_381], %get3A_199 {strides = array<i32>} : memref<20480xi32, #tpu.memory_space<vmem>>, vector<16xi32>,
        %add3A_383 = arith.constant 7 : i32
        %add3A_384 = arith.addi %add3A_78, %add3A_383 : i32
        %mul3A_385 = arith.constant 32 : i32
        %mul3A_386 = arith.muli %add3A_384, %mul3A_385 : i32
        %add3A_387 = arith.constant 0 : i32
        %add3A_388 = arith.addi %mul3A_386, %add3A_387 : i32
        %swap3A_389 = arith.index_cast %add3A_388 : i32 to index
        %swap3A_390 = tpu.vector_load %arg14[%swap3A_389] {strides = array<i32>} : memref<20480xi32, #tpu.memory_space<vmem>>, vector<16xi32>,
        tpu.vector_store %arg14[%swap3A_389], %get3A_203 {strides = array<i32>} : memref<20480xi32, #tpu.memory_space<vmem>>, vector<16xi32>,
        %add3A_391 = arith.constant 7 : i32
        %add3A_392 = arith.addi %add3A_78, %add3A_391 : i32
        %mul3A_393 = arith.constant 32 : i32
        %mul3A_394 = arith.muli %add3A_392, %mul3A_393 : i32
        %add3A_395 = arith.constant 16 : i32
        %add3A_396 = arith.addi %mul3A_394, %add3A_395 : i32
        %swap3A_397 = arith.index_cast %add3A_396 : i32 to index
        %swap3A_398 = tpu.vector_load %arg14[%swap3A_397] {strides = array<i32>} : memref<20480xi32, #tpu.memory_space<vmem>>, vector<16xi32>,
        tpu.vector_store %arg14[%swap3A_397], %get3A_207 {strides = array<i32>} : memref<20480xi32, #tpu.memory_space<vmem>>, vector<16xi32>,
        %add3A_399 = arith.constant 8 : i32
        %add3A_400 = arith.addi %add3A_78, %add3A_399 : i32
        %mul3A_401 = arith.constant 32 : i32
        %mul3A_402 = arith.muli %add3A_400, %mul3A_401 : i32
        %add3A_403 = arith.constant 0 : i32
        %add3A_404 = arith.addi %mul3A_402, %add3A_403 : i32
        %swap3A_405 = arith.index_cast %add3A_404 : i32 to index
        %swap3A_406 = tpu.vector_load %arg14[%swap3A_405] {strides = array<i32>} : memref<20480xi32, #tpu.memory_space<vmem>>, vector<16xi32>,
        tpu.vector_store %arg14[%swap3A_405], %get3A_211 {strides = array<i32>} : memref<20480xi32, #tpu.memory_space<vmem>>, vector<16xi32>,
        %add3A_407 = arith.constant 8 : i32
        %add3A_408 = arith.addi %add3A_78, %add3A_407 : i32
        %mul3A_409 = arith.constant 32 : i32
        %mul3A_410 = arith.muli %add3A_408, %mul3A_409 : i32
        %add3A_411 = arith.constant 16 : i32
        %add3A_412 = arith.addi %mul3A_410, %add3A_411 : i32
        %swap3A_413 = arith.index_cast %add3A_412 : i32 to index
        %swap3A_414 = tpu.vector_load %arg14[%swap3A_413] {strides = array<i32>} : memref<20480xi32, #tpu.memory_space<vmem>>, vector<16xi32>,
        tpu.vector_store %arg14[%swap3A_413], %get3A_215 {strides = array<i32>} : memref<20480xi32, #tpu.memory_space<vmem>>, vector<16xi32>,
        %add3A_415 = arith.constant 9 : i32
        %add3A_416 = arith.addi %add3A_78, %add3A_415 : i32
        %mul3A_417 = arith.constant 32 : i32
        %mul3A_418 = arith.muli %add3A_416, %mul3A_417 : i32
        %add3A_419 = arith.constant 0 : i32
        %add3A_420 = arith.addi %mul3A_418, %add3A_419 : i32
        %swap3A_421 = arith.index_cast %add3A_420 : i32 to index
        %swap3A_422 = tpu.vector_load %arg14[%swap3A_421] {strides = array<i32>} : memref<20480xi32, #tpu.memory_space<vmem>>, vector<16xi32>,
        tpu.vector_store %arg14[%swap3A_421], %get3A_219 {strides = array<i32>} : memref<20480xi32, #tpu.memory_space<vmem>>, vector<16xi32>,
        %add3A_423 = arith.constant 9 : i32
        %add3A_424 = arith.addi %add3A_78, %add3A_423 : i32
        %mul3A_425 = arith.constant 32 : i32
        %mul3A_426 = arith.muli %add3A_424, %mul3A_425 : i32
        %add3A_427 = arith.constant 16 : i32
        %add3A_428 = arith.addi %mul3A_426, %add3A_427 : i32
        %swap3A_429 = arith.index_cast %add3A_428 : i32 to index
        %swap3A_430 = tpu.vector_load %arg14[%swap3A_429] {strides = array<i32>} : memref<20480xi32, #tpu.memory_space<vmem>>, vector<16xi32>,
        tpu.vector_store %arg14[%swap3A_429], %get3A_223 {strides = array<i32>} : memref<20480xi32, #tpu.memory_space<vmem>>, vector<16xi32>,
        %add3A_431 = arith.constant 10 : i32
        %add3A_432 = arith.addi %add3A_78, %add3A_431 : i32
        %mul3A_433 = arith.constant 32 : i32
        %mul3A_434 = arith.muli %add3A_432, %mul3A_433 : i32
        %add3A_435 = arith.constant 0 : i32
        %add3A_436 = arith.addi %mul3A_434, %add3A_435 : i32
        %swap3A_437 = arith.index_cast %add3A_436 : i32 to index
        %swap3A_438 = tpu.vector_load %arg14[%swap3A_437] {strides = array<i32>} : memref<20480xi32, #tpu.memory_space<vmem>>, vector<16xi32>,
        tpu.vector_store %arg14[%swap3A_437], %get3A_227 {strides = array<i32>} : memref<20480xi32, #tpu.memory_space<vmem>>, vector<16xi32>,
        %add3A_439 = arith.constant 10 : i32
        %add3A_440 = arith.addi %add3A_78, %add3A_439 : i32
        %mul3A_441 = arith.constant 32 : i32
        %mul3A_442 = arith.muli %add3A_440, %mul3A_441 : i32
        %add3A_443 = arith.constant 16 : i32
        %add3A_444 = arith.addi %mul3A_442, %add3A_443 : i32
        %swap3A_445 = arith.index_cast %add3A_444 : i32 to index
        %swap3A_446 = tpu.vector_load %arg14[%swap3A_445] {strides = array<i32>} : memref<20480xi32, #tpu.memory_space<vmem>>, vector<16xi32>,
        tpu.vector_store %arg14[%swap3A_445], %get3A_231 {strides = array<i32>} : memref<20480xi32, #tpu.memory_space<vmem>>, vector<16xi32>,
        %add3A_447 = arith.constant 11 : i32
        %add3A_448 = arith.addi %add3A_78, %add3A_447 : i32
        %mul3A_449 = arith.constant 32 : i32
        %mul3A_450 = arith.muli %add3A_448, %mul3A_449 : i32
        %add3A_451 = arith.constant 0 : i32
        %add3A_452 = arith.addi %mul3A_450, %add3A_451 : i32
        %swap3A_453 = arith.index_cast %add3A_452 : i32 to index
        %swap3A_454 = tpu.vector_load %arg14[%swap3A_453] {strides = array<i32>} : memref<20480xi32, #tpu.memory_space<vmem>>, vector<16xi32>,
        tpu.vector_store %arg14[%swap3A_453], %get3A_235 {strides = array<i32>} : memref<20480xi32, #tpu.memory_space<vmem>>, vector<16xi32>,
        %add3A_455 = arith.constant 11 : i32
        %add3A_456 = arith.addi %add3A_78, %add3A_455 : i32
        %mul3A_457 = arith.constant 32 : i32
        %mul3A_458 = arith.muli %add3A_456, %mul3A_457 : i32
        %add3A_459 = arith.constant 16 : i32
        %add3A_460 = arith.addi %mul3A_458, %add3A_459 : i32
        %swap3A_461 = arith.index_cast %add3A_460 : i32 to index
        %swap3A_462 = tpu.vector_load %arg14[%swap3A_461] {strides = array<i32>} : memref<20480xi32, #tpu.memory_space<vmem>>, vector<16xi32>,
        tpu.vector_store %arg14[%swap3A_461], %get3A_239 {strides = array<i32>} : memref<20480xi32, #tpu.memory_space<vmem>>, vector<16xi32>,
        %add3A_463 = arith.constant 12 : i32
        %add3A_464 = arith.addi %add3A_78, %add3A_463 : i32
        %mul3A_465 = arith.constant 32 : i32
        %mul3A_466 = arith.muli %add3A_464, %mul3A_465 : i32
        %add3A_467 = arith.constant 0 : i32
        %add3A_468 = arith.addi %mul3A_466, %add3A_467 : i32
        %swap3A_469 = arith.index_cast %add3A_468 : i32 to index
        %swap3A_470 = tpu.vector_load %arg14[%swap3A_469] {strides = array<i32>} : memref<20480xi32, #tpu.memory_space<vmem>>, vector<16xi32>,
        tpu.vector_store %arg14[%swap3A_469], %get3A_243 {strides = array<i32>} : memref<20480xi32, #tpu.memory_space<vmem>>, vector<16xi32>,
        %add3A_471 = arith.constant 12 : i32
        %add3A_472 = arith.addi %add3A_78, %add3A_471 : i32
        %mul3A_473 = arith.constant 32 : i32
        %mul3A_474 = arith.muli %add3A_472, %mul3A_473 : i32
        %add3A_475 = arith.constant 16 : i32
        %add3A_476 = arith.addi %mul3A_474, %add3A_475 : i32
        %swap3A_477 = arith.index_cast %add3A_476 : i32 to index
        %swap3A_478 = tpu.vector_load %arg14[%swap3A_477] {strides = array<i32>} : memref<20480xi32, #tpu.memory_space<vmem>>, vector<16xi32>,
        tpu.vector_store %arg14[%swap3A_477], %get3A_247 {strides = array<i32>} : memref<20480xi32, #tpu.memory_space<vmem>>, vector<16xi32>,
        %add3A_479 = arith.constant 13 : i32
        %add3A_480 = arith.addi %add3A_78, %add3A_479 : i32
        %mul3A_481 = arith.constant 32 : i32
        %mul3A_482 = arith.muli %add3A_480, %mul3A_481 : i32
        %add3A_483 = arith.constant 0 : i32
        %add3A_484 = arith.addi %mul3A_482, %add3A_483 : i32
        %swap3A_485 = arith.index_cast %add3A_484 : i32 to index
        %swap3A_486 = tpu.vector_load %arg14[%swap3A_485] {strides = array<i32>} : memref<20480xi32, #tpu.memory_space<vmem>>, vector<16xi32>,
        tpu.vector_store %arg14[%swap3A_485], %get3A_251 {strides = array<i32>} : memref<20480xi32, #tpu.memory_space<vmem>>, vector<16xi32>,
        %add3A_487 = arith.constant 13 : i32
        %add3A_488 = arith.addi %add3A_78, %add3A_487 : i32
        %mul3A_489 = arith.constant 32 : i32
        %mul3A_490 = arith.muli %add3A_488, %mul3A_489 : i32
        %add3A_491 = arith.constant 16 : i32
        %add3A_492 = arith.addi %mul3A_490, %add3A_491 : i32
        %swap3A_493 = arith.index_cast %add3A_492 : i32 to index
        %swap3A_494 = tpu.vector_load %arg14[%swap3A_493] {strides = array<i32>} : memref<20480xi32, #tpu.memory_space<vmem>>, vector<16xi32>,
        tpu.vector_store %arg14[%swap3A_493], %get3A_255 {strides = array<i32>} : memref<20480xi32, #tpu.memory_space<vmem>>, vector<16xi32>,
        %add3A_495 = arith.constant 14 : i32
        %add3A_496 = arith.addi %add3A_78, %add3A_495 : i32
        %mul3A_497 = arith.constant 32 : i32
        %mul3A_498 = arith.muli %add3A_496, %mul3A_497 : i32
        %add3A_499 = arith.constant 0 : i32
        %add3A_500 = arith.addi %mul3A_498, %add3A_499 : i32
        %swap3A_501 = arith.index_cast %add3A_500 : i32 to index
        %swap3A_502 = tpu.vector_load %arg14[%swap3A_501] {strides = array<i32>} : memref<20480xi32, #tpu.memory_space<vmem>>, vector<16xi32>,
        tpu.vector_store %arg14[%swap3A_501], %get3A_259 {strides = array<i32>} : memref<20480xi32, #tpu.memory_space<vmem>>, vector<16xi32>,
        %add3A_503 = arith.constant 14 : i32
        %add3A_504 = arith.addi %add3A_78, %add3A_503 : i32
        %mul3A_505 = arith.constant 32 : i32
        %mul3A_506 = arith.muli %add3A_504, %mul3A_505 : i32
        %add3A_507 = arith.constant 16 : i32
        %add3A_508 = arith.addi %mul3A_506, %add3A_507 : i32
        %swap3A_509 = arith.index_cast %add3A_508 : i32 to index
        %swap3A_510 = tpu.vector_load %arg14[%swap3A_509] {strides = array<i32>} : memref<20480xi32, #tpu.memory_space<vmem>>, vector<16xi32>,
        tpu.vector_store %arg14[%swap3A_509], %get3A_263 {strides = array<i32>} : memref<20480xi32, #tpu.memory_space<vmem>>, vector<16xi32>,
        %add3A_511 = arith.constant 15 : i32
        %add3A_512 = arith.addi %add3A_78, %add3A_511 : i32
        %mul3A_513 = arith.constant 32 : i32
        %mul3A_514 = arith.muli %add3A_512, %mul3A_513 : i32
        %add3A_515 = arith.constant 0 : i32
        %add3A_516 = arith.addi %mul3A_514, %add3A_515 : i32
        %swap3A_517 = arith.index_cast %add3A_516 : i32 to index
        %swap3A_518 = tpu.vector_load %arg14[%swap3A_517] {strides = array<i32>} : memref<20480xi32, #tpu.memory_space<vmem>>, vector<16xi32>,
        tpu.vector_store %arg14[%swap3A_517], %get3A_267 {strides = array<i32>} : memref<20480xi32, #tpu.memory_space<vmem>>, vector<16xi32>,
        %add3A_519 = arith.constant 15 : i32
        %add3A_520 = arith.addi %add3A_78, %add3A_519 : i32
        %mul3A_521 = arith.constant 32 : i32
        %mul3A_522 = arith.muli %add3A_520, %mul3A_521 : i32
        %add3A_523 = arith.constant 16 : i32
        %add3A_524 = arith.addi %mul3A_522, %add3A_523 : i32
        %swap3A_525 = arith.index_cast %add3A_524 : i32 to index
        %swap3A_526 = tpu.vector_load %arg14[%swap3A_525] {strides = array<i32>} : memref<20480xi32, #tpu.memory_space<vmem>>, vector<16xi32>,
        tpu.vector_store %arg14[%swap3A_525], %get3A_271 {strides = array<i32>} : memref<20480xi32, #tpu.memory_space<vmem>>, vector<16xi32>,
      }
      %scan3A_54 = arith.constant 40 : i32
      %mul3A_55 = arith.constant 32 : i32
      %mul3A_56 = arith.muli %add3A_47, %mul3A_55 : i32
      %dma_start3A = tpu.memref_slice %arg9[%mul3A_56] : memref<39321600xi32, #tpu.memory_space<hbm>> -> memref<20480xi32, #tpu.memory_space<hbm>>
      %dma_start3A_57 = tpu.memref_slice %arg9[%mul3A_56] : memref<39321600xi32, #tpu.memory_space<hbm>> -> memref<20480xi32, #tpu.memory_space<hbm>>
      tpu.enqueue_dma source(%arg14 : memref<20480xi32, #tpu.memory_space<vmem>>) target(%dma_start3A_57 : memref<20480xi32, #tpu.memory_space<hbm>>) target_semaphore(%arg16 : memref<!tpu.dma_semaphore, #tpu.memory_space<semaphore_mem>>)
      %gt3A_58 = arith.constant 0 : i32
      %gt3A_59 = arith.cmpi sgt, %add3A_44, %gt3A_58 : i32
      %convert_element_type3A_60 = arith.extui %gt3A_59 : i1 to i32
      %cond3A_61 = arith.constant 0 : i32
      %cond3A_62 = arith.cmpi ne, %convert_element_type3A_60, %cond3A_61 : i32
      scf.if %cond3A_62 {
        %dma_wait3A_74 = arith.constant 0 : i32
        %dma_wait3A_75 = tpu.memref_slice %arg9[%dma_wait3A_74] : memref<39321600xi32, #tpu.memory_space<hbm>> -> memref<20480xi32, #tpu.memory_space<hbm>>
        %dma_wait3A_76 = arith.constant 0 : i32
        %dma_wait3A_77 = tpu.memref_slice %arg9[%dma_wait3A_76] : memref<39321600xi32, #tpu.memory_space<hbm>> -> memref<20480xi32, #tpu.memory_space<hbm>>
        tpu.wait_dma2 semaphore(%arg17 : memref<!tpu.dma_semaphore, #tpu.memory_space<semaphore_mem>>) src(%arg15 : memref<20480xi32, #tpu.memory_space<vmem>>) dst(%dma_wait3A_77 : memref<20480xi32, #tpu.memory_space<hbm>>)
      } else {
      }
      %scan3A_63 = arith.constant 0 : i32
      %scan3A_64 = arith.constant 40 : i32
      %scan3A_65 = arith.addi %scan3A_63, %scan3A_64 : i32
      %scan3A_66 = arith.constant 1 : i32
      scf.for %scan3A_74 = %scan3A_63 to %scan3A_65 step %scan3A_66  : i32 {
        %mul3A_75 = arith.constant 16 : i32
        %mul3A_76 = arith.muli %scan3A_74, %mul3A_75 : i32
        %add3A_77 = arith.constant 0 : i32
        %add3A_78 = arith.addi %add3A_77, %mul3A_76 : i32
        %add3A_79 = arith.constant 640 : i32
        %add3A_80 = arith.addi %add3A_79, %add3A_78 : i32
        %get3A = arith.index_cast %add3A_80 : i32 to index
        %get3A_81 = tpu.vector_load %arg13[%get3A] {strides = array<i32>} : memref<1280xi32, #tpu.memory_space<vmem>>, vector<16xi32>,
        %slice3A = vector.extract_strided_slice %get3A_81 {offsets = [0], sizes = [1], strides = [1]} : vector<16xi32> to vector<1xi32>
        %squeeze3A = vector.extract %slice3A[0] : i32 from vector<1xi32>
        %mul3A_82 = arith.constant 32 : i32
        %mul3A_83 = arith.muli %squeeze3A, %mul3A_82 : i32
        %slice3A_84 = vector.extract_strided_slice %get3A_81 {offsets = [1], sizes = [1], strides = [1]} : vector<16xi32> to vector<1xi32>
        %squeeze3A_85 = vector.extract %slice3A_84[0] : i32 from vector<1xi32>
        %mul3A_86 = arith.constant 32 : i32
        %mul3A_87 = arith.muli %squeeze3A_85, %mul3A_86 : i32
        %slice3A_88 = vector.extract_strided_slice %get3A_81 {offsets = [2], sizes = [1], strides = [1]} : vector<16xi32> to vector<1xi32>
        %squeeze3A_89 = vector.extract %slice3A_88[0] : i32 from vector<1xi32>
        %mul3A_90 = arith.constant 32 : i32
        %mul3A_91 = arith.muli %squeeze3A_89, %mul3A_90 : i32
        %slice3A_92 = vector.extract_strided_slice %get3A_81 {offsets = [3], sizes = [1], strides = [1]} : vector<16xi32> to vector<1xi32>
        %squeeze3A_93 = vector.extract %slice3A_92[0] : i32 from vector<1xi32>
        %mul3A_94 = arith.constant 32 : i32
        %mul3A_95 = arith.muli %squeeze3A_93, %mul3A_94 : i32
        %slice3A_96 = vector.extract_strided_slice %get3A_81 {offsets = [4], sizes = [1], strides = [1]} : vector<16xi32> to vector<1xi32>
        %squeeze3A_97 = vector.extract %slice3A_96[0] : i32 from vector<1xi32>
        %mul3A_98 = arith.constant 32 : i32
        %mul3A_99 = arith.muli %squeeze3A_97, %mul3A_98 : i32
        %slice3A_100 = vector.extract_strided_slice %get3A_81 {offsets = [5], sizes = [1], strides = [1]} : vector<16xi32> to vector<1xi32>
        %squeeze3A_101 = vector.extract %slice3A_100[0] : i32 from vector<1xi32>
        %mul3A_102 = arith.constant 32 : i32
        %mul3A_103 = arith.muli %squeeze3A_101, %mul3A_102 : i32
        %slice3A_104 = vector.extract_strided_slice %get3A_81 {offsets = [6], sizes = [1], strides = [1]} : vector<16xi32> to vector<1xi32>
        %squeeze3A_105 = vector.extract %slice3A_104[0] : i32 from vector<1xi32>
        %mul3A_106 = arith.constant 32 : i32
        %mul3A_107 = arith.muli %squeeze3A_105, %mul3A_106 : i32
        %slice3A_108 = vector.extract_strided_slice %get3A_81 {offsets = [7], sizes = [1], strides = [1]} : vector<16xi32> to vector<1xi32>
        %squeeze3A_109 = vector.extract %slice3A_108[0] : i32 from vector<1xi32>
        %mul3A_110 = arith.constant 32 : i32
        %mul3A_111 = arith.muli %squeeze3A_109, %mul3A_110 : i32
        %slice3A_112 = vector.extract_strided_slice %get3A_81 {offsets = [8], sizes = [1], strides = [1]} : vector<16xi32> to vector<1xi32>
        %squeeze3A_113 = vector.extract %slice3A_112[0] : i32 from vector<1xi32>
        %mul3A_114 = arith.constant 32 : i32
        %mul3A_115 = arith.muli %squeeze3A_113, %mul3A_114 : i32
        %slice3A_116 = vector.extract_strided_slice %get3A_81 {offsets = [9], sizes = [1], strides = [1]} : vector<16xi32> to vector<1xi32>
        %squeeze3A_117 = vector.extract %slice3A_116[0] : i32 from vector<1xi32>
        %mul3A_118 = arith.constant 32 : i32
        %mul3A_119 = arith.muli %squeeze3A_117, %mul3A_118 : i32
        %slice3A_120 = vector.extract_strided_slice %get3A_81 {offsets = [10], sizes = [1], strides = [1]} : vector<16xi32> to vector<1xi32>
        %squeeze3A_121 = vector.extract %slice3A_120[0] : i32 from vector<1xi32>
        %mul3A_122 = arith.constant 32 : i32
        %mul3A_123 = arith.muli %squeeze3A_121, %mul3A_122 : i32
        %slice3A_124 = vector.extract_strided_slice %get3A_81 {offsets = [11], sizes = [1], strides = [1]} : vector<16xi32> to vector<1xi32>
        %squeeze3A_125 = vector.extract %slice3A_124[0] : i32 from vector<1xi32>
        %mul3A_126 = arith.constant 32 : i32
        %mul3A_127 = arith.muli %squeeze3A_125, %mul3A_126 : i32
        %slice3A_128 = vector.extract_strided_slice %get3A_81 {offsets = [12], sizes = [1], strides = [1]} : vector<16xi32> to vector<1xi32>
        %squeeze3A_129 = vector.extract %slice3A_128[0] : i32 from vector<1xi32>
        %mul3A_130 = arith.constant 32 : i32
        %mul3A_131 = arith.muli %squeeze3A_129, %mul3A_130 : i32
        %slice3A_132 = vector.extract_strided_slice %get3A_81 {offsets = [13], sizes = [1], strides = [1]} : vector<16xi32> to vector<1xi32>
        %squeeze3A_133 = vector.extract %slice3A_132[0] : i32 from vector<1xi32>
        %mul3A_134 = arith.constant 32 : i32
        %mul3A_135 = arith.muli %squeeze3A_133, %mul3A_134 : i32
        %slice3A_136 = vector.extract_strided_slice %get3A_81 {offsets = [14], sizes = [1], strides = [1]} : vector<16xi32> to vector<1xi32>
        %squeeze3A_137 = vector.extract %slice3A_136[0] : i32 from vector<1xi32>
        %mul3A_138 = arith.constant 32 : i32
        %mul3A_139 = arith.muli %squeeze3A_137, %mul3A_138 : i32
        %slice3A_140 = vector.extract_strided_slice %get3A_81 {offsets = [15], sizes = [1], strides = [1]} : vector<16xi32> to vector<1xi32>
        %squeeze3A_141 = vector.extract %slice3A_140[0] : i32 from vector<1xi32>
        %mul3A_142 = arith.constant 32 : i32
        %mul3A_143 = arith.muli %squeeze3A_141, %mul3A_142 : i32
        %add3A_144 = arith.constant 0 : i32
        %add3A_145 = arith.addi %mul3A_83, %add3A_144 : i32
        %get3A_146 = arith.index_cast %add3A_145 : i32 to index
        %get3A_147 = tpu.vector_load %arg11[%get3A_146] {strides = array<i32>} : memref<32032xi32, #tpu.memory_space<vmem>>, vector<16xi32>,
        %add3A_148 = arith.constant 16 : i32
        %add3A_149 = arith.addi %mul3A_83, %add3A_148 : i32
        %get3A_150 = arith.index_cast %add3A_149 : i32 to index
        %get3A_151 = tpu.vector_load %arg11[%get3A_150] {strides = array<i32>} : memref<32032xi32, #tpu.memory_space<vmem>>, vector<16xi32>,
        %add3A_152 = arith.constant 0 : i32
        %add3A_153 = arith.addi %mul3A_87, %add3A_152 : i32
        %get3A_154 = arith.index_cast %add3A_153 : i32 to index
        %get3A_155 = tpu.vector_load %arg11[%get3A_154] {strides = array<i32>} : memref<32032xi32, #tpu.memory_space<vmem>>, vector<16xi32>,
        %add3A_156 = arith.constant 16 : i32
        %add3A_157 = arith.addi %mul3A_87, %add3A_156 : i32
        %get3A_158 = arith.index_cast %add3A_157 : i32 to index
        %get3A_159 = tpu.vector_load %arg11[%get3A_158] {strides = array<i32>} : memref<32032xi32, #tpu.memory_space<vmem>>, vector<16xi32>,
        %add3A_160 = arith.constant 0 : i32
        %add3A_161 = arith.addi %mul3A_91, %add3A_160 : i32
        %get3A_162 = arith.index_cast %add3A_161 : i32 to index
        %get3A_163 = tpu.vector_load %arg11[%get3A_162] {strides = array<i32>} : memref<32032xi32, #tpu.memory_space<vmem>>, vector<16xi32>,
        %add3A_164 = arith.constant 16 : i32
        %add3A_165 = arith.addi %mul3A_91, %add3A_164 : i32
        %get3A_166 = arith.index_cast %add3A_165 : i32 to index
        %get3A_167 = tpu.vector_load %arg11[%get3A_166] {strides = array<i32>} : memref<32032xi32, #tpu.memory_space<vmem>>, vector<16xi32>,
        %add3A_168 = arith.constant 0 : i32
        %add3A_169 = arith.addi %mul3A_95, %add3A_168 : i32
        %get3A_170 = arith.index_cast %add3A_169 : i32 to index
        %get3A_171 = tpu.vector_load %arg11[%get3A_170] {strides = array<i32>} : memref<32032xi32, #tpu.memory_space<vmem>>, vector<16xi32>,
        %add3A_172 = arith.constant 16 : i32
        %add3A_173 = arith.addi %mul3A_95, %add3A_172 : i32
        %get3A_174 = arith.index_cast %add3A_173 : i32 to index
        %get3A_175 = tpu.vector_load %arg11[%get3A_174] {strides = array<i32>} : memref<32032xi32, #tpu.memory_space<vmem>>, vector<16xi32>,
        %add3A_176 = arith.constant 0 : i32
        %add3A_177 = arith.addi %mul3A_99, %add3A_176 : i32
        %get3A_178 = arith.index_cast %add3A_177 : i32 to index
        %get3A_179 = tpu.vector_load %arg11[%get3A_178] {strides = array<i32>} : memref<32032xi32, #tpu.memory_space<vmem>>, vector<16xi32>,
        %add3A_180 = arith.constant 16 : i32
        %add3A_181 = arith.addi %mul3A_99, %add3A_180 : i32
        %get3A_182 = arith.index_cast %add3A_181 : i32 to index
        %get3A_183 = tpu.vector_load %arg11[%get3A_182] {strides = array<i32>} : memref<32032xi32, #tpu.memory_space<vmem>>, vector<16xi32>,
        %add3A_184 = arith.constant 0 : i32
        %add3A_185 = arith.addi %mul3A_103, %add3A_184 : i32
        %get3A_186 = arith.index_cast %add3A_185 : i32 to index
        %get3A_187 = tpu.vector_load %arg11[%get3A_186] {strides = array<i32>} : memref<32032xi32, #tpu.memory_space<vmem>>, vector<16xi32>,
        %add3A_188 = arith.constant 16 : i32
        %add3A_189 = arith.addi %mul3A_103, %add3A_188 : i32
        %get3A_190 = arith.index_cast %add3A_189 : i32 to index
        %get3A_191 = tpu.vector_load %arg11[%get3A_190] {strides = array<i32>} : memref<32032xi32, #tpu.memory_space<vmem>>, vector<16xi32>,
        %add3A_192 = arith.constant 0 : i32
        %add3A_193 = arith.addi %mul3A_107, %add3A_192 : i32
        %get3A_194 = arith.index_cast %add3A_193 : i32 to index
        %get3A_195 = tpu.vector_load %arg11[%get3A_194] {strides = array<i32>} : memref<32032xi32, #tpu.memory_space<vmem>>, vector<16xi32>,
        %add3A_196 = arith.constant 16 : i32
        %add3A_197 = arith.addi %mul3A_107, %add3A_196 : i32
        %get3A_198 = arith.index_cast %add3A_197 : i32 to index
        %get3A_199 = tpu.vector_load %arg11[%get3A_198] {strides = array<i32>} : memref<32032xi32, #tpu.memory_space<vmem>>, vector<16xi32>,
        %add3A_200 = arith.constant 0 : i32
        %add3A_201 = arith.addi %mul3A_111, %add3A_200 : i32
        %get3A_202 = arith.index_cast %add3A_201 : i32 to index
        %get3A_203 = tpu.vector_load %arg11[%get3A_202] {strides = array<i32>} : memref<32032xi32, #tpu.memory_space<vmem>>, vector<16xi32>,
        %add3A_204 = arith.constant 16 : i32
        %add3A_205 = arith.addi %mul3A_111, %add3A_204 : i32
        %get3A_206 = arith.index_cast %add3A_205 : i32 to index
        %get3A_207 = tpu.vector_load %arg11[%get3A_206] {strides = array<i32>} : memref<32032xi32, #tpu.memory_space<vmem>>, vector<16xi32>,
        %add3A_208 = arith.constant 0 : i32
        %add3A_209 = arith.addi %mul3A_115, %add3A_208 : i32
        %get3A_210 = arith.index_cast %add3A_209 : i32 to index
        %get3A_211 = tpu.vector_load %arg11[%get3A_210] {strides = array<i32>} : memref<32032xi32, #tpu.memory_space<vmem>>, vector<16xi32>,
        %add3A_212 = arith.constant 16 : i32
        %add3A_213 = arith.addi %mul3A_115, %add3A_212 : i32
        %get3A_214 = arith.index_cast %add3A_213 : i32 to index
        %get3A_215 = tpu.vector_load %arg11[%get3A_214] {strides = array<i32>} : memref<32032xi32, #tpu.memory_space<vmem>>, vector<16xi32>,
        %add3A_216 = arith.constant 0 : i32
        %add3A_217 = arith.addi %mul3A_119, %add3A_216 : i32
        %get3A_218 = arith.index_cast %add3A_217 : i32 to index
        %get3A_219 = tpu.vector_load %arg11[%get3A_218] {strides = array<i32>} : memref<32032xi32, #tpu.memory_space<vmem>>, vector<16xi32>,
        %add3A_220 = arith.constant 16 : i32
        %add3A_221 = arith.addi %mul3A_119, %add3A_220 : i32
        %get3A_222 = arith.index_cast %add3A_221 : i32 to index
        %get3A_223 = tpu.vector_load %arg11[%get3A_222] {strides = array<i32>} : memref<32032xi32, #tpu.memory_space<vmem>>, vector<16xi32>,
        %add3A_224 = arith.constant 0 : i32
        %add3A_225 = arith.addi %mul3A_123, %add3A_224 : i32
        %get3A_226 = arith.index_cast %add3A_225 : i32 to index
        %get3A_227 = tpu.vector_load %arg11[%get3A_226] {strides = array<i32>} : memref<32032xi32, #tpu.memory_space<vmem>>, vector<16xi32>,
        %add3A_228 = arith.constant 16 : i32
        %add3A_229 = arith.addi %mul3A_123, %add3A_228 : i32
        %get3A_230 = arith.index_cast %add3A_229 : i32 to index
        %get3A_231 = tpu.vector_load %arg11[%get3A_230] {strides = array<i32>} : memref<32032xi32, #tpu.memory_space<vmem>>, vector<16xi32>,
        %add3A_232 = arith.constant 0 : i32
        %add3A_233 = arith.addi %mul3A_127, %add3A_232 : i32
        %get3A_234 = arith.index_cast %add3A_233 : i32 to index
        %get3A_235 = tpu.vector_load %arg11[%get3A_234] {strides = array<i32>} : memref<32032xi32, #tpu.memory_space<vmem>>, vector<16xi32>,
        %add3A_236 = arith.constant 16 : i32
        %add3A_237 = arith.addi %mul3A_127, %add3A_236 : i32
        %get3A_238 = arith.index_cast %add3A_237 : i32 to index
        %get3A_239 = tpu.vector_load %arg11[%get3A_238] {strides = array<i32>} : memref<32032xi32, #tpu.memory_space<vmem>>, vector<16xi32>,
        %add3A_240 = arith.constant 0 : i32
        %add3A_241 = arith.addi %mul3A_131, %add3A_240 : i32
        %get3A_242 = arith.index_cast %add3A_241 : i32 to index
        %get3A_243 = tpu.vector_load %arg11[%get3A_242] {strides = array<i32>} : memref<32032xi32, #tpu.memory_space<vmem>>, vector<16xi32>,
        %add3A_244 = arith.constant 16 : i32
        %add3A_245 = arith.addi %mul3A_131, %add3A_244 : i32
        %get3A_246 = arith.index_cast %add3A_245 : i32 to index
        %get3A_247 = tpu.vector_load %arg11[%get3A_246] {strides = array<i32>} : memref<32032xi32, #tpu.memory_space<vmem>>, vector<16xi32>,
        %add3A_248 = arith.constant 0 : i32
        %add3A_249 = arith.addi %mul3A_135, %add3A_248 : i32
        %get3A_250 = arith.index_cast %add3A_249 : i32 to index
        %get3A_251 = tpu.vector_load %arg11[%get3A_250] {strides = array<i32>} : memref<32032xi32, #tpu.memory_space<vmem>>, vector<16xi32>,
        %add3A_252 = arith.constant 16 : i32
        %add3A_253 = arith.addi %mul3A_135, %add3A_252 : i32
        %get3A_254 = arith.index_cast %add3A_253 : i32 to index
        %get3A_255 = tpu.vector_load %arg11[%get3A_254] {strides = array<i32>} : memref<32032xi32, #tpu.memory_space<vmem>>, vector<16xi32>,
        %add3A_256 = arith.constant 0 : i32
        %add3A_257 = arith.addi %mul3A_139, %add3A_256 : i32
        %get3A_258 = arith.index_cast %add3A_257 : i32 to index
        %get3A_259 = tpu.vector_load %arg11[%get3A_258] {strides = array<i32>} : memref<32032xi32, #tpu.memory_space<vmem>>, vector<16xi32>,
        %add3A_260 = arith.constant 16 : i32
        %add3A_261 = arith.addi %mul3A_139, %add3A_260 : i32
        %get3A_262 = arith.index_cast %add3A_261 : i32 to index
        %get3A_263 = tpu.vector_load %arg11[%get3A_262] {strides = array<i32>} : memref<32032xi32, #tpu.memory_space<vmem>>, vector<16xi32>,
        %add3A_264 = arith.constant 0 : i32
        %add3A_265 = arith.addi %mul3A_143, %add3A_264 : i32
        %get3A_266 = arith.index_cast %add3A_265 : i32 to index
        %get3A_267 = tpu.vector_load %arg11[%get3A_266] {strides = array<i32>} : memref<32032xi32, #tpu.memory_space<vmem>>, vector<16xi32>,
        %add3A_268 = arith.constant 16 : i32
        %add3A_269 = arith.addi %mul3A_143, %add3A_268 : i32
        %get3A_270 = arith.index_cast %add3A_269 : i32 to index
        %get3A_271 = tpu.vector_load %arg11[%get3A_270] {strides = array<i32>} : memref<32032xi32, #tpu.memory_space<vmem>>, vector<16xi32>,
        %add3A_272 = arith.constant 0 : i32
        %add3A_273 = arith.addi %add3A_78, %add3A_272 : i32
        %mul3A_274 = arith.constant 32 : i32
        %mul3A_275 = arith.muli %add3A_273, %mul3A_274 : i32
        %add3A_276 = arith.constant 0 : i32
        %add3A_277 = arith.addi %mul3A_275, %add3A_276 : i32
        %swap3A = arith.index_cast %add3A_277 : i32 to index
        %swap3A_278 = tpu.vector_load %arg15[%swap3A] {strides = array<i32>} : memref<20480xi32, #tpu.memory_space<vmem>>, vector<16xi32>,
        tpu.vector_store %arg15[%swap3A], %get3A_147 {strides = array<i32>} : memref<20480xi32, #tpu.memory_space<vmem>>, vector<16xi32>,
        %add3A_279 = arith.constant 0 : i32
        %add3A_280 = arith.addi %add3A_78, %add3A_279 : i32
        %mul3A_281 = arith.constant 32 : i32
        %mul3A_282 = arith.muli %add3A_280, %mul3A_281 : i32
        %add3A_283 = arith.constant 16 : i32
        %add3A_284 = arith.addi %mul3A_282, %add3A_283 : i32
        %swap3A_285 = arith.index_cast %add3A_284 : i32 to index
        %swap3A_286 = tpu.vector_load %arg15[%swap3A_285] {strides = array<i32>} : memref<20480xi32, #tpu.memory_space<vmem>>, vector<16xi32>,
        tpu.vector_store %arg15[%swap3A_285], %get3A_151 {strides = array<i32>} : memref<20480xi32, #tpu.memory_space<vmem>>, vector<16xi32>,
        %add3A_287 = arith.constant 1 : i32
        %add3A_288 = arith.addi %add3A_78, %add3A_287 : i32
        %mul3A_289 = arith.constant 32 : i32
        %mul3A_290 = arith.muli %add3A_288, %mul3A_289 : i32
        %add3A_291 = arith.constant 0 : i32
        %add3A_292 = arith.addi %mul3A_290, %add3A_291 : i32
        %swap3A_293 = arith.index_cast %add3A_292 : i32 to index
        %swap3A_294 = tpu.vector_load %arg15[%swap3A_293] {strides = array<i32>} : memref<20480xi32, #tpu.memory_space<vmem>>, vector<16xi32>,
        tpu.vector_store %arg15[%swap3A_293], %get3A_155 {strides = array<i32>} : memref<20480xi32, #tpu.memory_space<vmem>>, vector<16xi32>,
        %add3A_295 = arith.constant 1 : i32
        %add3A_296 = arith.addi %add3A_78, %add3A_295 : i32
        %mul3A_297 = arith.constant 32 : i32
        %mul3A_298 = arith.muli %add3A_296, %mul3A_297 : i32
        %add3A_299 = arith.constant 16 : i32
        %add3A_300 = arith.addi %mul3A_298, %add3A_299 : i32
        %swap3A_301 = arith.index_cast %add3A_300 : i32 to index
        %swap3A_302 = tpu.vector_load %arg15[%swap3A_301] {strides = array<i32>} : memref<20480xi32, #tpu.memory_space<vmem>>, vector<16xi32>,
        tpu.vector_store %arg15[%swap3A_301], %get3A_159 {strides = array<i32>} : memref<20480xi32, #tpu.memory_space<vmem>>, vector<16xi32>,
        %add3A_303 = arith.constant 2 : i32
        %add3A_304 = arith.addi %add3A_78, %add3A_303 : i32
        %mul3A_305 = arith.constant 32 : i32
        %mul3A_306 = arith.muli %add3A_304, %mul3A_305 : i32
        %add3A_307 = arith.constant 0 : i32
        %add3A_308 = arith.addi %mul3A_306, %add3A_307 : i32
        %swap3A_309 = arith.index_cast %add3A_308 : i32 to index
        %swap3A_310 = tpu.vector_load %arg15[%swap3A_309] {strides = array<i32>} : memref<20480xi32, #tpu.memory_space<vmem>>, vector<16xi32>,
        tpu.vector_store %arg15[%swap3A_309], %get3A_163 {strides = array<i32>} : memref<20480xi32, #tpu.memory_space<vmem>>, vector<16xi32>,
        %add3A_311 = arith.constant 2 : i32
        %add3A_312 = arith.addi %add3A_78, %add3A_311 : i32
        %mul3A_313 = arith.constant 32 : i32
        %mul3A_314 = arith.muli %add3A_312, %mul3A_313 : i32
        %add3A_315 = arith.constant 16 : i32
        %add3A_316 = arith.addi %mul3A_314, %add3A_315 : i32
        %swap3A_317 = arith.index_cast %add3A_316 : i32 to index
        %swap3A_318 = tpu.vector_load %arg15[%swap3A_317] {strides = array<i32>} : memref<20480xi32, #tpu.memory_space<vmem>>, vector<16xi32>,
        tpu.vector_store %arg15[%swap3A_317], %get3A_167 {strides = array<i32>} : memref<20480xi32, #tpu.memory_space<vmem>>, vector<16xi32>,
        %add3A_319 = arith.constant 3 : i32
        %add3A_320 = arith.addi %add3A_78, %add3A_319 : i32
        %mul3A_321 = arith.constant 32 : i32
        %mul3A_322 = arith.muli %add3A_320, %mul3A_321 : i32
        %add3A_323 = arith.constant 0 : i32
        %add3A_324 = arith.addi %mul3A_322, %add3A_323 : i32
        %swap3A_325 = arith.index_cast %add3A_324 : i32 to index
        %swap3A_326 = tpu.vector_load %arg15[%swap3A_325] {strides = array<i32>} : memref<20480xi32, #tpu.memory_space<vmem>>, vector<16xi32>,
        tpu.vector_store %arg15[%swap3A_325], %get3A_171 {strides = array<i32>} : memref<20480xi32, #tpu.memory_space<vmem>>, vector<16xi32>,
        %add3A_327 = arith.constant 3 : i32
        %add3A_328 = arith.addi %add3A_78, %add3A_327 : i32
        %mul3A_329 = arith.constant 32 : i32
        %mul3A_330 = arith.muli %add3A_328, %mul3A_329 : i32
        %add3A_331 = arith.constant 16 : i32
        %add3A_332 = arith.addi %mul3A_330, %add3A_331 : i32
        %swap3A_333 = arith.index_cast %add3A_332 : i32 to index
        %swap3A_334 = tpu.vector_load %arg15[%swap3A_333] {strides = array<i32>} : memref<20480xi32, #tpu.memory_space<vmem>>, vector<16xi32>,
        tpu.vector_store %arg15[%swap3A_333], %get3A_175 {strides = array<i32>} : memref<20480xi32, #tpu.memory_space<vmem>>, vector<16xi32>,
        %add3A_335 = arith.constant 4 : i32
        %add3A_336 = arith.addi %add3A_78, %add3A_335 : i32
        %mul3A_337 = arith.constant 32 : i32
        %mul3A_338 = arith.muli %add3A_336, %mul3A_337 : i32
        %add3A_339 = arith.constant 0 : i32
        %add3A_340 = arith.addi %mul3A_338, %add3A_339 : i32
        %swap3A_341 = arith.index_cast %add3A_340 : i32 to index
        %swap3A_342 = tpu.vector_load %arg15[%swap3A_341] {strides = array<i32>} : memref<20480xi32, #tpu.memory_space<vmem>>, vector<16xi32>,
        tpu.vector_store %arg15[%swap3A_341], %get3A_179 {strides = array<i32>} : memref<20480xi32, #tpu.memory_space<vmem>>, vector<16xi32>,
        %add3A_343 = arith.constant 4 : i32
        %add3A_344 = arith.addi %add3A_78, %add3A_343 : i32
        %mul3A_345 = arith.constant 32 : i32
        %mul3A_346 = arith.muli %add3A_344, %mul3A_345 : i32
        %add3A_347 = arith.constant 16 : i32
        %add3A_348 = arith.addi %mul3A_346, %add3A_347 : i32
        %swap3A_349 = arith.index_cast %add3A_348 : i32 to index
        %swap3A_350 = tpu.vector_load %arg15[%swap3A_349] {strides = array<i32>} : memref<20480xi32, #tpu.memory_space<vmem>>, vector<16xi32>,
        tpu.vector_store %arg15[%swap3A_349], %get3A_183 {strides = array<i32>} : memref<20480xi32, #tpu.memory_space<vmem>>, vector<16xi32>,
        %add3A_351 = arith.constant 5 : i32
        %add3A_352 = arith.addi %add3A_78, %add3A_351 : i32
        %mul3A_353 = arith.constant 32 : i32
        %mul3A_354 = arith.muli %add3A_352, %mul3A_353 : i32
        %add3A_355 = arith.constant 0 : i32
        %add3A_356 = arith.addi %mul3A_354, %add3A_355 : i32
        %swap3A_357 = arith.index_cast %add3A_356 : i32 to index
        %swap3A_358 = tpu.vector_load %arg15[%swap3A_357] {strides = array<i32>} : memref<20480xi32, #tpu.memory_space<vmem>>, vector<16xi32>,
        tpu.vector_store %arg15[%swap3A_357], %get3A_187 {strides = array<i32>} : memref<20480xi32, #tpu.memory_space<vmem>>, vector<16xi32>,
        %add3A_359 = arith.constant 5 : i32
        %add3A_360 = arith.addi %add3A_78, %add3A_359 : i32
        %mul3A_361 = arith.constant 32 : i32
        %mul3A_362 = arith.muli %add3A_360, %mul3A_361 : i32
        %add3A_363 = arith.constant 16 : i32
        %add3A_364 = arith.addi %mul3A_362, %add3A_363 : i32
        %swap3A_365 = arith.index_cast %add3A_364 : i32 to index
        %swap3A_366 = tpu.vector_load %arg15[%swap3A_365] {strides = array<i32>} : memref<20480xi32, #tpu.memory_space<vmem>>, vector<16xi32>,
        tpu.vector_store %arg15[%swap3A_365], %get3A_191 {strides = array<i32>} : memref<20480xi32, #tpu.memory_space<vmem>>, vector<16xi32>,
        %add3A_367 = arith.constant 6 : i32
        %add3A_368 = arith.addi %add3A_78, %add3A_367 : i32
        %mul3A_369 = arith.constant 32 : i32
        %mul3A_370 = arith.muli %add3A_368, %mul3A_369 : i32
        %add3A_371 = arith.constant 0 : i32
        %add3A_372 = arith.addi %mul3A_370, %add3A_371 : i32
        %swap3A_373 = arith.index_cast %add3A_372 : i32 to index
        %swap3A_374 = tpu.vector_load %arg15[%swap3A_373] {strides = array<i32>} : memref<20480xi32, #tpu.memory_space<vmem>>, vector<16xi32>,
        tpu.vector_store %arg15[%swap3A_373], %get3A_195 {strides = array<i32>} : memref<20480xi32, #tpu.memory_space<vmem>>, vector<16xi32>,
        %add3A_375 = arith.constant 6 : i32
        %add3A_376 = arith.addi %add3A_78, %add3A_375 : i32
        %mul3A_377 = arith.constant 32 : i32
        %mul3A_378 = arith.muli %add3A_376, %mul3A_377 : i32
        %add3A_379 = arith.constant 16 : i32
        %add3A_380 = arith.addi %mul3A_378, %add3A_379 : i32
        %swap3A_381 = arith.index_cast %add3A_380 : i32 to index
        %swap3A_382 = tpu.vector_load %arg15[%swap3A_381] {strides = array<i32>} : memref<20480xi32, #tpu.memory_space<vmem>>, vector<16xi32>,
        tpu.vector_store %arg15[%swap3A_381], %get3A_199 {strides = array<i32>} : memref<20480xi32, #tpu.memory_space<vmem>>, vector<16xi32>,
        %add3A_383 = arith.constant 7 : i32
        %add3A_384 = arith.addi %add3A_78, %add3A_383 : i32
        %mul3A_385 = arith.constant 32 : i32
        %mul3A_386 = arith.muli %add3A_384, %mul3A_385 : i32
        %add3A_387 = arith.constant 0 : i32
        %add3A_388 = arith.addi %mul3A_386, %add3A_387 : i32
        %swap3A_389 = arith.index_cast %add3A_388 : i32 to index
        %swap3A_390 = tpu.vector_load %arg15[%swap3A_389] {strides = array<i32>} : memref<20480xi32, #tpu.memory_space<vmem>>, vector<16xi32>,
        tpu.vector_store %arg15[%swap3A_389], %get3A_203 {strides = array<i32>} : memref<20480xi32, #tpu.memory_space<vmem>>, vector<16xi32>,
        %add3A_391 = arith.constant 7 : i32
        %add3A_392 = arith.addi %add3A_78, %add3A_391 : i32
        %mul3A_393 = arith.constant 32 : i32
        %mul3A_394 = arith.muli %add3A_392, %mul3A_393 : i32
        %add3A_395 = arith.constant 16 : i32
        %add3A_396 = arith.addi %mul3A_394, %add3A_395 : i32
        %swap3A_397 = arith.index_cast %add3A_396 : i32 to index
        %swap3A_398 = tpu.vector_load %arg15[%swap3A_397] {strides = array<i32>} : memref<20480xi32, #tpu.memory_space<vmem>>, vector<16xi32>,
        tpu.vector_store %arg15[%swap3A_397], %get3A_207 {strides = array<i32>} : memref<20480xi32, #tpu.memory_space<vmem>>, vector<16xi32>,
        %add3A_399 = arith.constant 8 : i32
        %add3A_400 = arith.addi %add3A_78, %add3A_399 : i32
        %mul3A_401 = arith.constant 32 : i32
        %mul3A_402 = arith.muli %add3A_400, %mul3A_401 : i32
        %add3A_403 = arith.constant 0 : i32
        %add3A_404 = arith.addi %mul3A_402, %add3A_403 : i32
        %swap3A_405 = arith.index_cast %add3A_404 : i32 to index
        %swap3A_406 = tpu.vector_load %arg15[%swap3A_405] {strides = array<i32>} : memref<20480xi32, #tpu.memory_space<vmem>>, vector<16xi32>,
        tpu.vector_store %arg15[%swap3A_405], %get3A_211 {strides = array<i32>} : memref<20480xi32, #tpu.memory_space<vmem>>, vector<16xi32>,
        %add3A_407 = arith.constant 8 : i32
        %add3A_408 = arith.addi %add3A_78, %add3A_407 : i32
        %mul3A_409 = arith.constant 32 : i32
        %mul3A_410 = arith.muli %add3A_408, %mul3A_409 : i32
        %add3A_411 = arith.constant 16 : i32
        %add3A_412 = arith.addi %mul3A_410, %add3A_411 : i32
        %swap3A_413 = arith.index_cast %add3A_412 : i32 to index
        %swap3A_414 = tpu.vector_load %arg15[%swap3A_413] {strides = array<i32>} : memref<20480xi32, #tpu.memory_space<vmem>>, vector<16xi32>,
        tpu.vector_store %arg15[%swap3A_413], %get3A_215 {strides = array<i32>} : memref<20480xi32, #tpu.memory_space<vmem>>, vector<16xi32>,
        %add3A_415 = arith.constant 9 : i32
        %add3A_416 = arith.addi %add3A_78, %add3A_415 : i32
        %mul3A_417 = arith.constant 32 : i32
        %mul3A_418 = arith.muli %add3A_416, %mul3A_417 : i32
        %add3A_419 = arith.constant 0 : i32
        %add3A_420 = arith.addi %mul3A_418, %add3A_419 : i32
        %swap3A_421 = arith.index_cast %add3A_420 : i32 to index
        %swap3A_422 = tpu.vector_load %arg15[%swap3A_421] {strides = array<i32>} : memref<20480xi32, #tpu.memory_space<vmem>>, vector<16xi32>,
        tpu.vector_store %arg15[%swap3A_421], %get3A_219 {strides = array<i32>} : memref<20480xi32, #tpu.memory_space<vmem>>, vector<16xi32>,
        %add3A_423 = arith.constant 9 : i32
        %add3A_424 = arith.addi %add3A_78, %add3A_423 : i32
        %mul3A_425 = arith.constant 32 : i32
        %mul3A_426 = arith.muli %add3A_424, %mul3A_425 : i32
        %add3A_427 = arith.constant 16 : i32
        %add3A_428 = arith.addi %mul3A_426, %add3A_427 : i32
        %swap3A_429 = arith.index_cast %add3A_428 : i32 to index
        %swap3A_430 = tpu.vector_load %arg15[%swap3A_429] {strides = array<i32>} : memref<20480xi32, #tpu.memory_space<vmem>>, vector<16xi32>,
        tpu.vector_store %arg15[%swap3A_429], %get3A_223 {strides = array<i32>} : memref<20480xi32, #tpu.memory_space<vmem>>, vector<16xi32>,
        %add3A_431 = arith.constant 10 : i32
        %add3A_432 = arith.addi %add3A_78, %add3A_431 : i32
        %mul3A_433 = arith.constant 32 : i32
        %mul3A_434 = arith.muli %add3A_432, %mul3A_433 : i32
        %add3A_435 = arith.constant 0 : i32
        %add3A_436 = arith.addi %mul3A_434, %add3A_435 : i32
        %swap3A_437 = arith.index_cast %add3A_436 : i32 to index
        %swap3A_438 = tpu.vector_load %arg15[%swap3A_437] {strides = array<i32>} : memref<20480xi32, #tpu.memory_space<vmem>>, vector<16xi32>,
        tpu.vector_store %arg15[%swap3A_437], %get3A_227 {strides = array<i32>} : memref<20480xi32, #tpu.memory_space<vmem>>, vector<16xi32>,
        %add3A_439 = arith.constant 10 : i32
        %add3A_440 = arith.addi %add3A_78, %add3A_439 : i32
        %mul3A_441 = arith.constant 32 : i32
        %mul3A_442 = arith.muli %add3A_440, %mul3A_441 : i32
        %add3A_443 = arith.constant 16 : i32
        %add3A_444 = arith.addi %mul3A_442, %add3A_443 : i32
        %swap3A_445 = arith.index_cast %add3A_444 : i32 to index
        %swap3A_446 = tpu.vector_load %arg15[%swap3A_445] {strides = array<i32>} : memref<20480xi32, #tpu.memory_space<vmem>>, vector<16xi32>,
        tpu.vector_store %arg15[%swap3A_445], %get3A_231 {strides = array<i32>} : memref<20480xi32, #tpu.memory_space<vmem>>, vector<16xi32>,
        %add3A_447 = arith.constant 11 : i32
        %add3A_448 = arith.addi %add3A_78, %add3A_447 : i32
        %mul3A_449 = arith.constant 32 : i32
        %mul3A_450 = arith.muli %add3A_448, %mul3A_449 : i32
        %add3A_451 = arith.constant 0 : i32
        %add3A_452 = arith.addi %mul3A_450, %add3A_451 : i32
        %swap3A_453 = arith.index_cast %add3A_452 : i32 to index
        %swap3A_454 = tpu.vector_load %arg15[%swap3A_453] {strides = array<i32>} : memref<20480xi32, #tpu.memory_space<vmem>>, vector<16xi32>,
        tpu.vector_store %arg15[%swap3A_453], %get3A_235 {strides = array<i32>} : memref<20480xi32, #tpu.memory_space<vmem>>, vector<16xi32>,
        %add3A_455 = arith.constant 11 : i32
        %add3A_456 = arith.addi %add3A_78, %add3A_455 : i32
        %mul3A_457 = arith.constant 32 : i32
        %mul3A_458 = arith.muli %add3A_456, %mul3A_457 : i32
        %add3A_459 = arith.constant 16 : i32
        %add3A_460 = arith.addi %mul3A_458, %add3A_459 : i32
        %swap3A_461 = arith.index_cast %add3A_460 : i32 to index
        %swap3A_462 = tpu.vector_load %arg15[%swap3A_461] {strides = array<i32>} : memref<20480xi32, #tpu.memory_space<vmem>>, vector<16xi32>,
        tpu.vector_store %arg15[%swap3A_461], %get3A_239 {strides = array<i32>} : memref<20480xi32, #tpu.memory_space<vmem>>, vector<16xi32>,
        %add3A_463 = arith.constant 12 : i32
        %add3A_464 = arith.addi %add3A_78, %add3A_463 : i32
        %mul3A_465 = arith.constant 32 : i32
        %mul3A_466 = arith.muli %add3A_464, %mul3A_465 : i32
        %add3A_467 = arith.constant 0 : i32
        %add3A_468 = arith.addi %mul3A_466, %add3A_467 : i32
        %swap3A_469 = arith.index_cast %add3A_468 : i32 to index
        %swap3A_470 = tpu.vector_load %arg15[%swap3A_469] {strides = array<i32>} : memref<20480xi32, #tpu.memory_space<vmem>>, vector<16xi32>,
        tpu.vector_store %arg15[%swap3A_469], %get3A_243 {strides = array<i32>} : memref<20480xi32, #tpu.memory_space<vmem>>, vector<16xi32>,
        %add3A_471 = arith.constant 12 : i32
        %add3A_472 = arith.addi %add3A_78, %add3A_471 : i32
        %mul3A_473 = arith.constant 32 : i32
        %mul3A_474 = arith.muli %add3A_472, %mul3A_473 : i32
        %add3A_475 = arith.constant 16 : i32
        %add3A_476 = arith.addi %mul3A_474, %add3A_475 : i32
        %swap3A_477 = arith.index_cast %add3A_476 : i32 to index
        %swap3A_478 = tpu.vector_load %arg15[%swap3A_477] {strides = array<i32>} : memref<20480xi32, #tpu.memory_space<vmem>>, vector<16xi32>,
        tpu.vector_store %arg15[%swap3A_477], %get3A_247 {strides = array<i32>} : memref<20480xi32, #tpu.memory_space<vmem>>, vector<16xi32>,
        %add3A_479 = arith.constant 13 : i32
        %add3A_480 = arith.addi %add3A_78, %add3A_479 : i32
        %mul3A_481 = arith.constant 32 : i32
        %mul3A_482 = arith.muli %add3A_480, %mul3A_481 : i32
        %add3A_483 = arith.constant 0 : i32
        %add3A_484 = arith.addi %mul3A_482, %add3A_483 : i32
        %swap3A_485 = arith.index_cast %add3A_484 : i32 to index
        %swap3A_486 = tpu.vector_load %arg15[%swap3A_485] {strides = array<i32>} : memref<20480xi32, #tpu.memory_space<vmem>>, vector<16xi32>,
        tpu.vector_store %arg15[%swap3A_485], %get3A_251 {strides = array<i32>} : memref<20480xi32, #tpu.memory_space<vmem>>, vector<16xi32>,
        %add3A_487 = arith.constant 13 : i32
        %add3A_488 = arith.addi %add3A_78, %add3A_487 : i32
        %mul3A_489 = arith.constant 32 : i32
        %mul3A_490 = arith.muli %add3A_488, %mul3A_489 : i32
        %add3A_491 = arith.constant 16 : i32
        %add3A_492 = arith.addi %mul3A_490, %add3A_491 : i32
        %swap3A_493 = arith.index_cast %add3A_492 : i32 to index
        %swap3A_494 = tpu.vector_load %arg15[%swap3A_493] {strides = array<i32>} : memref<20480xi32, #tpu.memory_space<vmem>>, vector<16xi32>,
        tpu.vector_store %arg15[%swap3A_493], %get3A_255 {strides = array<i32>} : memref<20480xi32, #tpu.memory_space<vmem>>, vector<16xi32>,
        %add3A_495 = arith.constant 14 : i32
        %add3A_496 = arith.addi %add3A_78, %add3A_495 : i32
        %mul3A_497 = arith.constant 32 : i32
        %mul3A_498 = arith.muli %add3A_496, %mul3A_497 : i32
        %add3A_499 = arith.constant 0 : i32
        %add3A_500 = arith.addi %mul3A_498, %add3A_499 : i32
        %swap3A_501 = arith.index_cast %add3A_500 : i32 to index
        %swap3A_502 = tpu.vector_load %arg15[%swap3A_501] {strides = array<i32>} : memref<20480xi32, #tpu.memory_space<vmem>>, vector<16xi32>,
        tpu.vector_store %arg15[%swap3A_501], %get3A_259 {strides = array<i32>} : memref<20480xi32, #tpu.memory_space<vmem>>, vector<16xi32>,
        %add3A_503 = arith.constant 14 : i32
        %add3A_504 = arith.addi %add3A_78, %add3A_503 : i32
        %mul3A_505 = arith.constant 32 : i32
        %mul3A_506 = arith.muli %add3A_504, %mul3A_505 : i32
        %add3A_507 = arith.constant 16 : i32
        %add3A_508 = arith.addi %mul3A_506, %add3A_507 : i32
        %swap3A_509 = arith.index_cast %add3A_508 : i32 to index
        %swap3A_510 = tpu.vector_load %arg15[%swap3A_509] {strides = array<i32>} : memref<20480xi32, #tpu.memory_space<vmem>>, vector<16xi32>,
        tpu.vector_store %arg15[%swap3A_509], %get3A_263 {strides = array<i32>} : memref<20480xi32, #tpu.memory_space<vmem>>, vector<16xi32>,
        %add3A_511 = arith.constant 15 : i32
        %add3A_512 = arith.addi %add3A_78, %add3A_511 : i32
        %mul3A_513 = arith.constant 32 : i32
        %mul3A_514 = arith.muli %add3A_512, %mul3A_513 : i32
        %add3A_515 = arith.constant 0 : i32
        %add3A_516 = arith.addi %mul3A_514, %add3A_515 : i32
        %swap3A_517 = arith.index_cast %add3A_516 : i32 to index
        %swap3A_518 = tpu.vector_load %arg15[%swap3A_517] {strides = array<i32>} : memref<20480xi32, #tpu.memory_space<vmem>>, vector<16xi32>,
        tpu.vector_store %arg15[%swap3A_517], %get3A_267 {strides = array<i32>} : memref<20480xi32, #tpu.memory_space<vmem>>, vector<16xi32>,
        %add3A_519 = arith.constant 15 : i32
        %add3A_520 = arith.addi %add3A_78, %add3A_519 : i32
        %mul3A_521 = arith.constant 32 : i32
        %mul3A_522 = arith.muli %add3A_520, %mul3A_521 : i32
        %add3A_523 = arith.constant 16 : i32
        %add3A_524 = arith.addi %mul3A_522, %add3A_523 : i32
        %swap3A_525 = arith.index_cast %add3A_524 : i32 to index
        %swap3A_526 = tpu.vector_load %arg15[%swap3A_525] {strides = array<i32>} : memref<20480xi32, #tpu.memory_space<vmem>>, vector<16xi32>,
        tpu.vector_store %arg15[%swap3A_525], %get3A_271 {strides = array<i32>} : memref<20480xi32, #tpu.memory_space<vmem>>, vector<16xi32>,
      }
      %scan3A_67 = arith.constant 40 : i32
      %add3A_68 = arith.constant 640 : i32
      %add3A_69 = arith.addi %add3A_47, %add3A_68 : i32
      %mul3A_70 = arith.constant 32 : i32
      %mul3A_71 = arith.muli %add3A_69, %mul3A_70 : i32
      %dma_start3A_72 = tpu.memref_slice %arg9[%mul3A_71] : memref<39321600xi32, #tpu.memory_space<hbm>> -> memref<20480xi32, #tpu.memory_space<hbm>>
      %dma_start3A_73 = tpu.memref_slice %arg9[%mul3A_71] : memref<39321600xi32, #tpu.memory_space<hbm>> -> memref<20480xi32, #tpu.memory_space<hbm>>
      tpu.enqueue_dma source(%arg15 : memref<20480xi32, #tpu.memory_space<vmem>>) target(%dma_start3A_73 : memref<20480xi32, #tpu.memory_space<hbm>>) target_semaphore(%arg17 : memref<!tpu.dma_semaphore, #tpu.memory_space<semaphore_mem>>)
    }
    %scan3A_6 = arith.constant 30 : i32
    %dma_wait3A = arith.constant 0 : i32
    %dma_wait3A_7 = tpu.memref_slice %arg9[%dma_wait3A] : memref<39321600xi32, #tpu.memory_space<hbm>> -> memref<20480xi32, #tpu.memory_space<hbm>>
    %dma_wait3A_8 = arith.constant 0 : i32
    %dma_wait3A_9 = tpu.memref_slice %arg9[%dma_wait3A_8] : memref<39321600xi32, #tpu.memory_space<hbm>> -> memref<20480xi32, #tpu.memory_space<hbm>>
    tpu.wait_dma2 semaphore(%arg16 : memref<!tpu.dma_semaphore, #tpu.memory_space<semaphore_mem>>) src(%arg14 : memref<20480xi32, #tpu.memory_space<vmem>>) dst(%dma_wait3A_9 : memref<20480xi32, #tpu.memory_space<hbm>>)
    %dma_wait3A_10 = arith.constant 0 : i32
    %dma_wait3A_11 = tpu.memref_slice %arg9[%dma_wait3A_10] : memref<39321600xi32, #tpu.memory_space<hbm>> -> memref<20480xi32, #tpu.memory_space<hbm>>
    %dma_wait3A_12 = arith.constant 0 : i32
    %dma_wait3A_13 = tpu.memref_slice %arg9[%dma_wait3A_12] : memref<39321600xi32, #tpu.memory_space<hbm>> -> memref<20480xi32, #tpu.memory_space<hbm>>
    tpu.wait_dma2 semaphore(%arg17 : memref<!tpu.dma_semaphore, #tpu.memory_space<semaphore_mem>>) src(%arg15 : memref<20480xi32, #tpu.memory_space<vmem>>) dst(%dma_wait3A_13 : memref<20480xi32, #tpu.memory_space<hbm>>)
    %mul3A_14 = arith.constant 1600 : i32
    %mul3A_15 = arith.muli %add3A, %mul3A_14 : i32
    %scan3A_16 = arith.constant 0 : i32
    %scan3A_17 = arith.constant 4 : i32
    %scan3A_18 = arith.addi %scan3A_16, %scan3A_17 : i32
    %scan3A_19 = arith.constant 1 : i32
    scf.for %scan3A_40 = %scan3A_16 to %scan3A_18 step %scan3A_19  : i32 {
      %mul3A_41 = arith.constant 1 : i32
      %mul3A_42 = arith.muli %scan3A_40, %mul3A_41 : i32
      %add3A_43 = arith.constant 0 : i32
      %add3A_44 = arith.addi %add3A_43, %mul3A_42 : i32
      %mul3A_45 = arith.constant 400 : i32
      %mul3A_46 = arith.muli %add3A_44, %mul3A_45 : i32
      %add3A_47 = arith.addi %mul3A_15, %mul3A_46 : i32
      "tpu.region"() ({
        %run_scoped3A = tpu.sem_alloc : memref<!tpu.dma_semaphore, #tpu.memory_space<semaphore_mem>>
        %dma_start3A = arith.constant 0 : i32
        %dma_start3A_55 = tpu.memref_slice %arg13[%dma_start3A] : memref<1280xi32, #tpu.memory_space<vmem>> -> memref<400xi32, #tpu.memory_space<vmem>>
        %dma_start3A_56 = tpu.memref_slice %arg7[%add3A_47] : memref<51200xi32, #tpu.memory_space<hbm>> -> memref<400xi32, #tpu.memory_space<hbm>>
        %dma_start3A_57 = arith.constant 0 : i32
        %dma_start3A_58 = tpu.memref_slice %arg13[%dma_start3A_57] : memref<1280xi32, #tpu.memory_space<vmem>> -> memref<400xi32, #tpu.memory_space<vmem>>
        %dma_start3A_59 = tpu.memref_slice %arg7[%add3A_47] : memref<51200xi32, #tpu.memory_space<hbm>> -> memref<400xi32, #tpu.memory_space<hbm>>
        tpu.enqueue_dma source(%dma_start3A_59 : memref<400xi32, #tpu.memory_space<hbm>>) target(%dma_start3A_58 : memref<400xi32, #tpu.memory_space<vmem>>) target_semaphore(%run_scoped3A : memref<!tpu.dma_semaphore, #tpu.memory_space<semaphore_mem>>)
        %dma_wait3A_60 = arith.constant 0 : i32
        %dma_wait3A_61 = tpu.memref_slice %arg13[%dma_wait3A_60] : memref<1280xi32, #tpu.memory_space<vmem>> -> memref<400xi32, #tpu.memory_space<vmem>>
        %dma_wait3A_62 = tpu.memref_slice %arg7[%add3A_47] : memref<51200xi32, #tpu.memory_space<hbm>> -> memref<400xi32, #tpu.memory_space<hbm>>
        %dma_wait3A_63 = arith.constant 0 : i32
        %dma_wait3A_64 = tpu.memref_slice %arg13[%dma_wait3A_63] : memref<1280xi32, #tpu.memory_space<vmem>> -> memref<400xi32, #tpu.memory_space<vmem>>
        %dma_wait3A_65 = tpu.memref_slice %arg7[%add3A_47] : memref<51200xi32, #tpu.memory_space<hbm>> -> memref<400xi32, #tpu.memory_space<hbm>>
        tpu.wait_dma2 semaphore(%run_scoped3A : memref<!tpu.dma_semaphore, #tpu.memory_space<semaphore_mem>>) src(%dma_wait3A_65 : memref<400xi32, #tpu.memory_space<hbm>>) dst(%dma_wait3A_64 : memref<400xi32, #tpu.memory_space<vmem>>)
        tpu.yield
      }) : () -> ()
      %scan3A_48 = arith.constant 0 : i32
      %scan3A_49 = arith.constant 25 : i32
      %scan3A_50 = arith.addi %scan3A_48, %scan3A_49 : i32
      %scan3A_51 = arith.constant 1 : i32
      scf.for %scan3A_55 = %scan3A_48 to %scan3A_50 step %scan3A_51  : i32 {
        %mul3A_56 = arith.constant 16 : i32
        %mul3A_57 = arith.muli %scan3A_55, %mul3A_56 : i32
        %add3A_58 = arith.constant 0 : i32
        %add3A_59 = arith.addi %add3A_58, %mul3A_57 : i32
        %add3A_60 = arith.constant 0 : i32
        %add3A_61 = arith.addi %add3A_60, %add3A_59 : i32
        %get3A = arith.index_cast %add3A_61 : i32 to index
        %get3A_62 = tpu.vector_load %arg13[%get3A] {strides = array<i32>} : memref<1280xi32, #tpu.memory_space<vmem>>, vector<16xi32>,
        %slice3A = vector.extract_strided_slice %get3A_62 {offsets = [0], sizes = [1], strides = [1]} : vector<16xi32> to vector<1xi32>
        %squeeze3A = vector.extract %slice3A[0] : i32 from vector<1xi32>
        %mul3A_63 = arith.constant 32 : i32
        %mul3A_64 = arith.muli %squeeze3A, %mul3A_63 : i32
        %slice3A_65 = vector.extract_strided_slice %get3A_62 {offsets = [1], sizes = [1], strides = [1]} : vector<16xi32> to vector<1xi32>
        %squeeze3A_66 = vector.extract %slice3A_65[0] : i32 from vector<1xi32>
        %mul3A_67 = arith.constant 32 : i32
        %mul3A_68 = arith.muli %squeeze3A_66, %mul3A_67 : i32
        %slice3A_69 = vector.extract_strided_slice %get3A_62 {offsets = [2], sizes = [1], strides = [1]} : vector<16xi32> to vector<1xi32>
        %squeeze3A_70 = vector.extract %slice3A_69[0] : i32 from vector<1xi32>
        %mul3A_71 = arith.constant 32 : i32
        %mul3A_72 = arith.muli %squeeze3A_70, %mul3A_71 : i32
        %slice3A_73 = vector.extract_strided_slice %get3A_62 {offsets = [3], sizes = [1], strides = [1]} : vector<16xi32> to vector<1xi32>
        %squeeze3A_74 = vector.extract %slice3A_73[0] : i32 from vector<1xi32>
        %mul3A_75 = arith.constant 32 : i32
        %mul3A_76 = arith.muli %squeeze3A_74, %mul3A_75 : i32
        %slice3A_77 = vector.extract_strided_slice %get3A_62 {offsets = [4], sizes = [1], strides = [1]} : vector<16xi32> to vector<1xi32>
        %squeeze3A_78 = vector.extract %slice3A_77[0] : i32 from vector<1xi32>
        %mul3A_79 = arith.constant 32 : i32
        %mul3A_80 = arith.muli %squeeze3A_78, %mul3A_79 : i32
        %slice3A_81 = vector.extract_strided_slice %get3A_62 {offsets = [5], sizes = [1], strides = [1]} : vector<16xi32> to vector<1xi32>
        %squeeze3A_82 = vector.extract %slice3A_81[0] : i32 from vector<1xi32>
        %mul3A_83 = arith.constant 32 : i32
        %mul3A_84 = arith.muli %squeeze3A_82, %mul3A_83 : i32
        %slice3A_85 = vector.extract_strided_slice %get3A_62 {offsets = [6], sizes = [1], strides = [1]} : vector<16xi32> to vector<1xi32>
        %squeeze3A_86 = vector.extract %slice3A_85[0] : i32 from vector<1xi32>
        %mul3A_87 = arith.constant 32 : i32
        %mul3A_88 = arith.muli %squeeze3A_86, %mul3A_87 : i32
        %slice3A_89 = vector.extract_strided_slice %get3A_62 {offsets = [7], sizes = [1], strides = [1]} : vector<16xi32> to vector<1xi32>
        %squeeze3A_90 = vector.extract %slice3A_89[0] : i32 from vector<1xi32>
        %mul3A_91 = arith.constant 32 : i32
        %mul3A_92 = arith.muli %squeeze3A_90, %mul3A_91 : i32
        %slice3A_93 = vector.extract_strided_slice %get3A_62 {offsets = [8], sizes = [1], strides = [1]} : vector<16xi32> to vector<1xi32>
        %squeeze3A_94 = vector.extract %slice3A_93[0] : i32 from vector<1xi32>
        %mul3A_95 = arith.constant 32 : i32
        %mul3A_96 = arith.muli %squeeze3A_94, %mul3A_95 : i32
        %slice3A_97 = vector.extract_strided_slice %get3A_62 {offsets = [9], sizes = [1], strides = [1]} : vector<16xi32> to vector<1xi32>
        %squeeze3A_98 = vector.extract %slice3A_97[0] : i32 from vector<1xi32>
        %mul3A_99 = arith.constant 32 : i32
        %mul3A_100 = arith.muli %squeeze3A_98, %mul3A_99 : i32
        %slice3A_101 = vector.extract_strided_slice %get3A_62 {offsets = [10], sizes = [1], strides = [1]} : vector<16xi32> to vector<1xi32>
        %squeeze3A_102 = vector.extract %slice3A_101[0] : i32 from vector<1xi32>
        %mul3A_103 = arith.constant 32 : i32
        %mul3A_104 = arith.muli %squeeze3A_102, %mul3A_103 : i32
        %slice3A_105 = vector.extract_strided_slice %get3A_62 {offsets = [11], sizes = [1], strides = [1]} : vector<16xi32> to vector<1xi32>
        %squeeze3A_106 = vector.extract %slice3A_105[0] : i32 from vector<1xi32>
        %mul3A_107 = arith.constant 32 : i32
        %mul3A_108 = arith.muli %squeeze3A_106, %mul3A_107 : i32
        %slice3A_109 = vector.extract_strided_slice %get3A_62 {offsets = [12], sizes = [1], strides = [1]} : vector<16xi32> to vector<1xi32>
        %squeeze3A_110 = vector.extract %slice3A_109[0] : i32 from vector<1xi32>
        %mul3A_111 = arith.constant 32 : i32
        %mul3A_112 = arith.muli %squeeze3A_110, %mul3A_111 : i32
        %slice3A_113 = vector.extract_strided_slice %get3A_62 {offsets = [13], sizes = [1], strides = [1]} : vector<16xi32> to vector<1xi32>
        %squeeze3A_114 = vector.extract %slice3A_113[0] : i32 from vector<1xi32>
        %mul3A_115 = arith.constant 32 : i32
        %mul3A_116 = arith.muli %squeeze3A_114, %mul3A_115 : i32
        %slice3A_117 = vector.extract_strided_slice %get3A_62 {offsets = [14], sizes = [1], strides = [1]} : vector<16xi32> to vector<1xi32>
        %squeeze3A_118 = vector.extract %slice3A_117[0] : i32 from vector<1xi32>
        %mul3A_119 = arith.constant 32 : i32
        %mul3A_120 = arith.muli %squeeze3A_118, %mul3A_119 : i32
        %slice3A_121 = vector.extract_strided_slice %get3A_62 {offsets = [15], sizes = [1], strides = [1]} : vector<16xi32> to vector<1xi32>
        %squeeze3A_122 = vector.extract %slice3A_121[0] : i32 from vector<1xi32>
        %mul3A_123 = arith.constant 32 : i32
        %mul3A_124 = arith.muli %squeeze3A_122, %mul3A_123 : i32
        %add3A_125 = arith.constant 0 : i32
        %add3A_126 = arith.addi %mul3A_64, %add3A_125 : i32
        %get3A_127 = arith.index_cast %add3A_126 : i32 to index
        %get3A_128 = tpu.vector_load %arg12[%get3A_127] {strides = array<i32>} : memref<3200xi32, #tpu.memory_space<vmem>>, vector<16xi32>,
        %add3A_129 = arith.constant 16 : i32
        %add3A_130 = arith.addi %mul3A_64, %add3A_129 : i32
        %get3A_131 = arith.index_cast %add3A_130 : i32 to index
        %get3A_132 = tpu.vector_load %arg12[%get3A_131] {strides = array<i32>} : memref<3200xi32, #tpu.memory_space<vmem>>, vector<16xi32>,
        %add3A_133 = arith.constant 0 : i32
        %add3A_134 = arith.addi %mul3A_68, %add3A_133 : i32
        %get3A_135 = arith.index_cast %add3A_134 : i32 to index
        %get3A_136 = tpu.vector_load %arg12[%get3A_135] {strides = array<i32>} : memref<3200xi32, #tpu.memory_space<vmem>>, vector<16xi32>,
        %add3A_137 = arith.constant 16 : i32
        %add3A_138 = arith.addi %mul3A_68, %add3A_137 : i32
        %get3A_139 = arith.index_cast %add3A_138 : i32 to index
        %get3A_140 = tpu.vector_load %arg12[%get3A_139] {strides = array<i32>} : memref<3200xi32, #tpu.memory_space<vmem>>, vector<16xi32>,
        %add3A_141 = arith.constant 0 : i32
        %add3A_142 = arith.addi %mul3A_72, %add3A_141 : i32
        %get3A_143 = arith.index_cast %add3A_142 : i32 to index
        %get3A_144 = tpu.vector_load %arg12[%get3A_143] {strides = array<i32>} : memref<3200xi32, #tpu.memory_space<vmem>>, vector<16xi32>,
        %add3A_145 = arith.constant 16 : i32
        %add3A_146 = arith.addi %mul3A_72, %add3A_145 : i32
        %get3A_147 = arith.index_cast %add3A_146 : i32 to index
        %get3A_148 = tpu.vector_load %arg12[%get3A_147] {strides = array<i32>} : memref<3200xi32, #tpu.memory_space<vmem>>, vector<16xi32>,
        %add3A_149 = arith.constant 0 : i32
        %add3A_150 = arith.addi %mul3A_76, %add3A_149 : i32
        %get3A_151 = arith.index_cast %add3A_150 : i32 to index
        %get3A_152 = tpu.vector_load %arg12[%get3A_151] {strides = array<i32>} : memref<3200xi32, #tpu.memory_space<vmem>>, vector<16xi32>,
        %add3A_153 = arith.constant 16 : i32
        %add3A_154 = arith.addi %mul3A_76, %add3A_153 : i32
        %get3A_155 = arith.index_cast %add3A_154 : i32 to index
        %get3A_156 = tpu.vector_load %arg12[%get3A_155] {strides = array<i32>} : memref<3200xi32, #tpu.memory_space<vmem>>, vector<16xi32>,
        %add3A_157 = arith.constant 0 : i32
        %add3A_158 = arith.addi %mul3A_80, %add3A_157 : i32
        %get3A_159 = arith.index_cast %add3A_158 : i32 to index
        %get3A_160 = tpu.vector_load %arg12[%get3A_159] {strides = array<i32>} : memref<3200xi32, #tpu.memory_space<vmem>>, vector<16xi32>,
        %add3A_161 = arith.constant 16 : i32
        %add3A_162 = arith.addi %mul3A_80, %add3A_161 : i32
        %get3A_163 = arith.index_cast %add3A_162 : i32 to index
        %get3A_164 = tpu.vector_load %arg12[%get3A_163] {strides = array<i32>} : memref<3200xi32, #tpu.memory_space<vmem>>, vector<16xi32>,
        %add3A_165 = arith.constant 0 : i32
        %add3A_166 = arith.addi %mul3A_84, %add3A_165 : i32
        %get3A_167 = arith.index_cast %add3A_166 : i32 to index
        %get3A_168 = tpu.vector_load %arg12[%get3A_167] {strides = array<i32>} : memref<3200xi32, #tpu.memory_space<vmem>>, vector<16xi32>,
        %add3A_169 = arith.constant 16 : i32
        %add3A_170 = arith.addi %mul3A_84, %add3A_169 : i32
        %get3A_171 = arith.index_cast %add3A_170 : i32 to index
        %get3A_172 = tpu.vector_load %arg12[%get3A_171] {strides = array<i32>} : memref<3200xi32, #tpu.memory_space<vmem>>, vector<16xi32>,
        %add3A_173 = arith.constant 0 : i32
        %add3A_174 = arith.addi %mul3A_88, %add3A_173 : i32
        %get3A_175 = arith.index_cast %add3A_174 : i32 to index
        %get3A_176 = tpu.vector_load %arg12[%get3A_175] {strides = array<i32>} : memref<3200xi32, #tpu.memory_space<vmem>>, vector<16xi32>,
        %add3A_177 = arith.constant 16 : i32
        %add3A_178 = arith.addi %mul3A_88, %add3A_177 : i32
        %get3A_179 = arith.index_cast %add3A_178 : i32 to index
        %get3A_180 = tpu.vector_load %arg12[%get3A_179] {strides = array<i32>} : memref<3200xi32, #tpu.memory_space<vmem>>, vector<16xi32>,
        %add3A_181 = arith.constant 0 : i32
        %add3A_182 = arith.addi %mul3A_92, %add3A_181 : i32
        %get3A_183 = arith.index_cast %add3A_182 : i32 to index
        %get3A_184 = tpu.vector_load %arg12[%get3A_183] {strides = array<i32>} : memref<3200xi32, #tpu.memory_space<vmem>>, vector<16xi32>,
        %add3A_185 = arith.constant 16 : i32
        %add3A_186 = arith.addi %mul3A_92, %add3A_185 : i32
        %get3A_187 = arith.index_cast %add3A_186 : i32 to index
        %get3A_188 = tpu.vector_load %arg12[%get3A_187] {strides = array<i32>} : memref<3200xi32, #tpu.memory_space<vmem>>, vector<16xi32>,
        %add3A_189 = arith.constant 0 : i32
        %add3A_190 = arith.addi %mul3A_96, %add3A_189 : i32
        %get3A_191 = arith.index_cast %add3A_190 : i32 to index
        %get3A_192 = tpu.vector_load %arg12[%get3A_191] {strides = array<i32>} : memref<3200xi32, #tpu.memory_space<vmem>>, vector<16xi32>,
        %add3A_193 = arith.constant 16 : i32
        %add3A_194 = arith.addi %mul3A_96, %add3A_193 : i32
        %get3A_195 = arith.index_cast %add3A_194 : i32 to index
        %get3A_196 = tpu.vector_load %arg12[%get3A_195] {strides = array<i32>} : memref<3200xi32, #tpu.memory_space<vmem>>, vector<16xi32>,
        %add3A_197 = arith.constant 0 : i32
        %add3A_198 = arith.addi %mul3A_100, %add3A_197 : i32
        %get3A_199 = arith.index_cast %add3A_198 : i32 to index
        %get3A_200 = tpu.vector_load %arg12[%get3A_199] {strides = array<i32>} : memref<3200xi32, #tpu.memory_space<vmem>>, vector<16xi32>,
        %add3A_201 = arith.constant 16 : i32
        %add3A_202 = arith.addi %mul3A_100, %add3A_201 : i32
        %get3A_203 = arith.index_cast %add3A_202 : i32 to index
        %get3A_204 = tpu.vector_load %arg12[%get3A_203] {strides = array<i32>} : memref<3200xi32, #tpu.memory_space<vmem>>, vector<16xi32>,
        %add3A_205 = arith.constant 0 : i32
        %add3A_206 = arith.addi %mul3A_104, %add3A_205 : i32
        %get3A_207 = arith.index_cast %add3A_206 : i32 to index
        %get3A_208 = tpu.vector_load %arg12[%get3A_207] {strides = array<i32>} : memref<3200xi32, #tpu.memory_space<vmem>>, vector<16xi32>,
        %add3A_209 = arith.constant 16 : i32
        %add3A_210 = arith.addi %mul3A_104, %add3A_209 : i32
        %get3A_211 = arith.index_cast %add3A_210 : i32 to index
        %get3A_212 = tpu.vector_load %arg12[%get3A_211] {strides = array<i32>} : memref<3200xi32, #tpu.memory_space<vmem>>, vector<16xi32>,
        %add3A_213 = arith.constant 0 : i32
        %add3A_214 = arith.addi %mul3A_108, %add3A_213 : i32
        %get3A_215 = arith.index_cast %add3A_214 : i32 to index
        %get3A_216 = tpu.vector_load %arg12[%get3A_215] {strides = array<i32>} : memref<3200xi32, #tpu.memory_space<vmem>>, vector<16xi32>,
        %add3A_217 = arith.constant 16 : i32
        %add3A_218 = arith.addi %mul3A_108, %add3A_217 : i32
        %get3A_219 = arith.index_cast %add3A_218 : i32 to index
        %get3A_220 = tpu.vector_load %arg12[%get3A_219] {strides = array<i32>} : memref<3200xi32, #tpu.memory_space<vmem>>, vector<16xi32>,
        %add3A_221 = arith.constant 0 : i32
        %add3A_222 = arith.addi %mul3A_112, %add3A_221 : i32
        %get3A_223 = arith.index_cast %add3A_222 : i32 to index
        %get3A_224 = tpu.vector_load %arg12[%get3A_223] {strides = array<i32>} : memref<3200xi32, #tpu.memory_space<vmem>>, vector<16xi32>,
        %add3A_225 = arith.constant 16 : i32
        %add3A_226 = arith.addi %mul3A_112, %add3A_225 : i32
        %get3A_227 = arith.index_cast %add3A_226 : i32 to index
        %get3A_228 = tpu.vector_load %arg12[%get3A_227] {strides = array<i32>} : memref<3200xi32, #tpu.memory_space<vmem>>, vector<16xi32>,
        %add3A_229 = arith.constant 0 : i32
        %add3A_230 = arith.addi %mul3A_116, %add3A_229 : i32
        %get3A_231 = arith.index_cast %add3A_230 : i32 to index
        %get3A_232 = tpu.vector_load %arg12[%get3A_231] {strides = array<i32>} : memref<3200xi32, #tpu.memory_space<vmem>>, vector<16xi32>,
        %add3A_233 = arith.constant 16 : i32
        %add3A_234 = arith.addi %mul3A_116, %add3A_233 : i32
        %get3A_235 = arith.index_cast %add3A_234 : i32 to index
        %get3A_236 = tpu.vector_load %arg12[%get3A_235] {strides = array<i32>} : memref<3200xi32, #tpu.memory_space<vmem>>, vector<16xi32>,
        %add3A_237 = arith.constant 0 : i32
        %add3A_238 = arith.addi %mul3A_120, %add3A_237 : i32
        %get3A_239 = arith.index_cast %add3A_238 : i32 to index
        %get3A_240 = tpu.vector_load %arg12[%get3A_239] {strides = array<i32>} : memref<3200xi32, #tpu.memory_space<vmem>>, vector<16xi32>,
        %add3A_241 = arith.constant 16 : i32
        %add3A_242 = arith.addi %mul3A_120, %add3A_241 : i32
        %get3A_243 = arith.index_cast %add3A_242 : i32 to index
        %get3A_244 = tpu.vector_load %arg12[%get3A_243] {strides = array<i32>} : memref<3200xi32, #tpu.memory_space<vmem>>, vector<16xi32>,
        %add3A_245 = arith.constant 0 : i32
        %add3A_246 = arith.addi %mul3A_124, %add3A_245 : i32
        %get3A_247 = arith.index_cast %add3A_246 : i32 to index
        %get3A_248 = tpu.vector_load %arg12[%get3A_247] {strides = array<i32>} : memref<3200xi32, #tpu.memory_space<vmem>>, vector<16xi32>,
        %add3A_249 = arith.constant 16 : i32
        %add3A_250 = arith.addi %mul3A_124, %add3A_249 : i32
        %get3A_251 = arith.index_cast %add3A_250 : i32 to index
        %get3A_252 = tpu.vector_load %arg12[%get3A_251] {strides = array<i32>} : memref<3200xi32, #tpu.memory_space<vmem>>, vector<16xi32>,
        %add3A_253 = arith.constant 0 : i32
        %add3A_254 = arith.addi %add3A_59, %add3A_253 : i32
        %mul3A_255 = arith.constant 32 : i32
        %mul3A_256 = arith.muli %add3A_254, %mul3A_255 : i32
        %add3A_257 = arith.constant 0 : i32
        %add3A_258 = arith.addi %mul3A_256, %add3A_257 : i32
        %swap3A = arith.index_cast %add3A_258 : i32 to index
        %swap3A_259 = tpu.vector_load %arg15[%swap3A] {strides = array<i32>} : memref<20480xi32, #tpu.memory_space<vmem>>, vector<16xi32>,
        tpu.vector_store %arg15[%swap3A], %get3A_128 {strides = array<i32>} : memref<20480xi32, #tpu.memory_space<vmem>>, vector<16xi32>,
        %add3A_260 = arith.constant 0 : i32
        %add3A_261 = arith.addi %add3A_59, %add3A_260 : i32
        %mul3A_262 = arith.constant 32 : i32
        %mul3A_263 = arith.muli %add3A_261, %mul3A_262 : i32
        %add3A_264 = arith.constant 16 : i32
        %add3A_265 = arith.addi %mul3A_263, %add3A_264 : i32
        %swap3A_266 = arith.index_cast %add3A_265 : i32 to index
        %swap3A_267 = tpu.vector_load %arg15[%swap3A_266] {strides = array<i32>} : memref<20480xi32, #tpu.memory_space<vmem>>, vector<16xi32>,
        tpu.vector_store %arg15[%swap3A_266], %get3A_132 {strides = array<i32>} : memref<20480xi32, #tpu.memory_space<vmem>>, vector<16xi32>,
        %add3A_268 = arith.constant 1 : i32
        %add3A_269 = arith.addi %add3A_59, %add3A_268 : i32
        %mul3A_270 = arith.constant 32 : i32
        %mul3A_271 = arith.muli %add3A_269, %mul3A_270 : i32
        %add3A_272 = arith.constant 0 : i32
        %add3A_273 = arith.addi %mul3A_271, %add3A_272 : i32
        %swap3A_274 = arith.index_cast %add3A_273 : i32 to index
        %swap3A_275 = tpu.vector_load %arg15[%swap3A_274] {strides = array<i32>} : memref<20480xi32, #tpu.memory_space<vmem>>, vector<16xi32>,
        tpu.vector_store %arg15[%swap3A_274], %get3A_136 {strides = array<i32>} : memref<20480xi32, #tpu.memory_space<vmem>>, vector<16xi32>,
        %add3A_276 = arith.constant 1 : i32
        %add3A_277 = arith.addi %add3A_59, %add3A_276 : i32
        %mul3A_278 = arith.constant 32 : i32
        %mul3A_279 = arith.muli %add3A_277, %mul3A_278 : i32
        %add3A_280 = arith.constant 16 : i32
        %add3A_281 = arith.addi %mul3A_279, %add3A_280 : i32
        %swap3A_282 = arith.index_cast %add3A_281 : i32 to index
        %swap3A_283 = tpu.vector_load %arg15[%swap3A_282] {strides = array<i32>} : memref<20480xi32, #tpu.memory_space<vmem>>, vector<16xi32>,
        tpu.vector_store %arg15[%swap3A_282], %get3A_140 {strides = array<i32>} : memref<20480xi32, #tpu.memory_space<vmem>>, vector<16xi32>,
        %add3A_284 = arith.constant 2 : i32
        %add3A_285 = arith.addi %add3A_59, %add3A_284 : i32
        %mul3A_286 = arith.constant 32 : i32
        %mul3A_287 = arith.muli %add3A_285, %mul3A_286 : i32
        %add3A_288 = arith.constant 0 : i32
        %add3A_289 = arith.addi %mul3A_287, %add3A_288 : i32
        %swap3A_290 = arith.index_cast %add3A_289 : i32 to index
        %swap3A_291 = tpu.vector_load %arg15[%swap3A_290] {strides = array<i32>} : memref<20480xi32, #tpu.memory_space<vmem>>, vector<16xi32>,
        tpu.vector_store %arg15[%swap3A_290], %get3A_144 {strides = array<i32>} : memref<20480xi32, #tpu.memory_space<vmem>>, vector<16xi32>,
        %add3A_292 = arith.constant 2 : i32
        %add3A_293 = arith.addi %add3A_59, %add3A_292 : i32
        %mul3A_294 = arith.constant 32 : i32
        %mul3A_295 = arith.muli %add3A_293, %mul3A_294 : i32
        %add3A_296 = arith.constant 16 : i32
        %add3A_297 = arith.addi %mul3A_295, %add3A_296 : i32
        %swap3A_298 = arith.index_cast %add3A_297 : i32 to index
        %swap3A_299 = tpu.vector_load %arg15[%swap3A_298] {strides = array<i32>} : memref<20480xi32, #tpu.memory_space<vmem>>, vector<16xi32>,
        tpu.vector_store %arg15[%swap3A_298], %get3A_148 {strides = array<i32>} : memref<20480xi32, #tpu.memory_space<vmem>>, vector<16xi32>,
        %add3A_300 = arith.constant 3 : i32
        %add3A_301 = arith.addi %add3A_59, %add3A_300 : i32
        %mul3A_302 = arith.constant 32 : i32
        %mul3A_303 = arith.muli %add3A_301, %mul3A_302 : i32
        %add3A_304 = arith.constant 0 : i32
        %add3A_305 = arith.addi %mul3A_303, %add3A_304 : i32
        %swap3A_306 = arith.index_cast %add3A_305 : i32 to index
        %swap3A_307 = tpu.vector_load %arg15[%swap3A_306] {strides = array<i32>} : memref<20480xi32, #tpu.memory_space<vmem>>, vector<16xi32>,
        tpu.vector_store %arg15[%swap3A_306], %get3A_152 {strides = array<i32>} : memref<20480xi32, #tpu.memory_space<vmem>>, vector<16xi32>,
        %add3A_308 = arith.constant 3 : i32
        %add3A_309 = arith.addi %add3A_59, %add3A_308 : i32
        %mul3A_310 = arith.constant 32 : i32
        %mul3A_311 = arith.muli %add3A_309, %mul3A_310 : i32
        %add3A_312 = arith.constant 16 : i32
        %add3A_313 = arith.addi %mul3A_311, %add3A_312 : i32
        %swap3A_314 = arith.index_cast %add3A_313 : i32 to index
        %swap3A_315 = tpu.vector_load %arg15[%swap3A_314] {strides = array<i32>} : memref<20480xi32, #tpu.memory_space<vmem>>, vector<16xi32>,
        tpu.vector_store %arg15[%swap3A_314], %get3A_156 {strides = array<i32>} : memref<20480xi32, #tpu.memory_space<vmem>>, vector<16xi32>,
        %add3A_316 = arith.constant 4 : i32
        %add3A_317 = arith.addi %add3A_59, %add3A_316 : i32
        %mul3A_318 = arith.constant 32 : i32
        %mul3A_319 = arith.muli %add3A_317, %mul3A_318 : i32
        %add3A_320 = arith.constant 0 : i32
        %add3A_321 = arith.addi %mul3A_319, %add3A_320 : i32
        %swap3A_322 = arith.index_cast %add3A_321 : i32 to index
        %swap3A_323 = tpu.vector_load %arg15[%swap3A_322] {strides = array<i32>} : memref<20480xi32, #tpu.memory_space<vmem>>, vector<16xi32>,
        tpu.vector_store %arg15[%swap3A_322], %get3A_160 {strides = array<i32>} : memref<20480xi32, #tpu.memory_space<vmem>>, vector<16xi32>,
        %add3A_324 = arith.constant 4 : i32
        %add3A_325 = arith.addi %add3A_59, %add3A_324 : i32
        %mul3A_326 = arith.constant 32 : i32
        %mul3A_327 = arith.muli %add3A_325, %mul3A_326 : i32
        %add3A_328 = arith.constant 16 : i32
        %add3A_329 = arith.addi %mul3A_327, %add3A_328 : i32
        %swap3A_330 = arith.index_cast %add3A_329 : i32 to index
        %swap3A_331 = tpu.vector_load %arg15[%swap3A_330] {strides = array<i32>} : memref<20480xi32, #tpu.memory_space<vmem>>, vector<16xi32>,
        tpu.vector_store %arg15[%swap3A_330], %get3A_164 {strides = array<i32>} : memref<20480xi32, #tpu.memory_space<vmem>>, vector<16xi32>,
        %add3A_332 = arith.constant 5 : i32
        %add3A_333 = arith.addi %add3A_59, %add3A_332 : i32
        %mul3A_334 = arith.constant 32 : i32
        %mul3A_335 = arith.muli %add3A_333, %mul3A_334 : i32
        %add3A_336 = arith.constant 0 : i32
        %add3A_337 = arith.addi %mul3A_335, %add3A_336 : i32
        %swap3A_338 = arith.index_cast %add3A_337 : i32 to index
        %swap3A_339 = tpu.vector_load %arg15[%swap3A_338] {strides = array<i32>} : memref<20480xi32, #tpu.memory_space<vmem>>, vector<16xi32>,
        tpu.vector_store %arg15[%swap3A_338], %get3A_168 {strides = array<i32>} : memref<20480xi32, #tpu.memory_space<vmem>>, vector<16xi32>,
        %add3A_340 = arith.constant 5 : i32
        %add3A_341 = arith.addi %add3A_59, %add3A_340 : i32
        %mul3A_342 = arith.constant 32 : i32
        %mul3A_343 = arith.muli %add3A_341, %mul3A_342 : i32
        %add3A_344 = arith.constant 16 : i32
        %add3A_345 = arith.addi %mul3A_343, %add3A_344 : i32
        %swap3A_346 = arith.index_cast %add3A_345 : i32 to index
        %swap3A_347 = tpu.vector_load %arg15[%swap3A_346] {strides = array<i32>} : memref<20480xi32, #tpu.memory_space<vmem>>, vector<16xi32>,
        tpu.vector_store %arg15[%swap3A_346], %get3A_172 {strides = array<i32>} : memref<20480xi32, #tpu.memory_space<vmem>>, vector<16xi32>,
        %add3A_348 = arith.constant 6 : i32
        %add3A_349 = arith.addi %add3A_59, %add3A_348 : i32
        %mul3A_350 = arith.constant 32 : i32
        %mul3A_351 = arith.muli %add3A_349, %mul3A_350 : i32
        %add3A_352 = arith.constant 0 : i32
        %add3A_353 = arith.addi %mul3A_351, %add3A_352 : i32
        %swap3A_354 = arith.index_cast %add3A_353 : i32 to index
        %swap3A_355 = tpu.vector_load %arg15[%swap3A_354] {strides = array<i32>} : memref<20480xi32, #tpu.memory_space<vmem>>, vector<16xi32>,
        tpu.vector_store %arg15[%swap3A_354], %get3A_176 {strides = array<i32>} : memref<20480xi32, #tpu.memory_space<vmem>>, vector<16xi32>,
        %add3A_356 = arith.constant 6 : i32
        %add3A_357 = arith.addi %add3A_59, %add3A_356 : i32
        %mul3A_358 = arith.constant 32 : i32
        %mul3A_359 = arith.muli %add3A_357, %mul3A_358 : i32
        %add3A_360 = arith.constant 16 : i32
        %add3A_361 = arith.addi %mul3A_359, %add3A_360 : i32
        %swap3A_362 = arith.index_cast %add3A_361 : i32 to index
        %swap3A_363 = tpu.vector_load %arg15[%swap3A_362] {strides = array<i32>} : memref<20480xi32, #tpu.memory_space<vmem>>, vector<16xi32>,
        tpu.vector_store %arg15[%swap3A_362], %get3A_180 {strides = array<i32>} : memref<20480xi32, #tpu.memory_space<vmem>>, vector<16xi32>,
        %add3A_364 = arith.constant 7 : i32
        %add3A_365 = arith.addi %add3A_59, %add3A_364 : i32
        %mul3A_366 = arith.constant 32 : i32
        %mul3A_367 = arith.muli %add3A_365, %mul3A_366 : i32
        %add3A_368 = arith.constant 0 : i32
        %add3A_369 = arith.addi %mul3A_367, %add3A_368 : i32
        %swap3A_370 = arith.index_cast %add3A_369 : i32 to index
        %swap3A_371 = tpu.vector_load %arg15[%swap3A_370] {strides = array<i32>} : memref<20480xi32, #tpu.memory_space<vmem>>, vector<16xi32>,
        tpu.vector_store %arg15[%swap3A_370], %get3A_184 {strides = array<i32>} : memref<20480xi32, #tpu.memory_space<vmem>>, vector<16xi32>,
        %add3A_372 = arith.constant 7 : i32
        %add3A_373 = arith.addi %add3A_59, %add3A_372 : i32
        %mul3A_374 = arith.constant 32 : i32
        %mul3A_375 = arith.muli %add3A_373, %mul3A_374 : i32
        %add3A_376 = arith.constant 16 : i32
        %add3A_377 = arith.addi %mul3A_375, %add3A_376 : i32
        %swap3A_378 = arith.index_cast %add3A_377 : i32 to index
        %swap3A_379 = tpu.vector_load %arg15[%swap3A_378] {strides = array<i32>} : memref<20480xi32, #tpu.memory_space<vmem>>, vector<16xi32>,
        tpu.vector_store %arg15[%swap3A_378], %get3A_188 {strides = array<i32>} : memref<20480xi32, #tpu.memory_space<vmem>>, vector<16xi32>,
        %add3A_380 = arith.constant 8 : i32
        %add3A_381 = arith.addi %add3A_59, %add3A_380 : i32
        %mul3A_382 = arith.constant 32 : i32
        %mul3A_383 = arith.muli %add3A_381, %mul3A_382 : i32
        %add3A_384 = arith.constant 0 : i32
        %add3A_385 = arith.addi %mul3A_383, %add3A_384 : i32
        %swap3A_386 = arith.index_cast %add3A_385 : i32 to index
        %swap3A_387 = tpu.vector_load %arg15[%swap3A_386] {strides = array<i32>} : memref<20480xi32, #tpu.memory_space<vmem>>, vector<16xi32>,
        tpu.vector_store %arg15[%swap3A_386], %get3A_192 {strides = array<i32>} : memref<20480xi32, #tpu.memory_space<vmem>>, vector<16xi32>,
        %add3A_388 = arith.constant 8 : i32
        %add3A_389 = arith.addi %add3A_59, %add3A_388 : i32
        %mul3A_390 = arith.constant 32 : i32
        %mul3A_391 = arith.muli %add3A_389, %mul3A_390 : i32
        %add3A_392 = arith.constant 16 : i32
        %add3A_393 = arith.addi %mul3A_391, %add3A_392 : i32
        %swap3A_394 = arith.index_cast %add3A_393 : i32 to index
        %swap3A_395 = tpu.vector_load %arg15[%swap3A_394] {strides = array<i32>} : memref<20480xi32, #tpu.memory_space<vmem>>, vector<16xi32>,
        tpu.vector_store %arg15[%swap3A_394], %get3A_196 {strides = array<i32>} : memref<20480xi32, #tpu.memory_space<vmem>>, vector<16xi32>,
        %add3A_396 = arith.constant 9 : i32
        %add3A_397 = arith.addi %add3A_59, %add3A_396 : i32
        %mul3A_398 = arith.constant 32 : i32
        %mul3A_399 = arith.muli %add3A_397, %mul3A_398 : i32
        %add3A_400 = arith.constant 0 : i32
        %add3A_401 = arith.addi %mul3A_399, %add3A_400 : i32
        %swap3A_402 = arith.index_cast %add3A_401 : i32 to index
        %swap3A_403 = tpu.vector_load %arg15[%swap3A_402] {strides = array<i32>} : memref<20480xi32, #tpu.memory_space<vmem>>, vector<16xi32>,
        tpu.vector_store %arg15[%swap3A_402], %get3A_200 {strides = array<i32>} : memref<20480xi32, #tpu.memory_space<vmem>>, vector<16xi32>,
        %add3A_404 = arith.constant 9 : i32
        %add3A_405 = arith.addi %add3A_59, %add3A_404 : i32
        %mul3A_406 = arith.constant 32 : i32
        %mul3A_407 = arith.muli %add3A_405, %mul3A_406 : i32
        %add3A_408 = arith.constant 16 : i32
        %add3A_409 = arith.addi %mul3A_407, %add3A_408 : i32
        %swap3A_410 = arith.index_cast %add3A_409 : i32 to index
        %swap3A_411 = tpu.vector_load %arg15[%swap3A_410] {strides = array<i32>} : memref<20480xi32, #tpu.memory_space<vmem>>, vector<16xi32>,
        tpu.vector_store %arg15[%swap3A_410], %get3A_204 {strides = array<i32>} : memref<20480xi32, #tpu.memory_space<vmem>>, vector<16xi32>,
        %add3A_412 = arith.constant 10 : i32
        %add3A_413 = arith.addi %add3A_59, %add3A_412 : i32
        %mul3A_414 = arith.constant 32 : i32
        %mul3A_415 = arith.muli %add3A_413, %mul3A_414 : i32
        %add3A_416 = arith.constant 0 : i32
        %add3A_417 = arith.addi %mul3A_415, %add3A_416 : i32
        %swap3A_418 = arith.index_cast %add3A_417 : i32 to index
        %swap3A_419 = tpu.vector_load %arg15[%swap3A_418] {strides = array<i32>} : memref<20480xi32, #tpu.memory_space<vmem>>, vector<16xi32>,
        tpu.vector_store %arg15[%swap3A_418], %get3A_208 {strides = array<i32>} : memref<20480xi32, #tpu.memory_space<vmem>>, vector<16xi32>,
        %add3A_420 = arith.constant 10 : i32
        %add3A_421 = arith.addi %add3A_59, %add3A_420 : i32
        %mul3A_422 = arith.constant 32 : i32
        %mul3A_423 = arith.muli %add3A_421, %mul3A_422 : i32
        %add3A_424 = arith.constant 16 : i32
        %add3A_425 = arith.addi %mul3A_423, %add3A_424 : i32
        %swap3A_426 = arith.index_cast %add3A_425 : i32 to index
        %swap3A_427 = tpu.vector_load %arg15[%swap3A_426] {strides = array<i32>} : memref<20480xi32, #tpu.memory_space<vmem>>, vector<16xi32>,
        tpu.vector_store %arg15[%swap3A_426], %get3A_212 {strides = array<i32>} : memref<20480xi32, #tpu.memory_space<vmem>>, vector<16xi32>,
        %add3A_428 = arith.constant 11 : i32
        %add3A_429 = arith.addi %add3A_59, %add3A_428 : i32
        %mul3A_430 = arith.constant 32 : i32
        %mul3A_431 = arith.muli %add3A_429, %mul3A_430 : i32
        %add3A_432 = arith.constant 0 : i32
        %add3A_433 = arith.addi %mul3A_431, %add3A_432 : i32
        %swap3A_434 = arith.index_cast %add3A_433 : i32 to index
        %swap3A_435 = tpu.vector_load %arg15[%swap3A_434] {strides = array<i32>} : memref<20480xi32, #tpu.memory_space<vmem>>, vector<16xi32>,
        tpu.vector_store %arg15[%swap3A_434], %get3A_216 {strides = array<i32>} : memref<20480xi32, #tpu.memory_space<vmem>>, vector<16xi32>,
        %add3A_436 = arith.constant 11 : i32
        %add3A_437 = arith.addi %add3A_59, %add3A_436 : i32
        %mul3A_438 = arith.constant 32 : i32
        %mul3A_439 = arith.muli %add3A_437, %mul3A_438 : i32
        %add3A_440 = arith.constant 16 : i32
        %add3A_441 = arith.addi %mul3A_439, %add3A_440 : i32
        %swap3A_442 = arith.index_cast %add3A_441 : i32 to index
        %swap3A_443 = tpu.vector_load %arg15[%swap3A_442] {strides = array<i32>} : memref<20480xi32, #tpu.memory_space<vmem>>, vector<16xi32>,
        tpu.vector_store %arg15[%swap3A_442], %get3A_220 {strides = array<i32>} : memref<20480xi32, #tpu.memory_space<vmem>>, vector<16xi32>,
        %add3A_444 = arith.constant 12 : i32
        %add3A_445 = arith.addi %add3A_59, %add3A_444 : i32
        %mul3A_446 = arith.constant 32 : i32
        %mul3A_447 = arith.muli %add3A_445, %mul3A_446 : i32
        %add3A_448 = arith.constant 0 : i32
        %add3A_449 = arith.addi %mul3A_447, %add3A_448 : i32
        %swap3A_450 = arith.index_cast %add3A_449 : i32 to index
        %swap3A_451 = tpu.vector_load %arg15[%swap3A_450] {strides = array<i32>} : memref<20480xi32, #tpu.memory_space<vmem>>, vector<16xi32>,
        tpu.vector_store %arg15[%swap3A_450], %get3A_224 {strides = array<i32>} : memref<20480xi32, #tpu.memory_space<vmem>>, vector<16xi32>,
        %add3A_452 = arith.constant 12 : i32
        %add3A_453 = arith.addi %add3A_59, %add3A_452 : i32
        %mul3A_454 = arith.constant 32 : i32
        %mul3A_455 = arith.muli %add3A_453, %mul3A_454 : i32
        %add3A_456 = arith.constant 16 : i32
        %add3A_457 = arith.addi %mul3A_455, %add3A_456 : i32
        %swap3A_458 = arith.index_cast %add3A_457 : i32 to index
        %swap3A_459 = tpu.vector_load %arg15[%swap3A_458] {strides = array<i32>} : memref<20480xi32, #tpu.memory_space<vmem>>, vector<16xi32>,
        tpu.vector_store %arg15[%swap3A_458], %get3A_228 {strides = array<i32>} : memref<20480xi32, #tpu.memory_space<vmem>>, vector<16xi32>,
        %add3A_460 = arith.constant 13 : i32
        %add3A_461 = arith.addi %add3A_59, %add3A_460 : i32
        %mul3A_462 = arith.constant 32 : i32
        %mul3A_463 = arith.muli %add3A_461, %mul3A_462 : i32
        %add3A_464 = arith.constant 0 : i32
        %add3A_465 = arith.addi %mul3A_463, %add3A_464 : i32
        %swap3A_466 = arith.index_cast %add3A_465 : i32 to index
        %swap3A_467 = tpu.vector_load %arg15[%swap3A_466] {strides = array<i32>} : memref<20480xi32, #tpu.memory_space<vmem>>, vector<16xi32>,
        tpu.vector_store %arg15[%swap3A_466], %get3A_232 {strides = array<i32>} : memref<20480xi32, #tpu.memory_space<vmem>>, vector<16xi32>,
        %add3A_468 = arith.constant 13 : i32
        %add3A_469 = arith.addi %add3A_59, %add3A_468 : i32
        %mul3A_470 = arith.constant 32 : i32
        %mul3A_471 = arith.muli %add3A_469, %mul3A_470 : i32
        %add3A_472 = arith.constant 16 : i32
        %add3A_473 = arith.addi %mul3A_471, %add3A_472 : i32
        %swap3A_474 = arith.index_cast %add3A_473 : i32 to index
        %swap3A_475 = tpu.vector_load %arg15[%swap3A_474] {strides = array<i32>} : memref<20480xi32, #tpu.memory_space<vmem>>, vector<16xi32>,
        tpu.vector_store %arg15[%swap3A_474], %get3A_236 {strides = array<i32>} : memref<20480xi32, #tpu.memory_space<vmem>>, vector<16xi32>,
        %add3A_476 = arith.constant 14 : i32
        %add3A_477 = arith.addi %add3A_59, %add3A_476 : i32
        %mul3A_478 = arith.constant 32 : i32
        %mul3A_479 = arith.muli %add3A_477, %mul3A_478 : i32
        %add3A_480 = arith.constant 0 : i32
        %add3A_481 = arith.addi %mul3A_479, %add3A_480 : i32
        %swap3A_482 = arith.index_cast %add3A_481 : i32 to index
        %swap3A_483 = tpu.vector_load %arg15[%swap3A_482] {strides = array<i32>} : memref<20480xi32, #tpu.memory_space<vmem>>, vector<16xi32>,
        tpu.vector_store %arg15[%swap3A_482], %get3A_240 {strides = array<i32>} : memref<20480xi32, #tpu.memory_space<vmem>>, vector<16xi32>,
        %add3A_484 = arith.constant 14 : i32
        %add3A_485 = arith.addi %add3A_59, %add3A_484 : i32
        %mul3A_486 = arith.constant 32 : i32
        %mul3A_487 = arith.muli %add3A_485, %mul3A_486 : i32
        %add3A_488 = arith.constant 16 : i32
        %add3A_489 = arith.addi %mul3A_487, %add3A_488 : i32
        %swap3A_490 = arith.index_cast %add3A_489 : i32 to index
        %swap3A_491 = tpu.vector_load %arg15[%swap3A_490] {strides = array<i32>} : memref<20480xi32, #tpu.memory_space<vmem>>, vector<16xi32>,
        tpu.vector_store %arg15[%swap3A_490], %get3A_244 {strides = array<i32>} : memref<20480xi32, #tpu.memory_space<vmem>>, vector<16xi32>,
        %add3A_492 = arith.constant 15 : i32
        %add3A_493 = arith.addi %add3A_59, %add3A_492 : i32
        %mul3A_494 = arith.constant 32 : i32
        %mul3A_495 = arith.muli %add3A_493, %mul3A_494 : i32
        %add3A_496 = arith.constant 0 : i32
        %add3A_497 = arith.addi %mul3A_495, %add3A_496 : i32
        %swap3A_498 = arith.index_cast %add3A_497 : i32 to index
        %swap3A_499 = tpu.vector_load %arg15[%swap3A_498] {strides = array<i32>} : memref<20480xi32, #tpu.memory_space<vmem>>, vector<16xi32>,
        tpu.vector_store %arg15[%swap3A_498], %get3A_248 {strides = array<i32>} : memref<20480xi32, #tpu.memory_space<vmem>>, vector<16xi32>,
        %add3A_500 = arith.constant 15 : i32
        %add3A_501 = arith.addi %add3A_59, %add3A_500 : i32
        %mul3A_502 = arith.constant 32 : i32
        %mul3A_503 = arith.muli %add3A_501, %mul3A_502 : i32
        %add3A_504 = arith.constant 16 : i32
        %add3A_505 = arith.addi %mul3A_503, %add3A_504 : i32
        %swap3A_506 = arith.index_cast %add3A_505 : i32 to index
        %swap3A_507 = tpu.vector_load %arg15[%swap3A_506] {strides = array<i32>} : memref<20480xi32, #tpu.memory_space<vmem>>, vector<16xi32>,
        tpu.vector_store %arg15[%swap3A_506], %get3A_252 {strides = array<i32>} : memref<20480xi32, #tpu.memory_space<vmem>>, vector<16xi32>,
      }
      %scan3A_52 = arith.constant 25 : i32
      %mul3A_53 = arith.constant 32 : i32
      %mul3A_54 = arith.muli %add3A_47, %mul3A_53 : i32
      "tpu.region"() ({
        %run_scoped3A = tpu.sem_alloc : memref<!tpu.dma_semaphore, #tpu.memory_space<semaphore_mem>>
        %dma_start3A = arith.constant 0 : i32
        %dma_start3A_55 = tpu.memref_slice %arg15[%dma_start3A] : memref<20480xi32, #tpu.memory_space<vmem>> -> memref<12800xi32, #tpu.memory_space<vmem>>
        %dma_start3A_56 = tpu.memref_slice %arg10[%mul3A_54] : memref<1638400xi32, #tpu.memory_space<hbm>> -> memref<12800xi32, #tpu.memory_space<hbm>>
        %dma_start3A_57 = tpu.memref_slice %arg10[%mul3A_54] : memref<1638400xi32, #tpu.memory_space<hbm>> -> memref<12800xi32, #tpu.memory_space<hbm>>
        %dma_start3A_58 = arith.constant 0 : i32
        %dma_start3A_59 = tpu.memref_slice %arg15[%dma_start3A_58] : memref<20480xi32, #tpu.memory_space<vmem>> -> memref<12800xi32, #tpu.memory_space<vmem>>
        tpu.enqueue_dma source(%dma_start3A_59 : memref<12800xi32, #tpu.memory_space<vmem>>) target(%dma_start3A_57 : memref<12800xi32, #tpu.memory_space<hbm>>) target_semaphore(%run_scoped3A : memref<!tpu.dma_semaphore, #tpu.memory_space<semaphore_mem>>)
        %dma_wait3A_60 = arith.constant 0 : i32
        %dma_wait3A_61 = tpu.memref_slice %arg15[%dma_wait3A_60] : memref<20480xi32, #tpu.memory_space<vmem>> -> memref<12800xi32, #tpu.memory_space<vmem>>
        %dma_wait3A_62 = tpu.memref_slice %arg10[%mul3A_54] : memref<1638400xi32, #tpu.memory_space<hbm>> -> memref<12800xi32, #tpu.memory_space<hbm>>
        %dma_wait3A_63 = tpu.memref_slice %arg10[%mul3A_54] : memref<1638400xi32, #tpu.memory_space<hbm>> -> memref<12800xi32, #tpu.memory_space<hbm>>
        %dma_wait3A_64 = arith.constant 0 : i32
        %dma_wait3A_65 = tpu.memref_slice %arg15[%dma_wait3A_64] : memref<20480xi32, #tpu.memory_space<vmem>> -> memref<12800xi32, #tpu.memory_space<vmem>>
        tpu.wait_dma2 semaphore(%run_scoped3A : memref<!tpu.dma_semaphore, #tpu.memory_space<semaphore_mem>>) src(%dma_wait3A_65 : memref<12800xi32, #tpu.memory_space<vmem>>) dst(%dma_wait3A_63 : memref<12800xi32, #tpu.memory_space<hbm>>)
        tpu.yield
      }) : () -> ()
    }
    %scan3A_20 = arith.constant 4 : i32
    %mul3A_21 = arith.constant 1 : i32
    %mul3A_22 = arith.muli %arg1, %mul3A_21 : i32
    %add3A_23 = arith.constant 0 : i32
    %add3A_24 = arith.addi %add3A_23, %mul3A_22 : i32
    %mul3A_25 = arith.constant 16 : i32
    %mul3A_26 = arith.muli %arg0, %mul3A_25 : i32
    %add3A_27 = arith.addi %add3A_24, %mul3A_26 : i32
    %lt3A = arith.constant 16 : i32
    %lt3A_28 = arith.cmpi slt, %add3A_27, %lt3A : i32
    %jit3A = arith.constant 13 : i32
    %jit3A_29 = arith.constant 12 : i32
    %select_n3A = arith.select %lt3A_28, %jit3A, %jit3A_29 : i32
    %lt3A_30 = arith.constant 16 : i32
    %lt3A_31 = arith.cmpi slt, %add3A_27, %lt3A_30 : i32
    %mul3A_32 = arith.muli %add3A_27, %select_n3A : i32
    %mul3A_33 = arith.constant 12 : i32
    %mul3A_34 = arith.muli %add3A_27, %mul3A_33 : i32
    %add3A_35 = arith.constant 16 : i32
    %add3A_36 = arith.addi %mul3A_34, %add3A_35 : i32
    %select_n3A_37 = arith.select %lt3A_31, %mul3A_32, %add3A_36 : i32
    %mul3A_38 = arith.constant 1 : i32
    %mul3A_39 = arith.muli %mul3A_38, %select_n3A : i32
    "tpu.region"() ({
      %run_scoped3A = memref.alloca() : memref<2x1x128xi32, #tpu.memory_space<vmem>>
      %run_scoped3A_40 = tpu.sem_alloc : memref<2x!tpu.dma_semaphore, #tpu.memory_space<semaphore_mem>>
      %run_scoped3A_41 = memref.alloca() : memref<2x128x128xf32, #tpu.memory_space<vmem>>
      %run_scoped3A_42 = tpu.sem_alloc : memref<2x!tpu.dma_semaphore, #tpu.memory_space<semaphore_mem>>
      %gt3A = arith.constant 0 : i32
      %gt3A_43 = arith.cmpi sgt, %mul3A_39, %gt3A : i32
      %convert_element_type3A = arith.extui %gt3A_43 : i1 to i32
      %cond3A = arith.constant 0 : i32
      %cond3A_44 = arith.cmpi ne, %convert_element_type3A, %cond3A : i32
      scf.if %cond3A_44 {
        %mul3A_45 = arith.constant 1 : i32
        %mul3A_46 = arith.muli %mul3A_45, %select_n3A : i32
        %sub3A = arith.constant 1 : i32
        %sub3A_47 = arith.subi %mul3A_46, %sub3A : i32
        %eq3A = arith.constant 0 : i32
        %eq3A_48 = arith.cmpi eq, %sub3A_47, %eq3A : i32
        %add3A_49 = arith.constant 0 : i32
        %add3A_50 = arith.addi %add3A_49, %select_n3A_37 : i32
        %select_n3A_51 = arith.constant true
        %select_n3A_52 = arith.constant 0 : i32
        %select_n3A_53 = arith.constant -1 : i32
        %select_n3A_54 = arith.select %select_n3A_51, %select_n3A_53, %select_n3A_52 : i32
        %eq3A_55 = arith.constant -1 : i32
        %eq3A_56 = arith.cmpi eq, %select_n3A_54, %eq3A_55 : i32
        %sub3A_57 = arith.constant 1 : i32
        %sub3A_58 = arith.subi %select_n3A, %sub3A_57 : i32
        %select_n3A_59 = arith.select %eq3A_56, %sub3A_58, %select_n3A_54 : i32
        %add3A_60 = arith.addi %select_n3A_59, %select_n3A_37 : i32
        %select_n3A_61 = arith.constant true
        %select_n3A_62 = arith.constant 0 : i32
        %select_n3A_63 = arith.constant 1 : i32
        %select_n3A_64 = arith.select %select_n3A_61, %select_n3A_63, %select_n3A_62 : i32
        %eq3A_65 = arith.cmpi eq, %select_n3A_64, %select_n3A : i32
        %select_n3A_66 = arith.constant 0 : i32
        %select_n3A_67 = arith.select %eq3A_65, %select_n3A_66, %select_n3A_64 : i32
        %add3A_68 = arith.addi %select_n3A_67, %select_n3A_37 : i32
        %add3A_69 = arith.constant 1 : i32
        %add3A_70 = arith.addi %select_n3A_67, %add3A_69 : i32
        %select_n3A_71 = arith.constant true
        %select_n3A_72 = arith.select %select_n3A_71, %add3A_70, %select_n3A_67 : i32
        %eq3A_73 = arith.cmpi eq, %select_n3A_72, %select_n3A : i32
        %select_n3A_74 = arith.constant 0 : i32
        %select_n3A_75 = arith.select %eq3A_73, %select_n3A_74, %select_n3A_72 : i32
        %add3A_76 = arith.addi %select_n3A_75, %select_n3A_37 : i32
        "tpu.trace_start"() <{level = 10 : i32, message = "ep_initialize_0"}> : () -> ()
        %rem3A = arith.constant 0 : i32
        %rem3A_77 = arith.constant 2 : i32
        %rem3A_78 = arith.remui %rem3A, %rem3A_77 : i32
        %mul3A_79 = arith.constant 128 : i32
        %mul3A_80 = arith.muli %mul3A_79, %add3A_50 : i32
        %dma_start3A = arith.constant 0 : i32
        %dma_start3A_81 = arith.constant 0 : i32
        %dma_start3A_82 = tpu.memref_slice %run_scoped3A[%rem3A_78, %dma_start3A, %dma_start3A_81] : memref<2x1x128xi32, #tpu.memory_space<vmem>> -> memref<1x1x128xi32, #tpu.memory_space<vmem>>
        %dma_start3A_83 = tpu.memref_squeeze %dma_start3A_82 : memref<1x1x128xi32, #tpu.memory_space<vmem>> -> memref<1x128xi32, #tpu.memory_space<vmem>>
        %dma_start3A_84 = arith.constant 0 : i32
        %dma_start3A_85 = tpu.memref_slice %arg5[%dma_start3A_84, %mul3A_80] : memref<1x51200xi32, #tpu.memory_space<hbm>> -> memref<1x128xi32, #tpu.memory_space<hbm>>
        %dma_start3A_86 = tpu.memref_slice %run_scoped3A_40[%rem3A_78] : memref<2x!tpu.dma_semaphore, #tpu.memory_space<semaphore_mem>> -> memref<1x!tpu.dma_semaphore, #tpu.memory_space<semaphore_mem>>
        %dma_start3A_87 = tpu.memref_squeeze %dma_start3A_86 : memref<1x!tpu.dma_semaphore, #tpu.memory_space<semaphore_mem>> -> memref<!tpu.dma_semaphore, #tpu.memory_space<semaphore_mem>>
        %dma_start3A_88 = arith.constant 0 : i32
        %dma_start3A_89 = arith.constant 0 : i32
        %dma_start3A_90 = tpu.memref_slice %run_scoped3A[%rem3A_78, %dma_start3A_88, %dma_start3A_89] : memref<2x1x128xi32, #tpu.memory_space<vmem>> -> memref<1x1x128xi32, #tpu.memory_space<vmem>>
        %dma_start3A_91 = tpu.memref_squeeze %dma_start3A_90 : memref<1x1x128xi32, #tpu.memory_space<vmem>> -> memref<1x128xi32, #tpu.memory_space<vmem>>
        %dma_start3A_92 = arith.constant 0 : i32
        %dma_start3A_93 = tpu.memref_slice %arg5[%dma_start3A_92, %mul3A_80] : memref<1x51200xi32, #tpu.memory_space<hbm>> -> memref<1x128xi32, #tpu.memory_space<hbm>>
        tpu.enqueue_dma source(%dma_start3A_93 : memref<1x128xi32, #tpu.memory_space<hbm>>) target(%dma_start3A_91 : memref<1x128xi32, #tpu.memory_space<vmem>>) target_semaphore(%dma_start3A_87 : memref<!tpu.dma_semaphore, #tpu.memory_space<semaphore_mem>>)
        %add3A_94 = arith.constant 0 : i32
        %add3A_95 = arith.constant 1 : i32
        %add3A_96 = arith.addi %add3A_94, %add3A_95 : i32
        %select_n3A_97 = arith.constant true
        %select_n3A_98 = arith.constant 0 : i32
        %select_n3A_99 = arith.select %select_n3A_97, %add3A_96, %select_n3A_98 : i32
        %while3A = arith.constant 0 : i32
        %while3A_100 = arith.constant 0 : i32
        %while3A_101 = arith.constant 0 : i32
        %while3A_102 = arith.constant 0 : i32
        %while3A_103 = arith.constant 0 : i32
        "tpu.trace_stop"() : () -> ()
        %while3A_104 = arith.subi %mul3A_39, %while3A : i32
        %while3A_105 = arith.addi %while3A, %while3A_104 : i32
        %while3A_106 = arith.constant 1 : i32
        %while3A_107 = arith.divsi %while3A_104, %while3A_106 : i32
        %while3A_108 = arith.muli %while3A_107, %while3A_106 : i32
        %while3A_109 = arith.addi %while3A, %while3A_108 : i32
        %while3A_110 = arith.constant 1 : i32
        %while3A_111:5 = scf.for %while3A_165 = %while3A to %while3A_109 step %while3A_110 iter_args(%while3A_166 = %select_n3A_99, %while3A_167 = %while3A_100, %while3A_168 = %while3A_101, %while3A_169 = %while3A_102, %while3A_170 = %while3A_103) -> (i32, i32, i32, i32, i32)  : i32 {
          %mul3A_171 = arith.constant 1 : i32
          %mul3A_172 = arith.muli %mul3A_171, %select_n3A : i32
          %eq3A_173 = arith.constant 0 : i32
          %eq3A_174 = arith.cmpi eq, %while3A_165, %eq3A_173 : i32
          %sub3A_175 = arith.constant 1 : i32
          %sub3A_176 = arith.subi %mul3A_172, %sub3A_175 : i32
          %eq3A_177 = arith.cmpi eq, %while3A_165, %sub3A_176 : i32
          %add3A_178 = arith.addi %while3A_170, %select_n3A_37 : i32
          %sub3A_179 = arith.constant 1 : i32
          %sub3A_180 = arith.subi %while3A_170, %sub3A_179 : i32
          %select_n3A_181 = arith.constant true
          %select_n3A_182 = arith.select %select_n3A_181, %sub3A_180, %while3A_170 : i32
          %eq3A_183 = arith.constant -1 : i32
          %eq3A_184 = arith.cmpi eq, %select_n3A_182, %eq3A_183 : i32
          %sub3A_185 = arith.constant 1 : i32
          %sub3A_186 = arith.subi %select_n3A, %sub3A_185 : i32
          %select_n3A_187 = arith.select %eq3A_184, %sub3A_186, %select_n3A_182 : i32
          %add3A_188 = arith.addi %select_n3A_187, %select_n3A_37 : i32
          %add3A_189 = arith.constant 1 : i32
          %add3A_190 = arith.addi %while3A_170, %add3A_189 : i32
          %select_n3A_191 = arith.constant true
          %select_n3A_192 = arith.select %select_n3A_191, %add3A_190, %while3A_170 : i32
          %eq3A_193 = arith.cmpi eq, %select_n3A_192, %select_n3A : i32
          %select_n3A_194 = arith.constant 0 : i32
          %select_n3A_195 = arith.select %eq3A_193, %select_n3A_194, %select_n3A_192 : i32
          %add3A_196 = arith.addi %select_n3A_195, %select_n3A_37 : i32
          %add3A_197 = arith.constant 1 : i32
          %add3A_198 = arith.addi %select_n3A_195, %add3A_197 : i32
          %select_n3A_199 = arith.constant true
          %select_n3A_200 = arith.select %select_n3A_199, %add3A_198, %select_n3A_195 : i32
          %eq3A_201 = arith.cmpi eq, %select_n3A_200, %select_n3A : i32
          %select_n3A_202 = arith.constant 0 : i32
          %select_n3A_203 = arith.select %eq3A_201, %select_n3A_202, %select_n3A_200 : i32
          %add3A_204 = arith.addi %select_n3A_203, %select_n3A_37 : i32
          %ne3A = arith.cmpi ne, %add3A_178, %add3A_196 : i32
          %or3A = arith.constant false
          %or3A_205 = arith.ori %or3A, %ne3A : i1
          %sub3A_206 = arith.constant 2 : i32
          %sub3A_207 = arith.subi %mul3A_172, %sub3A_206 : i32
          %add3A_208 = arith.constant 1 : i32
          %add3A_209 = arith.addi %sub3A_207, %add3A_208 : i32
          %ge3A = arith.cmpi sge, %while3A_165, %add3A_209 : i32
          %not3A = arith.constant true
          %not3A_210 = arith.xori %ge3A, %not3A : i1
          %and3A = arith.andi %or3A_205, %not3A_210 : i1
          %convert_element_type3A_211 = arith.extui %and3A : i1 to i32
          %cond3A_212 = arith.constant 0 : i32
          %cond3A_213 = arith.cmpi ne, %convert_element_type3A_211, %cond3A_212 : i32
          scf.if %cond3A_213 {
            "tpu.trace_start"() <{level = 10 : i32, message = "ep_copy_in"}> : () -> ()
            %rem3A_317 = arith.constant 2 : i32
            %rem3A_318 = arith.remui %while3A_166, %rem3A_317 : i32
            %mul3A_319 = arith.constant 128 : i32
            %mul3A_320 = arith.muli %mul3A_319, %add3A_196 : i32
            %dma_start3A_321 = arith.constant 0 : i32
            %dma_start3A_322 = arith.constant 0 : i32
            %dma_start3A_323 = tpu.memref_slice %run_scoped3A[%rem3A_318, %dma_start3A_321, %dma_start3A_322] : memref<2x1x128xi32, #tpu.memory_space<vmem>> -> memref<1x1x128xi32, #tpu.memory_space<vmem>>
            %dma_start3A_324 = tpu.memref_squeeze %dma_start3A_323 : memref<1x1x128xi32, #tpu.memory_space<vmem>> -> memref<1x128xi32, #tpu.memory_space<vmem>>
            %dma_start3A_325 = arith.constant 0 : i32
            %dma_start3A_326 = tpu.memref_slice %arg5[%dma_start3A_325, %mul3A_320] : memref<1x51200xi32, #tpu.memory_space<hbm>> -> memref<1x128xi32, #tpu.memory_space<hbm>>
            %dma_start3A_327 = tpu.memref_slice %run_scoped3A_40[%rem3A_318] : memref<2x!tpu.dma_semaphore, #tpu.memory_space<semaphore_mem>> -> memref<1x!tpu.dma_semaphore, #tpu.memory_space<semaphore_mem>>
            %dma_start3A_328 = tpu.memref_squeeze %dma_start3A_327 : memref<1x!tpu.dma_semaphore, #tpu.memory_space<semaphore_mem>> -> memref<!tpu.dma_semaphore, #tpu.memory_space<semaphore_mem>>
            %dma_start3A_329 = arith.constant 0 : i32
            %dma_start3A_330 = arith.constant 0 : i32
            %dma_start3A_331 = tpu.memref_slice %run_scoped3A[%rem3A_318, %dma_start3A_329, %dma_start3A_330] : memref<2x1x128xi32, #tpu.memory_space<vmem>> -> memref<1x1x128xi32, #tpu.memory_space<vmem>>
            %dma_start3A_332 = tpu.memref_squeeze %dma_start3A_331 : memref<1x1x128xi32, #tpu.memory_space<vmem>> -> memref<1x128xi32, #tpu.memory_space<vmem>>
            %dma_start3A_333 = arith.constant 0 : i32
            %dma_start3A_334 = tpu.memref_slice %arg5[%dma_start3A_333, %mul3A_320] : memref<1x51200xi32, #tpu.memory_space<hbm>> -> memref<1x128xi32, #tpu.memory_space<hbm>>
            tpu.enqueue_dma source(%dma_start3A_334 : memref<1x128xi32, #tpu.memory_space<hbm>>) target(%dma_start3A_332 : memref<1x128xi32, #tpu.memory_space<vmem>>) target_semaphore(%dma_start3A_328 : memref<!tpu.dma_semaphore, #tpu.memory_space<semaphore_mem>>)
            "tpu.trace_stop"() : () -> ()
          } else {
          }
          %and3A_214 = arith.constant true
          %and3A_215 = arith.andi %and3A, %and3A_214 : i1
          %add3A_216 = arith.constant 1 : i32
          %add3A_217 = arith.addi %while3A_166, %add3A_216 : i32
          %select_n3A_218 = arith.select %and3A_215, %add3A_217, %while3A_166 : i32
          %ne3A_219 = arith.cmpi ne, %add3A_178, %add3A_196 : i32
          %or3A_220 = arith.constant false
          %or3A_221 = arith.ori %or3A_220, %ne3A_219 : i1
          %or3A_222 = arith.constant false
          %or3A_223 = arith.ori %or3A_221, %or3A_222 : i1
          %sub3A_224 = arith.constant 2 : i32
          %sub3A_225 = arith.subi %mul3A_172, %sub3A_224 : i32
          %add3A_226 = arith.constant 1 : i32
          %add3A_227 = arith.addi %sub3A_225, %add3A_226 : i32
          %ge3A_228 = arith.cmpi sge, %while3A_165, %add3A_227 : i32
          %not3A_229 = arith.constant true
          %not3A_230 = arith.xori %ge3A_228, %not3A_229 : i1
          %and3A_231 = arith.andi %or3A_223, %not3A_230 : i1
          %ne3A_232 = arith.cmpi ne, %add3A_178, %add3A_188 : i32
          %or3A_233 = arith.constant false
          %or3A_234 = arith.ori %or3A_233, %ne3A_232 : i1
          %or3A_235 = arith.ori %or3A_234, %eq3A_174 : i1
          %convert_element_type3A_236 = arith.extui %or3A_235 : i1 to i32
          %cond3A_237 = arith.constant 0 : i32
          %cond3A_238 = arith.cmpi ne, %convert_element_type3A_236, %cond3A_237 : i32
          scf.if %cond3A_238 {
            "tpu.trace_start"() <{level = 10 : i32, message = "ep_wait_in"}> : () -> ()
            %mul3A_317 = arith.constant 128 : i32
            %mul3A_318 = arith.muli %mul3A_317, %add3A_178 : i32
            %rem3A_319 = arith.constant 2 : i32
            %rem3A_320 = arith.remui %while3A_167, %rem3A_319 : i32
            %dma_wait3A_321 = arith.constant 0 : i32
            %dma_wait3A_322 = arith.constant 0 : i32
            %dma_wait3A_323 = tpu.memref_slice %run_scoped3A[%rem3A_320, %dma_wait3A_321, %dma_wait3A_322] : memref<2x1x128xi32, #tpu.memory_space<vmem>> -> memref<1x1x128xi32, #tpu.memory_space<vmem>>
            %dma_wait3A_324 = tpu.memref_squeeze %dma_wait3A_323 : memref<1x1x128xi32, #tpu.memory_space<vmem>> -> memref<1x128xi32, #tpu.memory_space<vmem>>
            %dma_wait3A_325 = arith.constant 0 : i32
            %dma_wait3A_326 = tpu.memref_slice %arg5[%dma_wait3A_325, %mul3A_318] : memref<1x51200xi32, #tpu.memory_space<hbm>> -> memref<1x128xi32, #tpu.memory_space<hbm>>
            %dma_wait3A_327 = tpu.memref_slice %run_scoped3A_40[%rem3A_320] : memref<2x!tpu.dma_semaphore, #tpu.memory_space<semaphore_mem>> -> memref<1x!tpu.dma_semaphore, #tpu.memory_space<semaphore_mem>>
            %dma_wait3A_328 = tpu.memref_squeeze %dma_wait3A_327 : memref<1x!tpu.dma_semaphore, #tpu.memory_space<semaphore_mem>> -> memref<!tpu.dma_semaphore, #tpu.memory_space<semaphore_mem>>
            %dma_wait3A_329 = arith.constant 0 : i32
            %dma_wait3A_330 = arith.constant 0 : i32
            %dma_wait3A_331 = tpu.memref_slice %run_scoped3A[%rem3A_320, %dma_wait3A_329, %dma_wait3A_330] : memref<2x1x128xi32, #tpu.memory_space<vmem>> -> memref<1x1x128xi32, #tpu.memory_space<vmem>>
            %dma_wait3A_332 = tpu.memref_squeeze %dma_wait3A_331 : memref<1x1x128xi32, #tpu.memory_space<vmem>> -> memref<1x128xi32, #tpu.memory_space<vmem>>
            %dma_wait3A_333 = arith.constant 0 : i32
            %dma_wait3A_334 = tpu.memref_slice %arg5[%dma_wait3A_333, %mul3A_318] : memref<1x51200xi32, #tpu.memory_space<hbm>> -> memref<1x128xi32, #tpu.memory_space<hbm>>
            tpu.wait_dma2 semaphore(%dma_wait3A_328 : memref<!tpu.dma_semaphore, #tpu.memory_space<semaphore_mem>>) src(%dma_wait3A_334 : memref<1x128xi32, #tpu.memory_space<hbm>>) dst(%dma_wait3A_332 : memref<1x128xi32, #tpu.memory_space<vmem>>)
            "tpu.trace_stop"() : () -> ()
          } else {
          }
          %ne3A_239 = arith.cmpi ne, %add3A_178, %add3A_188 : i32
          %or3A_240 = arith.constant false
          %or3A_241 = arith.ori %or3A_240, %ne3A_239 : i1
          %or3A_242 = arith.constant false
          %or3A_243 = arith.ori %or3A_241, %or3A_242 : i1
          %or3A_244 = arith.ori %or3A_243, %eq3A_174 : i1
          %convert_element_type3A_245 = arith.extui %or3A_244 : i1 to i32
          %cond3A_246 = arith.constant 0 : i32
          %cond3A_247 = arith.cmpi ne, %convert_element_type3A_245, %cond3A_246 : i32
          scf.if %cond3A_247 {
          } else {
          }
          %rem3A_248 = arith.constant 2 : i32
          %rem3A_249 = arith.remui %while3A_167, %rem3A_248 : i32
          %rem3A_250 = arith.constant 2 : i32
          %rem3A_251 = arith.remui %while3A_168, %rem3A_250 : i32
          %run_scoped3A_252 = arith.constant 0 : i32
          "tpu.trace_start"() <{level = 10 : i32, message = "ep_run_kernel"}> : () -> ()
          "tpu.region"() ({
            %run_scoped3A_317 = tpu.sem_alloc : memref<!tpu.dma_semaphore, #tpu.memory_space<semaphore_mem>>
            %dma_start3A_318 = arith.constant 0 : i32
            %dma_start3A_319 = arith.constant 0 : i32
            %dma_start3A_320 = tpu.memref_slice %run_scoped3A_41[%rem3A_251, %dma_start3A_318, %dma_start3A_319] : memref<2x128x128xf32, #tpu.memory_space<vmem>> -> memref<1x128x128xf32, #tpu.memory_space<vmem>>
            %dma_start3A_321 = tpu.memref_squeeze %dma_start3A_320 : memref<1x128x128xf32, #tpu.memory_space<vmem>> -> memref<128x128xf32, #tpu.memory_space<vmem>>
            %dma_start3A_322 = arith.constant 0 : i32
            %dma_start3A_323 = arith.constant 0 : i32
            %dma_start3A_324 = tpu.memref_slice %run_scoped3A[%rem3A_249, %dma_start3A_322, %dma_start3A_323] : memref<2x1x128xi32, #tpu.memory_space<vmem>> -> memref<1x1x128xi32, #tpu.memory_space<vmem>>
            %dma_start3A_325 = tpu.memref_squeeze %dma_start3A_324 : memref<1x1x128xi32, #tpu.memory_space<vmem>> -> memref<1x128xi32, #tpu.memory_space<vmem>>
            %dma_start3A_326 = arith.constant 0 : i32
            %dma_start3A_327 = tpu.memref_slice %dma_start3A_325[%run_scoped3A_252, %dma_start3A_326] : memref<1x128xi32, #tpu.memory_space<vmem>> -> memref<1x128xi32, #tpu.memory_space<vmem>>
            %dma_start3A_328 = tpu.memref_squeeze %dma_start3A_327 : memref<1x128xi32, #tpu.memory_space<vmem>> -> memref<128xi32, #tpu.memory_space<vmem>>
            %dma_start3A_329 = arith.constant 0 : i32
            %dma_start3A_330 = arith.constant 0 : i32
            %dma_start3A_331 = tpu.memref_slice %arg2[%dma_start3A_329, %dma_start3A_330] : memref<100000x128xf32, #tpu.memory_space<hbm>> -> memref<100000x128xf32, #tpu.memory_space<hbm>>
            tpu.enqueue_indirect_dma source(%dma_start3A_331 : memref<100000x128xf32, #tpu.memory_space<hbm>>) target(%dma_start3A_321 : memref<128x128xf32, #tpu.memory_space<vmem>>) offsets(%dma_start3A_328 : memref<128xi32, #tpu.memory_space<vmem>>) semaphore(%run_scoped3A_317 : memref<!tpu.dma_semaphore, #tpu.memory_space<semaphore_mem>>)
            %dma_wait3A_332 = arith.constant 0 : i32
            %dma_wait3A_333 = arith.constant 0 : i32
            %dma_wait3A_334 = tpu.memref_slice %run_scoped3A_41[%rem3A_251, %dma_wait3A_332, %dma_wait3A_333] : memref<2x128x128xf32, #tpu.memory_space<vmem>> -> memref<1x128x128xf32, #tpu.memory_space<vmem>>
            %dma_wait3A_335 = tpu.memref_squeeze %dma_wait3A_334 : memref<1x128x128xf32, #tpu.memory_space<vmem>> -> memref<128x128xf32, #tpu.memory_space<vmem>>
            %dma_wait3A_336 = arith.constant 0 : i32
            %dma_wait3A_337 = arith.constant 0 : i32
            %dma_wait3A_338 = tpu.memref_slice %run_scoped3A[%rem3A_249, %dma_wait3A_336, %dma_wait3A_337] : memref<2x1x128xi32, #tpu.memory_space<vmem>> -> memref<1x1x128xi32, #tpu.memory_space<vmem>>
            %dma_wait3A_339 = tpu.memref_squeeze %dma_wait3A_338 : memref<1x1x128xi32, #tpu.memory_space<vmem>> -> memref<1x128xi32, #tpu.memory_space<vmem>>
            %dma_wait3A_340 = arith.constant 0 : i32
            %dma_wait3A_341 = tpu.memref_slice %dma_wait3A_339[%run_scoped3A_252, %dma_wait3A_340] : memref<1x128xi32, #tpu.memory_space<vmem>> -> memref<1x128xi32, #tpu.memory_space<vmem>>
            %dma_wait3A_342 = tpu.memref_squeeze %dma_wait3A_341 : memref<1x128xi32, #tpu.memory_space<vmem>> -> memref<128xi32, #tpu.memory_space<vmem>>
            %dma_wait3A_343 = arith.constant 0 : i32
            %dma_wait3A_344 = arith.constant 0 : i32
            %dma_wait3A_345 = tpu.memref_slice %arg2[%dma_wait3A_343, %dma_wait3A_344] : memref<100000x128xf32, #tpu.memory_space<hbm>> -> memref<100000x128xf32, #tpu.memory_space<hbm>>
            tpu.wait_indirect_dma semaphore(%run_scoped3A_317 : memref<!tpu.dma_semaphore, #tpu.memory_space<semaphore_mem>>) src(%dma_wait3A_345 : memref<100000x128xf32, #tpu.memory_space<hbm>>) dst(%dma_wait3A_335 : memref<128x128xf32, #tpu.memory_space<vmem>>)
            tpu.yield
          }) : () -> ()
          "tpu.trace_stop"() : () -> ()
          %ne3A_253 = arith.cmpi ne, %add3A_178, %add3A_196 : i32
          %or3A_254 = arith.constant false
          %or3A_255 = arith.ori %or3A_254, %ne3A_253 : i1
          %or3A_256 = arith.ori %or3A_255, %eq3A_177 : i1
          %convert_element_type3A_257 = arith.extui %or3A_256 : i1 to i32
          %cond3A_258 = arith.constant 0 : i32
          %cond3A_259 = arith.cmpi ne, %convert_element_type3A_257, %cond3A_258 : i32
          scf.if %cond3A_259 {
          } else {
          }
          %and3A_260 = arith.constant false
          %and3A_261 = arith.andi %or3A_256, %and3A_260 : i1
          %ne3A_262 = arith.cmpi ne, %add3A_178, %add3A_196 : i32
          %or3A_263 = arith.constant false
          %or3A_264 = arith.ori %or3A_263, %ne3A_262 : i1
          %or3A_265 = arith.constant false
          %or3A_266 = arith.ori %or3A_264, %or3A_265 : i1
          %or3A_267 = arith.ori %or3A_266, %eq3A_177 : i1
          %convert_element_type3A_268 = arith.extui %or3A_267 : i1 to i32
          %cond3A_269 = arith.constant 0 : i32
          %cond3A_270 = arith.cmpi ne, %convert_element_type3A_268, %cond3A_269 : i32
          scf.if %cond3A_270 {
            "tpu.trace_start"() <{level = 10 : i32, message = "ep_copy_out"}> : () -> ()
            %rem3A_317 = arith.constant 2 : i32
            %rem3A_318 = arith.remui %while3A_168, %rem3A_317 : i32
            %mul3A_319 = arith.constant 128 : i32
            %mul3A_320 = arith.muli %mul3A_319, %add3A_178 : i32
            %dma_start3A_321 = arith.constant 0 : i32
            %dma_start3A_322 = arith.constant 0 : i32
            %dma_start3A_323 = tpu.memref_slice %run_scoped3A_41[%rem3A_318, %dma_start3A_321, %dma_start3A_322] : memref<2x128x128xf32, #tpu.memory_space<vmem>> -> memref<1x128x128xf32, #tpu.memory_space<vmem>>
            %dma_start3A_324 = tpu.memref_squeeze %dma_start3A_323 : memref<1x128x128xf32, #tpu.memory_space<vmem>> -> memref<128x128xf32, #tpu.memory_space<vmem>>
            %dma_start3A_325 = arith.constant 0 : i32
            %dma_start3A_326 = tpu.memref_slice %arg8[%mul3A_320, %dma_start3A_325] : memref<51200x128xf32, #tpu.memory_space<hbm>> -> memref<128x128xf32, #tpu.memory_space<hbm>>
            %dma_start3A_327 = tpu.memref_slice %run_scoped3A_42[%rem3A_318] : memref<2x!tpu.dma_semaphore, #tpu.memory_space<semaphore_mem>> -> memref<1x!tpu.dma_semaphore, #tpu.memory_space<semaphore_mem>>
            %dma_start3A_328 = tpu.memref_squeeze %dma_start3A_327 : memref<1x!tpu.dma_semaphore, #tpu.memory_space<semaphore_mem>> -> memref<!tpu.dma_semaphore, #tpu.memory_space<semaphore_mem>>
            %dma_start3A_329 = arith.constant 0 : i32
            %dma_start3A_330 = tpu.memref_slice %arg8[%mul3A_320, %dma_start3A_329] : memref<51200x128xf32, #tpu.memory_space<hbm>> -> memref<128x128xf32, #tpu.memory_space<hbm>>
            %dma_start3A_331 = arith.constant 0 : i32
            %dma_start3A_332 = arith.constant 0 : i32
            %dma_start3A_333 = tpu.memref_slice %run_scoped3A_41[%rem3A_318, %dma_start3A_331, %dma_start3A_332] : memref<2x128x128xf32, #tpu.memory_space<vmem>> -> memref<1x128x128xf32, #tpu.memory_space<vmem>>
            %dma_start3A_334 = tpu.memref_squeeze %dma_start3A_333 : memref<1x128x128xf32, #tpu.memory_space<vmem>> -> memref<128x128xf32, #tpu.memory_space<vmem>>
            tpu.enqueue_dma source(%dma_start3A_334 : memref<128x128xf32, #tpu.memory_space<vmem>>) target(%dma_start3A_330 : memref<128x128xf32, #tpu.memory_space<hbm>>) target_semaphore(%dma_start3A_328 : memref<!tpu.dma_semaphore, #tpu.memory_space<semaphore_mem>>)
            "tpu.trace_stop"() : () -> ()
          } else {
          }
          %and3A_271 = arith.constant true
          %and3A_272 = arith.andi %or3A_267, %and3A_271 : i1
          %add3A_273 = arith.constant 1 : i32
          %add3A_274 = arith.addi %while3A_168, %add3A_273 : i32
          %select_n3A_275 = arith.select %and3A_272, %add3A_274, %while3A_168 : i32
          %ne3A_276 = arith.cmpi ne, %add3A_178, %add3A_188 : i32
          %or3A_277 = arith.constant false
          %or3A_278 = arith.ori %or3A_277, %ne3A_276 : i1
          %not3A_279 = arith.constant true
          %not3A_280 = arith.xori %eq3A_174, %not3A_279 : i1
          %and3A_281 = arith.andi %or3A_278, %not3A_280 : i1
          %convert_element_type3A_282 = arith.extui %and3A_281 : i1 to i32
          %cond3A_283 = arith.constant 0 : i32
          %cond3A_284 = arith.cmpi ne, %convert_element_type3A_282, %cond3A_283 : i32
          scf.if %cond3A_284 {
          } else {
          }
          %and3A_285 = arith.constant false
          %and3A_286 = arith.andi %and3A_281, %and3A_285 : i1
          %ne3A_287 = arith.cmpi ne, %add3A_178, %add3A_188 : i32
          %or3A_288 = arith.constant false
          %or3A_289 = arith.ori %or3A_288, %ne3A_287 : i1
          %or3A_290 = arith.constant false
          %or3A_291 = arith.ori %or3A_289, %or3A_290 : i1
          %not3A_292 = arith.constant true
          %not3A_293 = arith.xori %eq3A_174, %not3A_292 : i1
          %and3A_294 = arith.andi %or3A_291, %not3A_293 : i1
          %convert_element_type3A_295 = arith.extui %and3A_294 : i1 to i32
          %cond3A_296 = arith.constant 0 : i32
          %cond3A_297 = arith.cmpi ne, %convert_element_type3A_295, %cond3A_296 : i32
          scf.if %cond3A_297 {
            "tpu.trace_start"() <{level = 10 : i32, message = "ep_wait_out"}> : () -> ()
            %rem3A_317 = arith.constant 2 : i32
            %rem3A_318 = arith.remui %while3A_169, %rem3A_317 : i32
            %mul3A_319 = arith.constant 128 : i32
            %mul3A_320 = arith.muli %mul3A_319, %add3A_188 : i32
            %dma_wait3A_321 = arith.constant 0 : i32
            %dma_wait3A_322 = arith.constant 0 : i32
            %dma_wait3A_323 = tpu.memref_slice %run_scoped3A_41[%rem3A_318, %dma_wait3A_321, %dma_wait3A_322] : memref<2x128x128xf32, #tpu.memory_space<vmem>> -> memref<1x128x128xf32, #tpu.memory_space<vmem>>
            %dma_wait3A_324 = tpu.memref_squeeze %dma_wait3A_323 : memref<1x128x128xf32, #tpu.memory_space<vmem>> -> memref<128x128xf32, #tpu.memory_space<vmem>>
            %dma_wait3A_325 = arith.constant 0 : i32
            %dma_wait3A_326 = tpu.memref_slice %arg8[%mul3A_320, %dma_wait3A_325] : memref<51200x128xf32, #tpu.memory_space<hbm>> -> memref<128x128xf32, #tpu.memory_space<hbm>>
            %dma_wait3A_327 = tpu.memref_slice %run_scoped3A_42[%rem3A_318] : memref<2x!tpu.dma_semaphore, #tpu.memory_space<semaphore_mem>> -> memref<1x!tpu.dma_semaphore, #tpu.memory_space<semaphore_mem>>
            %dma_wait3A_328 = tpu.memref_squeeze %dma_wait3A_327 : memref<1x!tpu.dma_semaphore, #tpu.memory_space<semaphore_mem>> -> memref<!tpu.dma_semaphore, #tpu.memory_space<semaphore_mem>>
            %dma_wait3A_329 = arith.constant 0 : i32
            %dma_wait3A_330 = tpu.memref_slice %arg8[%mul3A_320, %dma_wait3A_329] : memref<51200x128xf32, #tpu.memory_space<hbm>> -> memref<128x128xf32, #tpu.memory_space<hbm>>
            %dma_wait3A_331 = arith.constant 0 : i32
            %dma_wait3A_332 = arith.constant 0 : i32
            %dma_wait3A_333 = tpu.memref_slice %run_scoped3A_41[%rem3A_318, %dma_wait3A_331, %dma_wait3A_332] : memref<2x128x128xf32, #tpu.memory_space<vmem>> -> memref<1x128x128xf32, #tpu.memory_space<vmem>>
            %dma_wait3A_334 = tpu.memref_squeeze %dma_wait3A_333 : memref<1x128x128xf32, #tpu.memory_space<vmem>> -> memref<128x128xf32, #tpu.memory_space<vmem>>
            tpu.wait_dma2 semaphore(%dma_wait3A_328 : memref<!tpu.dma_semaphore, #tpu.memory_space<semaphore_mem>>) src(%dma_wait3A_334 : memref<128x128xf32, #tpu.memory_space<vmem>>) dst(%dma_wait3A_330 : memref<128x128xf32, #tpu.memory_space<hbm>>)
            "tpu.trace_stop"() : () -> ()
          } else {
          }
          %and3A_298 = arith.constant true
          %and3A_299 = arith.andi %and3A_294, %and3A_298 : i1
          %add3A_300 = arith.constant 1 : i32
          %add3A_301 = arith.addi %while3A_169, %add3A_300 : i32
          %select_n3A_302 = arith.select %and3A_299, %add3A_301, %while3A_169 : i32
          %ne3A_303 = arith.cmpi ne, %add3A_178, %add3A_196 : i32
          %or3A_304 = arith.constant false
          %or3A_305 = arith.ori %or3A_304, %ne3A_303 : i1
          %or3A_306 = arith.ori %or3A_305, %eq3A_177 : i1
          %add3A_307 = arith.constant 1 : i32
          %add3A_308 = arith.addi %while3A_167, %add3A_307 : i32
          %select_n3A_309 = arith.select %or3A_306, %add3A_308, %while3A_167 : i32
          %add3A_310 = arith.constant 1 : i32
          %add3A_311 = arith.addi %while3A_170, %add3A_310 : i32
          %select_n3A_312 = arith.constant true
          %select_n3A_313 = arith.select %select_n3A_312, %add3A_311, %while3A_170 : i32
          %eq3A_314 = arith.cmpi eq, %select_n3A_313, %select_n3A : i32
          %select_n3A_315 = arith.constant 0 : i32
          %select_n3A_316 = arith.select %eq3A_314, %select_n3A_315, %select_n3A_313 : i32
          scf.yield %select_n3A_218, %select_n3A_309, %select_n3A_275, %select_n3A_302, %select_n3A_316 : i32, i32, i32, i32, i32
        }
        %while3A_112 = arith.constant 1 : i32
        %while3A_113:5 = scf.for %while3A_165 = %while3A_109 to %while3A_105 step %while3A_112 iter_args(%while3A_166 = %while3A_111#0, %while3A_167 = %while3A_111#1, %while3A_168 = %while3A_111#2, %while3A_169 = %while3A_111#3, %while3A_170 = %while3A_111#4) -> (i32, i32, i32, i32, i32)  : i32 {
          %mul3A_171 = arith.constant 1 : i32
          %mul3A_172 = arith.muli %mul3A_171, %select_n3A : i32
          %eq3A_173 = arith.constant 0 : i32
          %eq3A_174 = arith.cmpi eq, %while3A_165, %eq3A_173 : i32
          %sub3A_175 = arith.constant 1 : i32
          %sub3A_176 = arith.subi %mul3A_172, %sub3A_175 : i32
          %eq3A_177 = arith.cmpi eq, %while3A_165, %sub3A_176 : i32
          %add3A_178 = arith.addi %while3A_170, %select_n3A_37 : i32
          %sub3A_179 = arith.constant 1 : i32
          %sub3A_180 = arith.subi %while3A_170, %sub3A_179 : i32
          %select_n3A_181 = arith.constant true
          %select_n3A_182 = arith.select %select_n3A_181, %sub3A_180, %while3A_170 : i32
          %eq3A_183 = arith.constant -1 : i32
          %eq3A_184 = arith.cmpi eq, %select_n3A_182, %eq3A_183 : i32
          %sub3A_185 = arith.constant 1 : i32
          %sub3A_186 = arith.subi %select_n3A, %sub3A_185 : i32
          %select_n3A_187 = arith.select %eq3A_184, %sub3A_186, %select_n3A_182 : i32
          %add3A_188 = arith.addi %select_n3A_187, %select_n3A_37 : i32
          %add3A_189 = arith.constant 1 : i32
          %add3A_190 = arith.addi %while3A_170, %add3A_189 : i32
          %select_n3A_191 = arith.constant true
          %select_n3A_192 = arith.select %select_n3A_191, %add3A_190, %while3A_170 : i32
          %eq3A_193 = arith.cmpi eq, %select_n3A_192, %select_n3A : i32
          %select_n3A_194 = arith.constant 0 : i32
          %select_n3A_195 = arith.select %eq3A_193, %select_n3A_194, %select_n3A_192 : i32
          %add3A_196 = arith.addi %select_n3A_195, %select_n3A_37 : i32
          %add3A_197 = arith.constant 1 : i32
          %add3A_198 = arith.addi %select_n3A_195, %add3A_197 : i32
          %select_n3A_199 = arith.constant true
          %select_n3A_200 = arith.select %select_n3A_199, %add3A_198, %select_n3A_195 : i32
          %eq3A_201 = arith.cmpi eq, %select_n3A_200, %select_n3A : i32
          %select_n3A_202 = arith.constant 0 : i32
          %select_n3A_203 = arith.select %eq3A_201, %select_n3A_202, %select_n3A_200 : i32
          %add3A_204 = arith.addi %select_n3A_203, %select_n3A_37 : i32
          %ne3A = arith.cmpi ne, %add3A_178, %add3A_196 : i32
          %or3A = arith.constant false
          %or3A_205 = arith.ori %or3A, %ne3A : i1
          %sub3A_206 = arith.constant 2 : i32
          %sub3A_207 = arith.subi %mul3A_172, %sub3A_206 : i32
          %add3A_208 = arith.constant 1 : i32
          %add3A_209 = arith.addi %sub3A_207, %add3A_208 : i32
          %ge3A = arith.cmpi sge, %while3A_165, %add3A_209 : i32
          %not3A = arith.constant true
          %not3A_210 = arith.xori %ge3A, %not3A : i1
          %and3A = arith.andi %or3A_205, %not3A_210 : i1
          %convert_element_type3A_211 = arith.extui %and3A : i1 to i32
          %cond3A_212 = arith.constant 0 : i32
          %cond3A_213 = arith.cmpi ne, %convert_element_type3A_211, %cond3A_212 : i32
          scf.if %cond3A_213 {
            "tpu.trace_start"() <{level = 10 : i32, message = "ep_copy_in"}> : () -> ()
            %rem3A_317 = arith.constant 2 : i32
            %rem3A_318 = arith.remui %while3A_166, %rem3A_317 : i32
            %mul3A_319 = arith.constant 128 : i32
            %mul3A_320 = arith.muli %mul3A_319, %add3A_196 : i32
            %dma_start3A_321 = arith.constant 0 : i32
            %dma_start3A_322 = arith.constant 0 : i32
            %dma_start3A_323 = tpu.memref_slice %run_scoped3A[%rem3A_318, %dma_start3A_321, %dma_start3A_322] : memref<2x1x128xi32, #tpu.memory_space<vmem>> -> memref<1x1x128xi32, #tpu.memory_space<vmem>>
            %dma_start3A_324 = tpu.memref_squeeze %dma_start3A_323 : memref<1x1x128xi32, #tpu.memory_space<vmem>> -> memref<1x128xi32, #tpu.memory_space<vmem>>
            %dma_start3A_325 = arith.constant 0 : i32
            %dma_start3A_326 = tpu.memref_slice %arg5[%dma_start3A_325, %mul3A_320] : memref<1x51200xi32, #tpu.memory_space<hbm>> -> memref<1x128xi32, #tpu.memory_space<hbm>>
            %dma_start3A_327 = tpu.memref_slice %run_scoped3A_40[%rem3A_318] : memref<2x!tpu.dma_semaphore, #tpu.memory_space<semaphore_mem>> -> memref<1x!tpu.dma_semaphore, #tpu.memory_space<semaphore_mem>>
            %dma_start3A_328 = tpu.memref_squeeze %dma_start3A_327 : memref<1x!tpu.dma_semaphore, #tpu.memory_space<semaphore_mem>> -> memref<!tpu.dma_semaphore, #tpu.memory_space<semaphore_mem>>
            %dma_start3A_329 = arith.constant 0 : i32
            %dma_start3A_330 = arith.constant 0 : i32
            %dma_start3A_331 = tpu.memref_slice %run_scoped3A[%rem3A_318, %dma_start3A_329, %dma_start3A_330] : memref<2x1x128xi32, #tpu.memory_space<vmem>> -> memref<1x1x128xi32, #tpu.memory_space<vmem>>
            %dma_start3A_332 = tpu.memref_squeeze %dma_start3A_331 : memref<1x1x128xi32, #tpu.memory_space<vmem>> -> memref<1x128xi32, #tpu.memory_space<vmem>>
            %dma_start3A_333 = arith.constant 0 : i32
            %dma_start3A_334 = tpu.memref_slice %arg5[%dma_start3A_333, %mul3A_320] : memref<1x51200xi32, #tpu.memory_space<hbm>> -> memref<1x128xi32, #tpu.memory_space<hbm>>
            tpu.enqueue_dma source(%dma_start3A_334 : memref<1x128xi32, #tpu.memory_space<hbm>>) target(%dma_start3A_332 : memref<1x128xi32, #tpu.memory_space<vmem>>) target_semaphore(%dma_start3A_328 : memref<!tpu.dma_semaphore, #tpu.memory_space<semaphore_mem>>)
            "tpu.trace_stop"() : () -> ()
          } else {
          }
          %and3A_214 = arith.constant true
          %and3A_215 = arith.andi %and3A, %and3A_214 : i1
          %add3A_216 = arith.constant 1 : i32
          %add3A_217 = arith.addi %while3A_166, %add3A_216 : i32
          %select_n3A_218 = arith.select %and3A_215, %add3A_217, %while3A_166 : i32
          %ne3A_219 = arith.cmpi ne, %add3A_178, %add3A_196 : i32
          %or3A_220 = arith.constant false
          %or3A_221 = arith.ori %or3A_220, %ne3A_219 : i1
          %or3A_222 = arith.constant false
          %or3A_223 = arith.ori %or3A_221, %or3A_222 : i1
          %sub3A_224 = arith.constant 2 : i32
          %sub3A_225 = arith.subi %mul3A_172, %sub3A_224 : i32
          %add3A_226 = arith.constant 1 : i32
          %add3A_227 = arith.addi %sub3A_225, %add3A_226 : i32
          %ge3A_228 = arith.cmpi sge, %while3A_165, %add3A_227 : i32
          %not3A_229 = arith.constant true
          %not3A_230 = arith.xori %ge3A_228, %not3A_229 : i1
          %and3A_231 = arith.andi %or3A_223, %not3A_230 : i1
          %ne3A_232 = arith.cmpi ne, %add3A_178, %add3A_188 : i32
          %or3A_233 = arith.constant false
          %or3A_234 = arith.ori %or3A_233, %ne3A_232 : i1
          %or3A_235 = arith.ori %or3A_234, %eq3A_174 : i1
          %convert_element_type3A_236 = arith.extui %or3A_235 : i1 to i32
          %cond3A_237 = arith.constant 0 : i32
          %cond3A_238 = arith.cmpi ne, %convert_element_type3A_236, %cond3A_237 : i32
          scf.if %cond3A_238 {
            "tpu.trace_start"() <{level = 10 : i32, message = "ep_wait_in"}> : () -> ()
            %mul3A_317 = arith.constant 128 : i32
            %mul3A_318 = arith.muli %mul3A_317, %add3A_178 : i32
            %rem3A_319 = arith.constant 2 : i32
            %rem3A_320 = arith.remui %while3A_167, %rem3A_319 : i32
            %dma_wait3A_321 = arith.constant 0 : i32
            %dma_wait3A_322 = arith.constant 0 : i32
            %dma_wait3A_323 = tpu.memref_slice %run_scoped3A[%rem3A_320, %dma_wait3A_321, %dma_wait3A_322] : memref<2x1x128xi32, #tpu.memory_space<vmem>> -> memref<1x1x128xi32, #tpu.memory_space<vmem>>
            %dma_wait3A_324 = tpu.memref_squeeze %dma_wait3A_323 : memref<1x1x128xi32, #tpu.memory_space<vmem>> -> memref<1x128xi32, #tpu.memory_space<vmem>>
            %dma_wait3A_325 = arith.constant 0 : i32
            %dma_wait3A_326 = tpu.memref_slice %arg5[%dma_wait3A_325, %mul3A_318] : memref<1x51200xi32, #tpu.memory_space<hbm>> -> memref<1x128xi32, #tpu.memory_space<hbm>>
            %dma_wait3A_327 = tpu.memref_slice %run_scoped3A_40[%rem3A_320] : memref<2x!tpu.dma_semaphore, #tpu.memory_space<semaphore_mem>> -> memref<1x!tpu.dma_semaphore, #tpu.memory_space<semaphore_mem>>
            %dma_wait3A_328 = tpu.memref_squeeze %dma_wait3A_327 : memref<1x!tpu.dma_semaphore, #tpu.memory_space<semaphore_mem>> -> memref<!tpu.dma_semaphore, #tpu.memory_space<semaphore_mem>>
            %dma_wait3A_329 = arith.constant 0 : i32
            %dma_wait3A_330 = arith.constant 0 : i32
            %dma_wait3A_331 = tpu.memref_slice %run_scoped3A[%rem3A_320, %dma_wait3A_329, %dma_wait3A_330] : memref<2x1x128xi32, #tpu.memory_space<vmem>> -> memref<1x1x128xi32, #tpu.memory_space<vmem>>
            %dma_wait3A_332 = tpu.memref_squeeze %dma_wait3A_331 : memref<1x1x128xi32, #tpu.memory_space<vmem>> -> memref<1x128xi32, #tpu.memory_space<vmem>>
            %dma_wait3A_333 = arith.constant 0 : i32
            %dma_wait3A_334 = tpu.memref_slice %arg5[%dma_wait3A_333, %mul3A_318] : memref<1x51200xi32, #tpu.memory_space<hbm>> -> memref<1x128xi32, #tpu.memory_space<hbm>>
            tpu.wait_dma2 semaphore(%dma_wait3A_328 : memref<!tpu.dma_semaphore, #tpu.memory_space<semaphore_mem>>) src(%dma_wait3A_334 : memref<1x128xi32, #tpu.memory_space<hbm>>) dst(%dma_wait3A_332 : memref<1x128xi32, #tpu.memory_space<vmem>>)
            "tpu.trace_stop"() : () -> ()
          } else {
          }
          %ne3A_239 = arith.cmpi ne, %add3A_178, %add3A_188 : i32
          %or3A_240 = arith.constant false
          %or3A_241 = arith.ori %or3A_240, %ne3A_239 : i1
          %or3A_242 = arith.constant false
          %or3A_243 = arith.ori %or3A_241, %or3A_242 : i1
          %or3A_244 = arith.ori %or3A_243, %eq3A_174 : i1
          %convert_element_type3A_245 = arith.extui %or3A_244 : i1 to i32
          %cond3A_246 = arith.constant 0 : i32
          %cond3A_247 = arith.cmpi ne, %convert_element_type3A_245, %cond3A_246 : i32
          scf.if %cond3A_247 {
          } else {
          }
          %rem3A_248 = arith.constant 2 : i32
          %rem3A_249 = arith.remui %while3A_167, %rem3A_248 : i32
          %rem3A_250 = arith.constant 2 : i32
          %rem3A_251 = arith.remui %while3A_168, %rem3A_250 : i32
          %run_scoped3A_252 = arith.constant 0 : i32
          "tpu.trace_start"() <{level = 10 : i32, message = "ep_run_kernel"}> : () -> ()
          "tpu.region"() ({
            %run_scoped3A_317 = tpu.sem_alloc : memref<!tpu.dma_semaphore, #tpu.memory_space<semaphore_mem>>
            %dma_start3A_318 = arith.constant 0 : i32
            %dma_start3A_319 = arith.constant 0 : i32
            %dma_start3A_320 = tpu.memref_slice %run_scoped3A_41[%rem3A_251, %dma_start3A_318, %dma_start3A_319] : memref<2x128x128xf32, #tpu.memory_space<vmem>> -> memref<1x128x128xf32, #tpu.memory_space<vmem>>
            %dma_start3A_321 = tpu.memref_squeeze %dma_start3A_320 : memref<1x128x128xf32, #tpu.memory_space<vmem>> -> memref<128x128xf32, #tpu.memory_space<vmem>>
            %dma_start3A_322 = arith.constant 0 : i32
            %dma_start3A_323 = arith.constant 0 : i32
            %dma_start3A_324 = tpu.memref_slice %run_scoped3A[%rem3A_249, %dma_start3A_322, %dma_start3A_323] : memref<2x1x128xi32, #tpu.memory_space<vmem>> -> memref<1x1x128xi32, #tpu.memory_space<vmem>>
            %dma_start3A_325 = tpu.memref_squeeze %dma_start3A_324 : memref<1x1x128xi32, #tpu.memory_space<vmem>> -> memref<1x128xi32, #tpu.memory_space<vmem>>
            %dma_start3A_326 = arith.constant 0 : i32
            %dma_start3A_327 = tpu.memref_slice %dma_start3A_325[%run_scoped3A_252, %dma_start3A_326] : memref<1x128xi32, #tpu.memory_space<vmem>> -> memref<1x128xi32, #tpu.memory_space<vmem>>
            %dma_start3A_328 = tpu.memref_squeeze %dma_start3A_327 : memref<1x128xi32, #tpu.memory_space<vmem>> -> memref<128xi32, #tpu.memory_space<vmem>>
            %dma_start3A_329 = arith.constant 0 : i32
            %dma_start3A_330 = arith.constant 0 : i32
            %dma_start3A_331 = tpu.memref_slice %arg2[%dma_start3A_329, %dma_start3A_330] : memref<100000x128xf32, #tpu.memory_space<hbm>> -> memref<100000x128xf32, #tpu.memory_space<hbm>>
            tpu.enqueue_indirect_dma source(%dma_start3A_331 : memref<100000x128xf32, #tpu.memory_space<hbm>>) target(%dma_start3A_321 : memref<128x128xf32, #tpu.memory_space<vmem>>) offsets(%dma_start3A_328 : memref<128xi32, #tpu.memory_space<vmem>>) semaphore(%run_scoped3A_317 : memref<!tpu.dma_semaphore, #tpu.memory_space<semaphore_mem>>)
            %dma_wait3A_332 = arith.constant 0 : i32
            %dma_wait3A_333 = arith.constant 0 : i32
            %dma_wait3A_334 = tpu.memref_slice %run_scoped3A_41[%rem3A_251, %dma_wait3A_332, %dma_wait3A_333] : memref<2x128x128xf32, #tpu.memory_space<vmem>> -> memref<1x128x128xf32, #tpu.memory_space<vmem>>
            %dma_wait3A_335 = tpu.memref_squeeze %dma_wait3A_334 : memref<1x128x128xf32, #tpu.memory_space<vmem>> -> memref<128x128xf32, #tpu.memory_space<vmem>>
            %dma_wait3A_336 = arith.constant 0 : i32
            %dma_wait3A_337 = arith.constant 0 : i32
            %dma_wait3A_338 = tpu.memref_slice %run_scoped3A[%rem3A_249, %dma_wait3A_336, %dma_wait3A_337] : memref<2x1x128xi32, #tpu.memory_space<vmem>> -> memref<1x1x128xi32, #tpu.memory_space<vmem>>
            %dma_wait3A_339 = tpu.memref_squeeze %dma_wait3A_338 : memref<1x1x128xi32, #tpu.memory_space<vmem>> -> memref<1x128xi32, #tpu.memory_space<vmem>>
            %dma_wait3A_340 = arith.constant 0 : i32
            %dma_wait3A_341 = tpu.memref_slice %dma_wait3A_339[%run_scoped3A_252, %dma_wait3A_340] : memref<1x128xi32, #tpu.memory_space<vmem>> -> memref<1x128xi32, #tpu.memory_space<vmem>>
            %dma_wait3A_342 = tpu.memref_squeeze %dma_wait3A_341 : memref<1x128xi32, #tpu.memory_space<vmem>> -> memref<128xi32, #tpu.memory_space<vmem>>
            %dma_wait3A_343 = arith.constant 0 : i32
            %dma_wait3A_344 = arith.constant 0 : i32
            %dma_wait3A_345 = tpu.memref_slice %arg2[%dma_wait3A_343, %dma_wait3A_344] : memref<100000x128xf32, #tpu.memory_space<hbm>> -> memref<100000x128xf32, #tpu.memory_space<hbm>>
            tpu.wait_indirect_dma semaphore(%run_scoped3A_317 : memref<!tpu.dma_semaphore, #tpu.memory_space<semaphore_mem>>) src(%dma_wait3A_345 : memref<100000x128xf32, #tpu.memory_space<hbm>>) dst(%dma_wait3A_335 : memref<128x128xf32, #tpu.memory_space<vmem>>)
            tpu.yield
          }) : () -> ()
          "tpu.trace_stop"() : () -> ()
          %ne3A_253 = arith.cmpi ne, %add3A_178, %add3A_196 : i32
          %or3A_254 = arith.constant false
          %or3A_255 = arith.ori %or3A_254, %ne3A_253 : i1
          %or3A_256 = arith.ori %or3A_255, %eq3A_177 : i1
          %convert_element_type3A_257 = arith.extui %or3A_256 : i1 to i32
          %cond3A_258 = arith.constant 0 : i32
          %cond3A_259 = arith.cmpi ne, %convert_element_type3A_257, %cond3A_258 : i32
          scf.if %cond3A_259 {
          } else {
          }
          %and3A_260 = arith.constant false
          %and3A_261 = arith.andi %or3A_256, %and3A_260 : i1
          %ne3A_262 = arith.cmpi ne, %add3A_178, %add3A_196 : i32
          %or3A_263 = arith.constant false
          %or3A_264 = arith.ori %or3A_263, %ne3A_262 : i1
          %or3A_265 = arith.constant false
          %or3A_266 = arith.ori %or3A_264, %or3A_265 : i1
          %or3A_267 = arith.ori %or3A_266, %eq3A_177 : i1
          %convert_element_type3A_268 = arith.extui %or3A_267 : i1 to i32
          %cond3A_269 = arith.constant 0 : i32
          %cond3A_270 = arith.cmpi ne, %convert_element_type3A_268, %cond3A_269 : i32
          scf.if %cond3A_270 {
            "tpu.trace_start"() <{level = 10 : i32, message = "ep_copy_out"}> : () -> ()
            %rem3A_317 = arith.constant 2 : i32
            %rem3A_318 = arith.remui %while3A_168, %rem3A_317 : i32
            %mul3A_319 = arith.constant 128 : i32
            %mul3A_320 = arith.muli %mul3A_319, %add3A_178 : i32
            %dma_start3A_321 = arith.constant 0 : i32
            %dma_start3A_322 = arith.constant 0 : i32
            %dma_start3A_323 = tpu.memref_slice %run_scoped3A_41[%rem3A_318, %dma_start3A_321, %dma_start3A_322] : memref<2x128x128xf32, #tpu.memory_space<vmem>> -> memref<1x128x128xf32, #tpu.memory_space<vmem>>
            %dma_start3A_324 = tpu.memref_squeeze %dma_start3A_323 : memref<1x128x128xf32, #tpu.memory_space<vmem>> -> memref<128x128xf32, #tpu.memory_space<vmem>>
            %dma_start3A_325 = arith.constant 0 : i32
            %dma_start3A_326 = tpu.memref_slice %arg8[%mul3A_320, %dma_start3A_325] : memref<51200x128xf32, #tpu.memory_space<hbm>> -> memref<128x128xf32, #tpu.memory_space<hbm>>
            %dma_start3A_327 = tpu.memref_slice %run_scoped3A_42[%rem3A_318] : memref<2x!tpu.dma_semaphore, #tpu.memory_space<semaphore_mem>> -> memref<1x!tpu.dma_semaphore, #tpu.memory_space<semaphore_mem>>
            %dma_start3A_328 = tpu.memref_squeeze %dma_start3A_327 : memref<1x!tpu.dma_semaphore, #tpu.memory_space<semaphore_mem>> -> memref<!tpu.dma_semaphore, #tpu.memory_space<semaphore_mem>>
            %dma_start3A_329 = arith.constant 0 : i32
            %dma_start3A_330 = tpu.memref_slice %arg8[%mul3A_320, %dma_start3A_329] : memref<51200x128xf32, #tpu.memory_space<hbm>> -> memref<128x128xf32, #tpu.memory_space<hbm>>
            %dma_start3A_331 = arith.constant 0 : i32
            %dma_start3A_332 = arith.constant 0 : i32
            %dma_start3A_333 = tpu.memref_slice %run_scoped3A_41[%rem3A_318, %dma_start3A_331, %dma_start3A_332] : memref<2x128x128xf32, #tpu.memory_space<vmem>> -> memref<1x128x128xf32, #tpu.memory_space<vmem>>
            %dma_start3A_334 = tpu.memref_squeeze %dma_start3A_333 : memref<1x128x128xf32, #tpu.memory_space<vmem>> -> memref<128x128xf32, #tpu.memory_space<vmem>>
            tpu.enqueue_dma source(%dma_start3A_334 : memref<128x128xf32, #tpu.memory_space<vmem>>) target(%dma_start3A_330 : memref<128x128xf32, #tpu.memory_space<hbm>>) target_semaphore(%dma_start3A_328 : memref<!tpu.dma_semaphore, #tpu.memory_space<semaphore_mem>>)
            "tpu.trace_stop"() : () -> ()
          } else {
          }
          %and3A_271 = arith.constant true
          %and3A_272 = arith.andi %or3A_267, %and3A_271 : i1
          %add3A_273 = arith.constant 1 : i32
          %add3A_274 = arith.addi %while3A_168, %add3A_273 : i32
          %select_n3A_275 = arith.select %and3A_272, %add3A_274, %while3A_168 : i32
          %ne3A_276 = arith.cmpi ne, %add3A_178, %add3A_188 : i32
          %or3A_277 = arith.constant false
          %or3A_278 = arith.ori %or3A_277, %ne3A_276 : i1
          %not3A_279 = arith.constant true
          %not3A_280 = arith.xori %eq3A_174, %not3A_279 : i1
          %and3A_281 = arith.andi %or3A_278, %not3A_280 : i1
          %convert_element_type3A_282 = arith.extui %and3A_281 : i1 to i32
          %cond3A_283 = arith.constant 0 : i32
          %cond3A_284 = arith.cmpi ne, %convert_element_type3A_282, %cond3A_283 : i32
          scf.if %cond3A_284 {
          } else {
          }
          %and3A_285 = arith.constant false
          %and3A_286 = arith.andi %and3A_281, %and3A_285 : i1
          %ne3A_287 = arith.cmpi ne, %add3A_178, %add3A_188 : i32
          %or3A_288 = arith.constant false
          %or3A_289 = arith.ori %or3A_288, %ne3A_287 : i1
          %or3A_290 = arith.constant false
          %or3A_291 = arith.ori %or3A_289, %or3A_290 : i1
          %not3A_292 = arith.constant true
          %not3A_293 = arith.xori %eq3A_174, %not3A_292 : i1
          %and3A_294 = arith.andi %or3A_291, %not3A_293 : i1
          %convert_element_type3A_295 = arith.extui %and3A_294 : i1 to i32
          %cond3A_296 = arith.constant 0 : i32
          %cond3A_297 = arith.cmpi ne, %convert_element_type3A_295, %cond3A_296 : i32
          scf.if %cond3A_297 {
            "tpu.trace_start"() <{level = 10 : i32, message = "ep_wait_out"}> : () -> ()
            %rem3A_317 = arith.constant 2 : i32
            %rem3A_318 = arith.remui %while3A_169, %rem3A_317 : i32
            %mul3A_319 = arith.constant 128 : i32
            %mul3A_320 = arith.muli %mul3A_319, %add3A_188 : i32
            %dma_wait3A_321 = arith.constant 0 : i32
            %dma_wait3A_322 = arith.constant 0 : i32
            %dma_wait3A_323 = tpu.memref_slice %run_scoped3A_41[%rem3A_318, %dma_wait3A_321, %dma_wait3A_322] : memref<2x128x128xf32, #tpu.memory_space<vmem>> -> memref<1x128x128xf32, #tpu.memory_space<vmem>>
            %dma_wait3A_324 = tpu.memref_squeeze %dma_wait3A_323 : memref<1x128x128xf32, #tpu.memory_space<vmem>> -> memref<128x128xf32, #tpu.memory_space<vmem>>
            %dma_wait3A_325 = arith.constant 0 : i32
            %dma_wait3A_326 = tpu.memref_slice %arg8[%mul3A_320, %dma_wait3A_325] : memref<51200x128xf32, #tpu.memory_space<hbm>> -> memref<128x128xf32, #tpu.memory_space<hbm>>
            %dma_wait3A_327 = tpu.memref_slice %run_scoped3A_42[%rem3A_318] : memref<2x!tpu.dma_semaphore, #tpu.memory_space<semaphore_mem>> -> memref<1x!tpu.dma_semaphore, #tpu.memory_space<semaphore_mem>>
            %dma_wait3A_328 = tpu.memref_squeeze %dma_wait3A_327 : memref<1x!tpu.dma_semaphore, #tpu.memory_space<semaphore_mem>> -> memref<!tpu.dma_semaphore, #tpu.memory_space<semaphore_mem>>
            %dma_wait3A_329 = arith.constant 0 : i32
            %dma_wait3A_330 = tpu.memref_slice %arg8[%mul3A_320, %dma_wait3A_329] : memref<51200x128xf32, #tpu.memory_space<hbm>> -> memref<128x128xf32, #tpu.memory_space<hbm>>
            %dma_wait3A_331 = arith.constant 0 : i32
            %dma_wait3A_332 = arith.constant 0 : i32
            %dma_wait3A_333 = tpu.memref_slice %run_scoped3A_41[%rem3A_318, %dma_wait3A_331, %dma_wait3A_332] : memref<2x128x128xf32, #tpu.memory_space<vmem>> -> memref<1x128x128xf32, #tpu.memory_space<vmem>>
            %dma_wait3A_334 = tpu.memref_squeeze %dma_wait3A_333 : memref<1x128x128xf32, #tpu.memory_space<vmem>> -> memref<128x128xf32, #tpu.memory_space<vmem>>
            tpu.wait_dma2 semaphore(%dma_wait3A_328 : memref<!tpu.dma_semaphore, #tpu.memory_space<semaphore_mem>>) src(%dma_wait3A_334 : memref<128x128xf32, #tpu.memory_space<vmem>>) dst(%dma_wait3A_330 : memref<128x128xf32, #tpu.memory_space<hbm>>)
            "tpu.trace_stop"() : () -> ()
          } else {
          }
          %and3A_298 = arith.constant true
          %and3A_299 = arith.andi %and3A_294, %and3A_298 : i1
          %add3A_300 = arith.constant 1 : i32
          %add3A_301 = arith.addi %while3A_169, %add3A_300 : i32
          %select_n3A_302 = arith.select %and3A_299, %add3A_301, %while3A_169 : i32
          %ne3A_303 = arith.cmpi ne, %add3A_178, %add3A_196 : i32
          %or3A_304 = arith.constant false
          %or3A_305 = arith.ori %or3A_304, %ne3A_303 : i1
          %or3A_306 = arith.ori %or3A_305, %eq3A_177 : i1
          %add3A_307 = arith.constant 1 : i32
          %add3A_308 = arith.addi %while3A_167, %add3A_307 : i32
          %select_n3A_309 = arith.select %or3A_306, %add3A_308, %while3A_167 : i32
          %add3A_310 = arith.constant 1 : i32
          %add3A_311 = arith.addi %while3A_170, %add3A_310 : i32
          %select_n3A_312 = arith.constant true
          %select_n3A_313 = arith.select %select_n3A_312, %add3A_311, %while3A_170 : i32
          %eq3A_314 = arith.cmpi eq, %select_n3A_313, %select_n3A : i32
          %select_n3A_315 = arith.constant 0 : i32
          %select_n3A_316 = arith.select %eq3A_314, %select_n3A_315, %select_n3A_313 : i32
          scf.yield %select_n3A_218, %select_n3A_309, %select_n3A_275, %select_n3A_302, %select_n3A_316 : i32, i32, i32, i32, i32
        }
        %sub3A_114 = arith.constant 1 : i32
        %sub3A_115 = arith.subi %while3A_113#4, %sub3A_114 : i32
        %select_n3A_116 = arith.constant true
        %select_n3A_117 = arith.select %select_n3A_116, %sub3A_115, %while3A_113#4 : i32
        %eq3A_118 = arith.constant -1 : i32
        %eq3A_119 = arith.cmpi eq, %select_n3A_117, %eq3A_118 : i32
        %sub3A_120 = arith.constant 1 : i32
        %sub3A_121 = arith.subi %select_n3A, %sub3A_120 : i32
        %select_n3A_122 = arith.select %eq3A_119, %sub3A_121, %select_n3A_117 : i32
        %sub3A_123 = arith.constant 1 : i32
        %sub3A_124 = arith.subi %mul3A_39, %sub3A_123 : i32
        %mul3A_125 = arith.constant 1 : i32
        %mul3A_126 = arith.muli %mul3A_125, %select_n3A : i32
        %eq3A_127 = arith.constant 0 : i32
        %eq3A_128 = arith.cmpi eq, %sub3A_124, %eq3A_127 : i32
        %sub3A_129 = arith.constant 1 : i32
        %sub3A_130 = arith.subi %mul3A_126, %sub3A_129 : i32
        %eq3A_131 = arith.cmpi eq, %sub3A_124, %sub3A_130 : i32
        %add3A_132 = arith.addi %select_n3A_122, %select_n3A_37 : i32
        %sub3A_133 = arith.constant 1 : i32
        %sub3A_134 = arith.subi %select_n3A_122, %sub3A_133 : i32
        %select_n3A_135 = arith.constant true
        %select_n3A_136 = arith.select %select_n3A_135, %sub3A_134, %select_n3A_122 : i32
        %eq3A_137 = arith.constant -1 : i32
        %eq3A_138 = arith.cmpi eq, %select_n3A_136, %eq3A_137 : i32
        %sub3A_139 = arith.constant 1 : i32
        %sub3A_140 = arith.subi %select_n3A, %sub3A_139 : i32
        %select_n3A_141 = arith.select %eq3A_138, %sub3A_140, %select_n3A_136 : i32
        %add3A_142 = arith.addi %select_n3A_141, %select_n3A_37 : i32
        %add3A_143 = arith.constant 1 : i32
        %add3A_144 = arith.addi %select_n3A_122, %add3A_143 : i32
        %select_n3A_145 = arith.constant true
        %select_n3A_146 = arith.select %select_n3A_145, %add3A_144, %select_n3A_122 : i32
        %eq3A_147 = arith.cmpi eq, %select_n3A_146, %select_n3A : i32
        %select_n3A_148 = arith.constant 0 : i32
        %select_n3A_149 = arith.select %eq3A_147, %select_n3A_148, %select_n3A_146 : i32
        %add3A_150 = arith.addi %select_n3A_149, %select_n3A_37 : i32
        %add3A_151 = arith.constant 1 : i32
        %add3A_152 = arith.addi %select_n3A_149, %add3A_151 : i32
        %select_n3A_153 = arith.constant true
        %select_n3A_154 = arith.select %select_n3A_153, %add3A_152, %select_n3A_149 : i32
        %eq3A_155 = arith.cmpi eq, %select_n3A_154, %select_n3A : i32
        %select_n3A_156 = arith.constant 0 : i32
        %select_n3A_157 = arith.select %eq3A_155, %select_n3A_156, %select_n3A_154 : i32
        %add3A_158 = arith.addi %select_n3A_157, %select_n3A_37 : i32
        %convert_element_type3A_159 = arith.extui %eq3A_131 : i1 to i32
        %cond3A_160 = arith.constant 0 : i32
        %cond3A_161 = arith.cmpi ne, %convert_element_type3A_159, %cond3A_160 : i32
        scf.if %cond3A_161 {
        } else {
        }
        %convert_element_type3A_162 = arith.extui %eq3A_131 : i1 to i32
        %cond3A_163 = arith.constant 0 : i32
        %cond3A_164 = arith.cmpi ne, %convert_element_type3A_162, %cond3A_163 : i32
        scf.if %cond3A_164 {
          "tpu.trace_start"() <{level = 10 : i32, message = "ep_finalize"}> : () -> ()
          %rem3A_165 = arith.constant 2 : i32
          %rem3A_166 = arith.remui %while3A_113#3, %rem3A_165 : i32
          %mul3A_167 = arith.constant 128 : i32
          %mul3A_168 = arith.muli %mul3A_167, %add3A_132 : i32
          %dma_wait3A_169 = arith.constant 0 : i32
          %dma_wait3A_170 = arith.constant 0 : i32
          %dma_wait3A_171 = tpu.memref_slice %run_scoped3A_41[%rem3A_166, %dma_wait3A_169, %dma_wait3A_170] : memref<2x128x128xf32, #tpu.memory_space<vmem>> -> memref<1x128x128xf32, #tpu.memory_space<vmem>>
          %dma_wait3A_172 = tpu.memref_squeeze %dma_wait3A_171 : memref<1x128x128xf32, #tpu.memory_space<vmem>> -> memref<128x128xf32, #tpu.memory_space<vmem>>
          %dma_wait3A_173 = arith.constant 0 : i32
          %dma_wait3A_174 = tpu.memref_slice %arg8[%mul3A_168, %dma_wait3A_173] : memref<51200x128xf32, #tpu.memory_space<hbm>> -> memref<128x128xf32, #tpu.memory_space<hbm>>
          %dma_wait3A_175 = tpu.memref_slice %run_scoped3A_42[%rem3A_166] : memref<2x!tpu.dma_semaphore, #tpu.memory_space<semaphore_mem>> -> memref<1x!tpu.dma_semaphore, #tpu.memory_space<semaphore_mem>>
          %dma_wait3A_176 = tpu.memref_squeeze %dma_wait3A_175 : memref<1x!tpu.dma_semaphore, #tpu.memory_space<semaphore_mem>> -> memref<!tpu.dma_semaphore, #tpu.memory_space<semaphore_mem>>
          %dma_wait3A_177 = arith.constant 0 : i32
          %dma_wait3A_178 = tpu.memref_slice %arg8[%mul3A_168, %dma_wait3A_177] : memref<51200x128xf32, #tpu.memory_space<hbm>> -> memref<128x128xf32, #tpu.memory_space<hbm>>
          %dma_wait3A_179 = arith.constant 0 : i32
          %dma_wait3A_180 = arith.constant 0 : i32
          %dma_wait3A_181 = tpu.memref_slice %run_scoped3A_41[%rem3A_166, %dma_wait3A_179, %dma_wait3A_180] : memref<2x128x128xf32, #tpu.memory_space<vmem>> -> memref<1x128x128xf32, #tpu.memory_space<vmem>>
          %dma_wait3A_182 = tpu.memref_squeeze %dma_wait3A_181 : memref<1x128x128xf32, #tpu.memory_space<vmem>> -> memref<128x128xf32, #tpu.memory_space<vmem>>
          tpu.wait_dma2 semaphore(%dma_wait3A_176 : memref<!tpu.dma_semaphore, #tpu.memory_space<semaphore_mem>>) src(%dma_wait3A_182 : memref<128x128xf32, #tpu.memory_space<vmem>>) dst(%dma_wait3A_178 : memref<128x128xf32, #tpu.memory_space<hbm>>)
          "tpu.trace_stop"() : () -> ()
        } else {
        }
      } else {
      }
      tpu.yield
    }) : () -> ()
    return
  }
}

module attributes {stable_mosaic.version = 14 : i64} {
  func.func @body(%arg0: i32, %arg1: memref<12288x32xi32, #tpu.memory_space<vmem>>, %arg2: memref<512x128xf32, #tpu.memory_space<vmem>>, %arg3: memref<512x32xi32, #tpu.memory_space<vmem>>, %arg4: memref<192x128xbf16, #tpu.memory_space<vmem>>, %arg5: memref<1x128xf32, #tpu.memory_space<vmem>>, %arg6: memref<512x320xf32, #tpu.memory_space<vmem>>) attributes {dimension_semantics = [#tpu.dimension_semantics<arbitrary>], iteration_bounds = array<i64: 100>, scalar_prefetch = 0 : i64, scratch_operands = 0 : i64, tpu.core_type = #tpu.core_type<tc>, window_params = [{transform_indices = @transform_0, window_bounds = array<i64: 12288, 32>}, {transform_indices = @transform_1, window_bounds = array<i64: 512, 128>}, {transform_indices = @transform_2, window_bounds = array<i64: 512, 32>}, {pipeline_mode = #tpu.pipeline_mode<synchronous>, transform_indices = @transform_3, window_bounds = array<i64: 192, 128>}, {pipeline_mode = #tpu.pipeline_mode<synchronous>, transform_indices = @transform_4, window_bounds = array<i64: 1, 128>}, {transform_indices = @transform_5, window_bounds = array<i64: 512, 320>}]} {
    %get3A = arith.constant 0 : index
    %get3A_0 = arith.constant 0 : index
    %get3A_1 = vector.load %arg1[%get3A, %get3A_0] : memref<12288x32xi32, #tpu.memory_space<vmem>>, vector<12288x32xi32>
    %shift_left3A = arith.constant 16 : i32
    %shift_left3A_2 = vector.broadcast %shift_left3A : i32 to vector<12288x32xi32>
    %shift_left3A_3 = arith.shli %get3A_1, %shift_left3A_2 : vector<12288x32xi32>
    %bitcast_convert_type3A = tpu.bitcast %shift_left3A_3 : vector<12288x32xi32> -> vector<12288x32xf32>
    %and3A = arith.constant -65536 : i32
    %and3A_4 = vector.broadcast %and3A : i32 to vector<12288x32xi32>
    %and3A_5 = arith.andi %get3A_1, %and3A_4 : vector<12288x32xi32>
    %bitcast_convert_type3A_6 = tpu.bitcast %and3A_5 : vector<12288x32xi32> -> vector<12288x32xf32>
    %concatenate3A = tpu.concatenate %bitcast_convert_type3A, %bitcast_convert_type3A_6 in 1 : vector<12288x32xf32>, vector<12288x32xf32> -> vector<12288x64xf32>
    %convert_element_type3A = arith.truncf %concatenate3A : vector<12288x64xf32> to vector<12288x64xbf16>
    %slice3A = vector.extract_strided_slice %convert_element_type3A {offsets = [1, 0], sizes = [12287, 64], strides = [1, 1]} : vector<12288x64xbf16> to vector<12287x64xbf16>
    %slice3A_7 = vector.extract_strided_slice %convert_element_type3A {offsets = [0, 0], sizes = [1, 64], strides = [1, 1]} : vector<12288x64xbf16> to vector<1x64xbf16>
    %concatenate3A_8 = tpu.concatenate %slice3A, %slice3A_7 in 0 : vector<12287x64xbf16>, vector<1x64xbf16> -> vector<12288x64xbf16>
    %slice3A_9 = vector.extract_strided_slice %convert_element_type3A {offsets = [2, 0], sizes = [12286, 64], strides = [1, 1]} : vector<12288x64xbf16> to vector<12286x64xbf16>
    %slice3A_10 = vector.extract_strided_slice %convert_element_type3A {offsets = [0, 0], sizes = [2, 64], strides = [1, 1]} : vector<12288x64xbf16> to vector<2x64xbf16>
    %concatenate3A_11 = tpu.concatenate %slice3A_9, %slice3A_10 in 0 : vector<12286x64xbf16>, vector<2x64xbf16> -> vector<12288x64xbf16>
    %concatenate3A_12 = tpu.concatenate %convert_element_type3A, %concatenate3A_8, %concatenate3A_11 in 1 : vector<12288x64xbf16>, vector<12288x64xbf16>, vector<12288x64xbf16> -> vector<12288x192xbf16>
    %get3A_13 = arith.constant 0 : index
    %get3A_14 = arith.constant 0 : index
    %get3A_15 = vector.load %arg4[%get3A_13, %get3A_14] : memref<192x128xbf16, #tpu.memory_space<vmem>>, vector<192x128xbf16>
    %dot_general3A = arith.constant dense<0.000000e+00> : vector<12288x128xf32>
    %dot_general3A_16 = tpu.matmul %concatenate3A_12, %get3A_15, %dot_general3A {dimension_numbers = #tpu.dot_dimension_numbers<[1], [0], [0], [1], [0, 0, 1, 1], [], []>, transpose_lhs_hint = false} : vector<12288x192xbf16>, vector<192x128xbf16>, vector<12288x128xf32> -> vector<12288x128xf32>
    %get3A_17 = arith.constant 0 : index
    %get3A_18 = arith.constant 0 : index
    %get3A_19 = vector.load %arg5[%get3A_17, %get3A_18] : memref<1x128xf32, #tpu.memory_space<vmem>>, vector<1x128xf32>
    %add3A = vector.broadcast %get3A_19 : vector<1x128xf32> to vector<12288x128xf32>
    %add3A_20 = arith.addf %dot_general3A_16, %add3A : vector<12288x128xf32>
    %reshape3A = vector.shape_cast %add3A_20 : vector<12288x128xf32> to vector<512x24x128xf32>
    %iota3A = tpu.iota {dimensions = array<i32: 1>} : vector<512x24x128xi32>
    %lt3A = arith.constant 22 : i32
    %lt3A_21 = vector.broadcast %lt3A : i32 to vector<512x24x128xi32>
    %lt3A_22 = arith.cmpi slt, %iota3A, %lt3A_21 : vector<512x24x128xi32>
    %jit3A = arith.constant 0xFF800000 : f32
    %broadcast_in_dim3A = vector.broadcast %jit3A : f32 to vector<512x24x128xf32>
    %select_n3A = arith.select %lt3A_22, %reshape3A, %broadcast_in_dim3A : vector<512x24x128xi1>, vector<512x24x128xf32>
    %reduce_max3A = arith.constant dense<0xFF800000> : vector<512x128xf32>
    %reduce_max3A_23 = vector.multi_reduction <maximumf>, %select_n3A, %reduce_max3A [1] : vector<512x24x128xf32> to vector<512x128xf32>
    %tanh3A = math.tanh %reduce_max3A_23 : vector<512x128xf32>
    %get3A_24 = arith.constant 0 : index
    %get3A_25 = arith.constant 0 : index
    %get3A_26 = vector.load %arg3[%get3A_24, %get3A_25] : memref<512x32xi32, #tpu.memory_space<vmem>>, vector<512x32xi32>
    %shift_left3A_27 = arith.constant 16 : i32
    %shift_left3A_28 = vector.broadcast %shift_left3A_27 : i32 to vector<512x32xi32>
    %shift_left3A_29 = arith.shli %get3A_26, %shift_left3A_28 : vector<512x32xi32>
    %bitcast_convert_type3A_30 = tpu.bitcast %shift_left3A_29 : vector<512x32xi32> -> vector<512x32xf32>
    %and3A_31 = arith.constant -65536 : i32
    %and3A_32 = vector.broadcast %and3A_31 : i32 to vector<512x32xi32>
    %and3A_33 = arith.andi %get3A_26, %and3A_32 : vector<512x32xi32>
    %bitcast_convert_type3A_34 = tpu.bitcast %and3A_33 : vector<512x32xi32> -> vector<512x32xf32>
    %concatenate3A_35 = tpu.concatenate %bitcast_convert_type3A_30, %bitcast_convert_type3A_34 in 1 : vector<512x32xf32>, vector<512x32xf32> -> vector<512x64xf32>
    %get3A_36 = arith.constant 0 : index
    %get3A_37 = arith.constant 0 : index
    %get3A_38 = vector.load %arg2[%get3A_36, %get3A_37] : memref<512x128xf32, #tpu.memory_space<vmem>>, vector<512x128xf32>
    %swap3A = arith.constant 0 : index
    %swap3A_39 = arith.constant 0 : index
    %swap3A_40 = vector.load %arg6[%swap3A, %swap3A_39] : memref<512x320xf32, #tpu.memory_space<vmem>>, vector<512x128xf32>
    tpu.vector_store %arg6[%swap3A, %swap3A_39], %get3A_38 {strides = array<i32>} : memref<512x320xf32, #tpu.memory_space<vmem>>, vector<512x128xf32>,
    %swap3A_41 = arith.constant 0 : index
    %swap3A_42 = arith.constant 128 : index
    %swap3A_43 = vector.load %arg6[%swap3A_41, %swap3A_42] : memref<512x320xf32, #tpu.memory_space<vmem>>, vector<512x128xf32>
    tpu.vector_store %arg6[%swap3A_41, %swap3A_42], %tanh3A {strides = array<i32>} : memref<512x320xf32, #tpu.memory_space<vmem>>, vector<512x128xf32>,
    %swap3A_44 = arith.constant 0 : index
    %swap3A_45 = arith.constant 256 : index
    %swap3A_46 = vector.load %arg6[%swap3A_44, %swap3A_45] : memref<512x320xf32, #tpu.memory_space<vmem>>, vector<512x64xf32>
    tpu.vector_store %arg6[%swap3A_44, %swap3A_45], %concatenate3A_35 {strides = array<i32>} : memref<512x320xf32, #tpu.memory_space<vmem>>, vector<512x64xf32>,
    return
  }
  func.func @transform_0(%arg0: i32) -> (i32, i32) {
    %c0_i32 = arith.constant 0 : i32
    %c0_i32_0 = arith.constant 0 : i32
    return %arg0, %c0_i32 : i32, i32
  }
  func.func @transform_1(%arg0: i32) -> (i32, i32) {
    %c0_i32 = arith.constant 0 : i32
    %c0_i32_0 = arith.constant 0 : i32
    return %arg0, %c0_i32 : i32, i32
  }
  func.func @transform_2(%arg0: i32) -> (i32, i32) {
    %c0_i32 = arith.constant 0 : i32
    %c0_i32_0 = arith.constant 0 : i32
    return %arg0, %c0_i32 : i32, i32
  }
  func.func @transform_3(%arg0: i32) -> (i32, i32) {
    %c0_i32 = arith.constant 0 : i32
    %c0_i32_0 = arith.constant 0 : i32
    %c0_i32_1 = arith.constant 0 : i32
    return %c0_i32, %c0_i32_0 : i32, i32
  }
  func.func @transform_4(%arg0: i32) -> (i32, i32) {
    %c0_i32 = arith.constant 0 : i32
    %c0_i32_0 = arith.constant 0 : i32
    %c0_i32_1 = arith.constant 0 : i32
    return %c0_i32, %c0_i32_0 : i32, i32
  }
  func.func @transform_5(%arg0: i32) -> (i32, i32) {
    %c0_i32 = arith.constant 0 : i32
    %c0_i32_0 = arith.constant 0 : i32
    return %arg0, %c0_i32 : i32, i32
  }
}

</mosaic_0001>

<sc_bundles>
// kernel: kernel.4.cloned.1.call-start
scs
__scs_entry_jumppad:
0x0: {  	(pc) =	sbr.rel $0x88, $3  }
0x1: {  	(tag) =	ssettag $0x0;
	lr =	simm.s32 $0x1  }
0x2: {  	[smem:$0x3F99] =	sst lr;
	_ =	strace $0xD0000000  }
0x3: {  	_ = 	snop  }
0x4: {  	_ = 	snop  }
0x5: {  	_ = 	snop  }
0x6: {  	_ = 	snop  }
0x7: {  	_ = 	snop  }
__scs_overlays_trampoline_lowered:
0x8: {  	[smem:$0x3FA8] =	sst s0  }
0x9: {  	[smem:$0x3FA9] =	sst s1  }
0xa: {  	[smem:$0x3FAA] =	sst s2  }
0xb: {  	[smem:$0x3FAB] =	sst s3  }
0xc: {  	[smem:$0x3FAC] =	sst s4  }
0xd: {  	[smem:$0x3FAD] =	sst s5  }
0xe: {  	[smem:$0x3FAE] =	sst s6  }
0xf: {  	[smem:$0x3FAF] =	sst s7  }
0x10: {  	[smem:$0x3FB0] =	sst s8  }
0x11: {  	[smem:$0x3FB1] =	sst s9;
	s0 =	simm.s32 @!p0 $0x0  }
0x12: {  	s1 =	sld [smem:$0x3F97];
	s0 =	simm.s32 @p0 $0x1  }
0x13: {  	[smem:$0x3FB2] =	sst s0;
	s0 =	simm.s32 @!p1 $0x0  }
0x14: {  	s2 =	sld [smem:$0x3F96];
	s0 =	simm.s32 @p1 $0x1  }
0x15: {  	[smem:$0x3FB3] =	sst s0;
	s0 =	simm.s32 @!p2 $0x0  }
0x16: {  	s3 =	sld [smem:$0x3FDB];
	s0 =	simm.s32 @p2 $0x1  }
0x17: {  	s4 =	simm.s32 $0x1BF5;
	[smem:$0x3FB5] =	sst s0  }
0x18: {  	s0 =	sld [smem:$0x3F98];
	_ =	swait.ge [sflag:s4], $0x0  }
0x19: {  	s7 =	sld [smem:$0x3F99]  }
0x1a: {  	s8 =	sadd.s32 $0xFFFFE003, lr  }
0x1b: {  	s9 =	sadd.s32 $0xFFFFFEF7, lr;
	s5 =	simm.s32 $0xFFFFFFFF;
	p2 =	slt.u32 s8, $0xFFFFF086  }
0x1c: {  	p1 =	slt.u32 s9, $0xF7A;
	s5 =	simm.s32 @!p2 $0x0  }
0x1d: {  	s5 =	simm.s32 @p1 $0x1;
	p0 =	seq.s32 s7, s2  }
0x1e: {  	s7 =	smul.u32 @!p0 $0xF7A, s2;
	p2 =	seq.s32 @!p0 s5, $0x0  }
0x1f: {  	s9 =	smul.u32 $0xF7A, s1;
	s8 =	simm.s32 @!p0 $0x1BF5;
	p2 =	por !p2, p0  }
0x20: {  	[sflag:s8] =	ssyncset.s32 @!p0 $0xFFFFF086;
	s6 =	sadd.s32 @!p0 s3, s7;
	s7 =	simm.s32 @!p0 $0x108  }
0x21: {  	s3 =	sadd.s32 s3, s9;
	s6 =	sadd.s32 @!p0 $0x88, s6;
	s7 =	simm.s32 @p2 $0x1082  }
0x22: {  	[simem:s7], [sflag:s8] =	dma.local @!p0 [hbm:s6], $0xF7A  }
0x23: {  	s9 =	sor.u32 $0xD0000000, s2;
	s6 =	simm.s32 $0x108;
	_ =	swait.ge @!p0 [sflag:s8], $0x0  }
0x24: {  	s3 =	sadd.s32 $0x88, s3;
	s6 =	simm.s32 @!p1 $0x1082;
	[sflag:s4] =	ssyncset.s32 $0xFFFFF086  }
0x25: {  	[simem:s6], [sflag:s4] =	dma.local [hbm:s3], $0xF7A  }
0x26: {  	[smem:$0x3F99] =	sst s1;
	(tag) =	ssettag s2;
	_ =	strace s9  }
0x27: {  	s1 =	sld [smem:$0x3FA9]  }
0x28: {  	s2 =	sld [smem:$0x3FAA]  }
0x29: {  	s4 =	sld [smem:$0x3FAC]  }
0x2a: {  	p0 =	seq.s32 s5, $0x0;
	s5 =	sld [smem:$0x3FAD]  }
0x2b: {  	s6 =	sld [smem:$0x3FAE]  }
0x2c: {  	s7 =	sld [smem:$0x3FAF]  }
0x2d: {  	s3 =	simm.s32 $0x108;
	s8 =	sld [smem:$0x3FB0]  }
0x2e: {  	s3 =	simm.s32 @!p0 $0x1082;
	s9 =	sld [smem:$0x3FB1]  }
0x2f: {  	lr =	sadd.s32 s0, s3;
	s0 =	sld [smem:$0x3FA8]  }
0x30: {  	s3 =	sld [smem:$0x3FAB]  }
0x31: {  	[smem:$0x3FB4] =	sst s10  }
0x32: {  	s10 =	sld [smem:$0x3FB2];
	_ =	sdelay $0x3  }
0x33: {  	p0 =	seq.s32 s10, $0x1;
	s10 =	sld [smem:$0x3FB4];
	_ =	sdelay $0x3  }
0x34: {  	[smem:$0x3FB4] =	sst s10  }
0x35: {  	s10 =	sld [smem:$0x3FB3];
	_ =	sdelay $0x3  }
0x36: {  	p1 =	seq.s32 s10, $0x1;
	s10 =	sld [smem:$0x3FB4];
	_ =	sdelay $0x3  }
0x37: {  	[smem:$0x3FB4] =	sst s10  }
0x38: {  	s10 =	sld [smem:$0x3FB5]  }
0x39: {  	_ = 	snop;
	(pc) =	sbr.ind lr, $3  }
0x3a: {  	_ = 	snop  }
0x3b: {  	_ = 	snop  }
0x3c: {  	p2 =	seq.s32 s10, $0x1;
	s10 =	sld [smem:$0x3FB4]  }
0x3d: {  	_ =	shalt  }
0x3e: {  	_ =	shalt  }
0x3f: {  	_ =	shalt  }
0x40: {  	_ =	shalt  }
0x41: {  	_ =	shalt  }
0x42: {  	_ =	shalt  }
0x43: {  	_ =	shalt  }
0x44: {  	_ =	shalt  }
0x45: {  	_ =	shalt  }
0x46: {  	_ =	shalt  }
0x47: {  	_ =	shalt  }
0x48: {  	_ =	shalt  }
0x49: {  	_ =	shalt  }
0x4a: {  	_ =	shalt  }
0x4b: {  	_ =	shalt  }
0x4c: {  	_ =	shalt  }
0x4d: {  	_ =	shalt  }
0x4e: {  	_ =	shalt  }
0x4f: {  	_ =	shalt  }
0x50: {  	_ =	shalt  }
0x51: {  	_ =	shalt  }
0x52: {  	_ =	shalt  }
0x53: {  	_ =	shalt  }
0x54: {  	_ =	shalt  }
0x55: {  	_ =	shalt  }
0x56: {  	_ =	shalt  }
0x57: {  	_ =	shalt  }
0x58: {  	_ =	shalt  }
0x59: {  	_ =	shalt  }
0x5a: {  	_ =	shalt  }
0x5b: {  	_ =	shalt  }
0x5c: {  	_ =	shalt  }
0x5d: {  	_ =	shalt  }
0x5e: {  	_ =	shalt  }
0x5f: {  	_ =	shalt  }
0x60: {  	_ =	shalt  }
0x61: {  	_ =	shalt  }
0x62: {  	_ =	shalt  }
0x63: {  	_ =	shalt  }
0x64: {  	_ =	shalt  }
0x65: {  	_ =	shalt  }
0x66: {  	_ =	shalt  }
0x67: {  	_ =	shalt  }
0x68: {  	_ =	shalt  }
0x69: {  	_ =	shalt  }
0x6a: {  	_ =	shalt  }
0x6b: {  	_ =	shalt  }
0x6c: {  	_ =	shalt  }
0x6d: {  	_ =	shalt  }
0x6e: {  	_ =	shalt  }
0x6f: {  	_ =	shalt  }
0x70: {  	_ =	shalt  }
0x71: {  	_ =	shalt  }
0x72: {  	_ =	shalt  }
0x73: {  	_ =	shalt  }
0x74: {  	_ =	shalt  }
0x75: {  	_ =	shalt  }
0x76: {  	_ =	shalt  }
0x77: {  	_ =	shalt  }
0x78: {  	_ =	shalt  }
0x79: {  	_ =	shalt  }
0x7a: {  	_ =	shalt  }
0x7b: {  	_ =	shalt  }
0x7c: {  	_ =	shalt  }
0x7d: {  	_ =	shalt  }
0x7e: {  	_ =	shalt  }
0x7f: {  	_ =	shalt  }
0x80: {  	_ =	shalt  }
0x81: {  	_ =	shalt  }
0x82: {  	_ =	shalt  }
0x83: {  	_ =	shalt  }
0x84: {  	_ =	shalt  }
0x85: {  	_ =	shalt  }
0x86: {  	_ =	shalt  }
0x87: {  	_ =	shalt  }
.Lfunc_end0:
.L_simem_size_0:
called_computation.1_lowered:
.L_overlay_start_0:
0x88: {  	s2 =	sld [smem:$0x3FD9]  }
0x89: {  	s3 =	sld [smem:$0x3FFE];
	_ =	sdelay $0x1  }
0x8a: {  	s1 =	srdreg.scid  }
0x8b: {  	s0 =	sand.u32 $0x1, s1  }
0x8c: {  	s17 =	sshll.u32 s0, $0xA;
	s2 =	sadd.s32 s3, s2  }
0x8d: {  	s2 =	sadd.s32 s2, s17  }
0x8e: {  	[smem:$0x3FC0] =	sst s2  }
0x8f: {  	_ = 	snop  }
0x90: {  	s2 =	sld [smem:$0x3FC6]  }
0x91: {  	s18 =	sld [smem:$0x3FD0];
	(tm) =	ssettm $0x1  }
0x92: {  	s4 =	sld [smem:$0x3FFB];
	_ =	sdelay $0x3  }
0x93: {  	_ =	strace s4  }
0x94: {  	s4 =	sld [smem:$0x3FFC];
	_ =	sdelay $0x3  }
0x95: {  	_ =	strace s4  }
0x96: {  	s4 =	sld [smem:$0x3FFD];
	_ =	sdelay $0x3  }
0x97: {  	_ =	strace s4  }
0x98: {  	_ =	strace $0x8FFFFFFF  }
0x99: {  	s19 =	sld [smem:$0x3FDB];
	_ =	sdelay $0x1  }
0x9a: {  	s5 =	simm.s32 $_scs_section_size  }
0x9b: {  	s6 =	simm.s32 $_size__tile_overlayer_lowered;
	s7 =	simm.s32 $_tile_overlayer_lowered  }
0x9c: {  	s22 =	simm.s32 $0x1BFF;
	s21 =	sshll.u32 s7, $0x1;
	s4 =	sadd.s32 s5, s19  }
0x9d: {  	s8 =	simm.s32 $0x0;
	s20 =	sshll.u32 s6, $0x1;
	s6 =	sadd.s32 s21, s4  }
0x9e: {  	[timem:s8], [sflag:s22] =	dma.local [hbm:s6], s20  }
0x9f: {  	_ =	swait.ge [sflag:s22], s20  }
0xa0: {  	s5 =	ssub.s32 $0x0, s20;
	[sflag:s22] =	ssyncset.done $0x0  }
0xa1: {  	[sflag:s22] =	ssyncadd.s32 s5;
	_ =	sdelay $0x1  }
0xa2: {  	s23 =	simm.s32 $0x1B8B  }
0xa3: {  	_ =	swait.ge [sflag:s23], $0x1  }
0xa4: {  	[sflag:s23] =	ssyncset.done $0x0  }
0xa5: {  	s25 =	simm.s32 $0x1B8E;
	s24 =	sld [smem:$0x3FFE];
	[sflag:s23] =	ssyncadd.s32 $0xFFFFFFFF  }
0xa6: {  	s26 =	simm.s32 $execute0_lowered;
	[smem:$0x3FD2] =	sst s25  }
0xa7: {  	s6 =	sshll.u32 s26, $0x1;
	_ =	strace $0x80000046;
	[dreg:$0x1] =	wrdreg $0xFFFFFFFF  }
0xa8: {  	s28 =	simm.s32 $_size_execute0_lowered;
	s4 =	sadd.s32 s4, s6;
	[dreg:$0x0] =	wrdreg $0x0  }
0xa9: {  	s6 =	sshll.u32 s28, $0x1;
	[dreg:$0x2] =	wrdreg s4  }
0xaa: {  	[dreg:$0x3] =	wrdreg s6  }
0xab: {  	[dreg:$0x4] =	wrdreg $0xC0  }
0xac: {  	_ =	task [dreg:s8], $0x5FFFF  }
0xad: {  	[dreg:$0x1] =	wrdreg $0xFFFFFFFF  }
0xae: {  	[dreg:$0x0] =	wrdreg $0x60  }
0xaf: {  	[dreg:$0x2] =	wrdreg s2  }
0xb0: {  	[dreg:$0x3] =	wrdreg s24  }
0xb1: {  	[dreg:$0x4] =	wrdreg s18  }
0xb2: {  	[dreg:$0x5] =	wrdreg $0x9  }
0xb3: {  	_ =	task.clear_ibuf [dreg:s8], $0x6FFFF;
	_ =	strace $0x90000046  }
0xb4: {  	s29 =	simm.s32 $0x9;
	_ =	strace $0x8000004F  }
0xb5: {  	_ =	swait.ge [sflag:s29], $0x1  }
0xb6: {  	[sflag:s29] =	ssyncadd.s32 $0xFFFFFFFF  }
0xb7: {  	_ =	strace $0x9000004F  }
0xb8: {  	_ =	sfence  }
0xb9: {  	s30 =	sld [smem:$0x0];
	_ =	sdelay $0x2  }
0xba: {  	s31 =	sshll.u32 s1, $0xD;
	s1 =	sshrl.u32 s1, $0x2  }
0xbb: {  	s3 =	sand.u32 $0x4000, s31;
	s1 =	sadd.s32 s1, s30  }
0xbc: {  	s0 =	sor.u32 s3, s0;
	s1 =	sshll.u32 s1, $0x11  }
0xbd: {  	s0 =	sor.u32 s1, s0  }
0xbe: {  	s0 =	sadd.s32 $0x8F2B, s0  }
0xbf: {  	[sflag:s0] =	ssyncadd.remote.s32 $0x1  }
0xc0: {  	_ =	sfence.sel $0xFFFF  }
0xc1: {  	[dreg:$0x0] =	wrdreg $0xFFFFFFFF;
	(pc) =	sbr.abs _section_cstart, $3  }
0xc2: {  	[dreg:$0x1] =	wrdreg $0xFFFFFFFF  }
0xc3: {  	_ =	task.clear_ibuf [dreg:s8], $0x2FFFF;
	_ =	strace $0x9FFFFFFF  }
0xc4: {  	(tm) =	ssettm $0x7FFFFFFF  }
0xc5: {  	_ =	shalt  }
tec
execute0_lowered:
.L_overlay_start_1:
0x0: {  	(tag) =	ssettag $0x1  }
0x1: {  	s1 =	rddreg [dreg:$0x0]  }
0x2: {  	s0 =	rddreg [dreg:$0x1]  }
0x3: {  	s2 =	rddreg [dreg:$0x2];
	s3 =	simm.s32 $0x0  }
0x4: {  	s4 =	srdreg.scid;
	s14 =	stileid.u32;
	s21 =	simm.s32 $0x3  }
0x5: {  	s31 =	simm.s32 $0x80;
	[smem:$0x7FF] =	sst s3;
	s5 =	sadd.s32 $0x1200, s0  }
0x6: {  	s22 =	sadd.s32 $0x2200, s0;
	s4 =	sand.u32 $0x1, s4;
	s7 =	sadd.s32 $0x27C00, s0  }
0x7: {  	s8 =	sadd.s32 $0x2400, s0;
	s9 =	sadd.s32 $0x29600, s0;
	s10 =	sadd.s32 $0x4DB000, s0  }
0x8: {  	s11 =	sadd.s32 $0x2B000, s0;
	_ =	strace $0x80000047;
	[dreg:$0x7] =	wrdreg s5  }
0x9: {  	[dreg:$0x8] =	wrdreg s22;
	s23 =	sshll.u32 s4, $0x4;
	s6 =	ssub.s32 $0x2, s4  }
0xa: {  	p0 =	seq.s32 s4, $0x0;
	s16 =	sxor.u32 $0xD, s4;
	s26 =	ssub.s32 $0xC, s4  }
0xb: {  	s22 =	simm.s32 $0x0;
	s5 =	sor.u32 s14, s23;
	s13 =	sshrl.u32 s6, $0x1  }
0xc: {  	s14 =	sshll.u32 s14, $0x1;
	[dreg:$0x4] =	wrdreg s26;
	s12 =	smul.u32 $0xC, s5  }
0xd: {  	s30 =	sadd.s32 $0xFFFFFFFF, s16;
	s23 =	simm.s32 $0x8A00;
	s5 =	smul.u32 $0xD, s5  }
0xe: {  	s6 =	ssub.s32 s6, s13;
	s15 =	sor.u32 s4, s14;
	s12 =	sadd.s32 $0x10, s12  }
0xf: {  	s14 =	sadd.s32 $0x2BA00, s0;
	[dreg:$0x6] =	wrdreg s30;
	s12 =	smov.u32 @p0 s5  }
0x10: {  	s4 =	sxor.u32 $0xB, s4;
	s13 =	smul.u32 $0x9600, s15;
	s24 =	sshll.u32 s12, $0x4  }
0x11: {  	s28 =	smax.u32 s6, $0x1;
	[dreg:$0x5] =	wrdreg s4;
	s0 =	sadd.s32 $0x10, s24  }
0x12: {  	s15 =	smul.u32 $0x640, s15;
	[dreg:$0xa] =	wrdreg s28;
	s0 =	sand.u32 $0x1FFFFFF0, s0  }
0x13: {  	s29 =	sshll.u32 s12, $0xB;
	s25 =	sand.u32 $0x1FFFFFF0, s24;
	s0 =	sadd.s32 s7, s0  }
0x14: {  	s5 =	sadd.s32 s7, s25;
	[dreg:$0xb] =	wrdreg s0;
	s0 =	sand.u32 $0x1FFFF800, s29  }
0x15: {  	s4 =	simm.s32 $0x7;
	[dreg:$0x9] =	wrdreg s5;
	s0 =	sadd.s32 s10, s0  }
0x16: {  	s24 =	simm.s32 $0x8F00;
	s25 =	simm.s32 $0xDF00;
	[dreg:$0xc] =	wrdreg s0  }
.LBB2_1:
0x17: {  	s0 =	rddreg [dreg:$0x7]  }
0x18: {  	[tilespmem:s3], [sflag:$0x3] =	stream.linear.gather [hbm4b:s0+s3], $0x7D80, $0x38;
	[tilespmem:$0x1B000] =	vst v63  }
0x19: {  	_ =	swait.ge [sflag:s21], $0x7D80  }
0x1a: {  	[sflag:s21] =	ssyncset.done $0x0  }
0x1b: {  	s5 =	simm.s32 $0x7D80;
	s29 =	rddreg [dreg:$0x8];
	[sflag:s21] =	ssyncadd.s32 $0xFFFF8280  }
0x1c: {  	[tilespmem:s5], [sflag:$0x3] =	stream.linear.gather [hbm4b:s29+s3], $0xC80, $0x38;
	[tilespmem:$0x1B000] =	vst v63  }
0x1d: {  	_ =	swait.ge [sflag:s21], $0xC80  }
0x1e: {  	[sflag:s21] =	ssyncset.done $0x0  }
0x1f: {  	s30 =	simm.s32 $0x0;
	[sflag:s21] =	ssyncadd.s32 $0xFFFFF380  }
.LBB2_2:
0x20: {  	s0 =	smul.u32 $0x500, s30;
	_ =	sdelay $0x1  }
0x21: {  	s5 =	sadd.s32 s13, s0  }
0x22: {  	s0 =	sshrl.u32 s5, $0x3  }
0x23: {  	s0 =	sadd.s32 s8, s0  }
0x24: {  	[tilespmem:s23], [sflag:$0x3] =	stream.linear.gather [hbm4b:s0+s3], $0x500, $0x38;
	[tilespmem:$0x1B000] =	vst v63  }
0x25: {  	_ =	swait.ge [sflag:s21], $0x500  }
0x26: {  	p0 =	seq.s32 s30, $0x0;
	[sflag:s21] =	ssyncset.done $0x0  }
0x27: {  	s0 =	simm.s32 @!p0 $0x1;
	[sflag:s21] =	ssyncadd.s32 $0xFFFFFB00  }
0x28: {  	_ =	swait.ge @!p0 [sflag:s0], $0x5000  }
0x29: {  	[sflag:s0] =	ssyncset.done @!p0 $0x0  }
0x2a: {  	s18 =	simm.s32 $0x0;
	[sflag:s0] =	ssyncadd.s32 @!p0 $0xFFFFB000  }
0x2b: {  	v0 =	vld [tilespmem:s18+$0x8A00];
	_ =	sdelay $0x4  }
0x2c: {  	v0 =	vshll.u32 v0, $0x7  }
0x2d: {  	v0 =	vshra.s32 v0, $0x2  }
0x2e: {  	(v2sf) =	vpush v0, $0x0;
	_ =	sdelay $0x1  }
0x2f: {  	(v2sf) =	vpush v0, $0x1;
	_ =	sdelay $0x1  }
0x30: {  	(v2sf) =	vpush v0, $0x2;
	_ =	sdelay $0x1  }
0x31: {  	(v2sf) =	vpush v0, $0x3;
	_ =	sdelay $0x1  }
0x32: {  	(v2sf) =	vpush v0, $0x4;
	_ =	sdelay $0x1  }
0x33: {  	(v2sf) =	vpush v0, $0x5;
	_ =	sdelay $0x1  }
0x34: {  	(v2sf) =	vpush v0, $0x6;
	_ =	sdelay $0x1  }
0x35: {  	(v2sf) =	vpush v0, $0x7  }
0x36: {  	s19 =	spop (v2sf)  }
0x37: {  	(v2sf) =	vpush v0, $0x8;
	v1 =	vld [tilespmem:s19+$0x0]  }
0x38: {  	v2 =	vld [tilespmem:s19+$0x10];
	s20 =	spop (v2sf)  }
0x39: {  	(v2sf) =	vpush v0, $0x9;
	v3 =	vld [tilespmem:s20+$0x0]  }
0x3a: {  	v4 =	vld [tilespmem:s20+$0x10];
	s26 =	spop (v2sf)  }
0x3b: {  	(v2sf) =	vpush v0, $0xA;
	v5 =	vld [tilespmem:s26+$0x0]  }
0x3c: {  	v6 =	vld [tilespmem:s26+$0x10];
	s28 =	spop (v2sf)  }
0x3d: {  	(v2sf) =	vpush v0, $0xB;
	v7 =	vld [tilespmem:s28+$0x0]  }
0x3e: {  	v8 =	vld [tilespmem:s28+$0x10];
	s6 =	spop (v2sf)  }
0x3f: {  	(v2sf) =	vpush v0, $0xC;
	v9 =	vld [tilespmem:s6+$0x0]  }
0x40: {  	v10 =	vld [tilespmem:s6+$0x10];
	s17 =	spop (v2sf)  }
0x41: {  	(v2sf) =	vpush v0, $0xD;
	v11 =	vld [tilespmem:s17+$0x0]  }
0x42: {  	v12 =	vld [tilespmem:s17+$0x10];
	s18 =	spop (v2sf)  }
0x43: {  	(v2sf) =	vpush v0, $0xE;
	v13 =	vld [tilespmem:s18+$0x0]  }
0x44: {  	v14 =	vld [tilespmem:s18+$0x10];
	s19 =	spop (v2sf)  }
0x45: {  	(v2sf) =	vpush v0, $0xF;
	v15 =	vld [tilespmem:s19+$0x0]  }
0x46: {  	v0 =	vld [tilespmem:s19+$0x10];
	s20 =	spop (v2sf)  }
0x47: {  	v16 =	vld [tilespmem:s20+$0x0]  }
0x48: {  	v17 =	vld [tilespmem:s20+$0x10];
	s26 =	spop (v2sf)  }
0x49: {  	v18 =	vld [tilespmem:s26+$0x0]  }
0x4a: {  	v19 =	vld [tilespmem:s26+$0x10];
	s28 =	spop (v2sf)  }
0x4b: {  	v20 =	vld [tilespmem:s28+$0x0]  }
0x4c: {  	v21 =	vld [tilespmem:s28+$0x10];
	s6 =	spop (v2sf)  }
0x4d: {  	v22 =	vld [tilespmem:s6+$0x0]  }
0x4e: {  	v23 =	vld [tilespmem:s6+$0x10];
	s17 =	spop (v2sf)  }
0x4f: {  	v24 =	vld [tilespmem:s17+$0x0]  }
0x50: {  	v25 =	vld [tilespmem:s17+$0x10];
	s18 =	spop (v2sf)  }
0x51: {  	v26 =	vld [tilespmem:s18+$0x0]  }
0x52: {  	v27 =	vld [tilespmem:s18+$0x10];
	s19 =	spop (v2sf)  }
0x53: {  	v28 =	vld [tilespmem:s19+$0x0]  }
0x54: {  	v29 =	vld [tilespmem:s19+$0x10];
	s20 =	spop (v2sf)  }
0x55: {  	s6 =	simm.s32 $0x9000;
	v30 =	vld [tilespmem:s20+$0x0]  }
0x56: {  	v31 =	vld [tilespmem:s20+$0x10];
	[tilespmem:s6+$0x0] =	vst v16  }
0x57: {  	[tilespmem:s6+$0x10] =	vst v17  }
0x58: {  	[tilespmem:s6+$0x20] =	vst v18  }
0x59: {  	[tilespmem:s6+$0x30] =	vst v19  }
0x5a: {  	[tilespmem:s6+$0x40] =	vst v20  }
0x5b: {  	[tilespmem:s6+$0x50] =	vst v21  }
0x5c: {  	[tilespmem:s6+$0xFFFFFFF0] =	vst v0  }
0x5d: {  	[tilespmem:s6+$0xFFFFFF00] =	vst v1  }
0x5e: {  	[tilespmem:s6+$0xFFFFFF10] =	vst v2  }
0x5f: {  	[tilespmem:s6+$0xFFFFFF20] =	vst v3  }
0x60: {  	[tilespmem:s6+$0xFFFFFF30] =	vst v4  }
0x61: {  	[tilespmem:s6+$0xFFFFFF40] =	vst v5  }
0x62: {  	[tilespmem:s6+$0xFFFFFF50] =	vst v6  }
0x63: {  	[tilespmem:s6+$0xFFFFFF60] =	vst v7  }
0x64: {  	[tilespmem:s6+$0xFFFFFF70] =	vst v8  }
0x65: {  	[tilespmem:s6+$0xFFFFFF80] =	vst v9  }
0x66: {  	[tilespmem:s6+$0xFFFFFF90] =	vst v10  }
0x67: {  	[tilespmem:s6+$0xFFFFFFA0] =	vst v11  }
0x68: {  	[tilespmem:s6+$0xFFFFFFB0] =	vst v12  }
0x69: {  	[tilespmem:s6+$0xFFFFFFC0] =	vst v13  }
0x6a: {  	[tilespmem:s6+$0xFFFFFFD0] =	vst v14  }
0x6b: {  	[tilespmem:s6+$0xFFFFFFE0] =	vst v15  }
0x6c: {  	[tilespmem:s6+$0x60] =	vst v22  }
0x6d: {  	[tilespmem:s6+$0x70] =	vst v23  }
0x6e: {  	[tilespmem:s6+$0x80] =	vst v24  }
0x6f: {  	[tilespmem:s6+$0x90] =	vst v25  }
0x70: {  	[tilespmem:s6+$0xA0] =	vst v26  }
0x71: {  	[tilespmem:s6+$0xB0] =	vst v27  }
0x72: {  	[tilespmem:s6+$0xC0] =	vst v28  }
0x73: {  	[tilespmem:s6+$0xD0] =	vst v29  }
0x74: {  	[tilespmem:s6+$0xE0] =	vst v30  }
0x75: {  	s26 =	simm.s32 $0x10;
	[tilespmem:s6+$0xF0] =	vst v31  }
0x76: {  	v0 =	vld [tilespmem:s26+$0x8A00];
	_ =	sdelay $0x4  }
0x77: {  	v0 =	vshll.u32 v0, $0x7  }
0x78: {  	v3 =	vshra.s32 v0, $0x2  }
0x79: {  	(v2sf) =	vpush v3, $0x0;
	_ =	sdelay $0x2  }
0x7a: {  	(v2sf) =	vpush v3, $0x1;
	_ =	sdelay $0x1  }
0x7b: {  	(v2sf) =	vpush v3, $0x2;
	_ =	sdelay $0x1  }
0x7c: {  	(v2sf) =	vpush v3, $0x3;
	_ =	sdelay $0x1  }
0x7d: {  	(v2sf) =	vpush v3, $0x4;
	_ =	sdelay $0x1  }
0x7e: {  	(v2sf) =	vpush v3, $0x5;
	_ =	sdelay $0x1  }
0x7f: {  	(v2sf) =	vpush v3, $0x6;
	_ =	sdelay $0x1  }
0x80: {  	s28 =	spop (v2sf);
	(v2sf) =	vpush v3, $0x7;
	_ =	sdelay $0x1  }
0x81: {  	v0 =	vld [tilespmem:s28+$0x0];
	(v2sf) =	vpush v3, $0x8  }
0x82: {  	v1 =	vld [tilespmem:s28+$0x10];
	s17 =	spop (v2sf)  }
0x83: {  	s29 =	simm.s32 $0x80;
	v2 =	vld [tilespmem:s17+$0x0];
	(v2sf) =	vpush v3, $0x9  }
.LBB2_3:
0x84: {  	p1 =	sne.s32 s29, $0x9C0;
	v4 =	vld [tilespmem:s17+$0x10];
	s0 =	spop (v2sf)  }
0x85: {  	v5 =	vld [tilespmem:s0+$0x0];
	(v2sf) =	vpush v3, $0xA  }
0x86: {  	v6 =	vld [tilespmem:s0+$0x10];
	s0 =	spop (v2sf)  }
0x87: {  	v7 =	vld [tilespmem:s0+$0x0];
	(v2sf) =	vpush v3, $0xB  }
0x88: {  	v8 =	vld [tilespmem:s0+$0x10];
	s0 =	spop (v2sf)  }
0x89: {  	v9 =	vld [tilespmem:s0+$0x0];
	(v2sf) =	vpush v3, $0xC  }
0x8a: {  	v10 =	vld [tilespmem:s0+$0x10];
	s0 =	spop (v2sf)  }
0x8b: {  	v11 =	vld [tilespmem:s0+$0x0];
	(v2sf) =	vpush v3, $0xD  }
0x8c: {  	v12 =	vld [tilespmem:s0+$0x10];
	s0 =	spop (v2sf)  }
0x8d: {  	v13 =	vld [tilespmem:s0+$0x0];
	(v2sf) =	vpush v3, $0xE  }
0x8e: {  	v14 =	vld [tilespmem:s0+$0x10];
	s0 =	spop (v2sf)  }
0x8f: {  	v15 =	vld [tilespmem:s0+$0x0];
	(v2sf) =	vpush v3, $0xF  }
0x90: {  	v3 =	vld [tilespmem:s0+$0x10];
	s0 =	spop (v2sf)  }
0x91: {  	v16 =	vld [tilespmem:s0+$0x0]  }
0x92: {  	v17 =	vld [tilespmem:s0+$0x10];
	s0 =	spop (v2sf)  }
0x93: {  	v18 =	vld [tilespmem:s0+$0x0]  }
0x94: {  	v19 =	vld [tilespmem:s0+$0x10];
	s0 =	spop (v2sf)  }
0x95: {  	v20 =	vld [tilespmem:s0+$0x0]  }
0x96: {  	v21 =	vld [tilespmem:s0+$0x10];
	s0 =	spop (v2sf)  }
0x97: {  	v22 =	vld [tilespmem:s0+$0x0]  }
0x98: {  	v23 =	vld [tilespmem:s0+$0x10];
	s0 =	spop (v2sf)  }
0x99: {  	v24 =	vld [tilespmem:s0+$0x0]  }
0x9a: {  	v25 =	vld [tilespmem:s0+$0x10];
	s0 =	spop (v2sf)  }
0x9b: {  	v26 =	vld [tilespmem:s0+$0x0]  }
0x9c: {  	v27 =	vld [tilespmem:s0+$0x10];
	s0 =	spop (v2sf)  }
0x9d: {  	v28 =	vld [tilespmem:s0+$0x0]  }
0x9e: {  	v29 =	vld [tilespmem:s0+$0x10];
	s0 =	spop (v2sf)  }
0x9f: {  	s6 =	sadd.s32 $0x200, s6;
	v30 =	vld [tilespmem:s0+$0x0]  }
0xa0: {  	v31 =	vld [tilespmem:s0+$0x10];
	[tilespmem:s6+$0x0] =	vst v16  }
0xa1: {  	[tilespmem:s6+$0x10] =	vst v17  }
0xa2: {  	[tilespmem:s6+$0x20] =	vst v18  }
0xa3: {  	[tilespmem:s6+$0x30] =	vst v19  }
0xa4: {  	[tilespmem:s6+$0x40] =	vst v20  }
0xa5: {  	[tilespmem:s6+$0x50] =	vst v21  }
0xa6: {  	[tilespmem:s6+$0x60] =	vst v22  }
0xa7: {  	[tilespmem:s6+$0x70] =	vst v23  }
0xa8: {  	[tilespmem:s6+$0x80] =	vst v24  }
0xa9: {  	[tilespmem:s6+$0x90] =	vst v25  }
0xaa: {  	[tilespmem:s6+$0xA0] =	vst v26  }
0xab: {  	[tilespmem:s6+$0xB0] =	vst v27  }
0xac: {  	[tilespmem:s6+$0xC0] =	vst v28  }
0xad: {  	[tilespmem:s6+$0xD0] =	vst v29  }
0xae: {  	[tilespmem:s6+$0xE0] =	vst v30  }
0xaf: {  	[tilespmem:s6+$0xF0] =	vst v31  }
0xb0: {  	[tilespmem:s6+$0xFFFFFFF0] =	vst v3  }
0xb1: {  	[tilespmem:s6+$0xFFFFFF00] =	vst v0  }
0xb2: {  	[tilespmem:s6+$0xFFFFFF10] =	vst v1  }
0xb3: {  	[tilespmem:s6+$0xFFFFFF20] =	vst v2  }
0xb4: {  	[tilespmem:s6+$0xFFFFFF30] =	vst v4  }
0xb5: {  	[tilespmem:s6+$0xFFFFFF40] =	vst v5  }
0xb6: {  	[tilespmem:s6+$0xFFFFFF50] =	vst v6  }
0xb7: {  	[tilespmem:s6+$0xFFFFFF60] =	vst v7  }
0xb8: {  	[tilespmem:s6+$0xFFFFFF70] =	vst v8  }
0xb9: {  	[tilespmem:s6+$0xFFFFFF80] =	vst v9  }
0xba: {  	[tilespmem:s6+$0xFFFFFF90] =	vst v10  }
0xbb: {  	[tilespmem:s6+$0xFFFFFFA0] =	vst v11  }
0xbc: {  	[tilespmem:s6+$0xFFFFFFB0] =	vst v12  }
0xbd: {  	[tilespmem:s6+$0xFFFFFFC0] =	vst v13  }
0xbe: {  	[tilespmem:s6+$0xFFFFFFD0] =	vst v14  }
0xbf: {  	s0 =	sshra.s32 s29, $0x2;
	[tilespmem:s6+$0xFFFFFFE0] =	vst v15  }
0xc0: {  	v0 =	vld [tilespmem:s0+$0x8A00];
	_ =	sdelay $0x4  }
0xc1: {  	v0 =	vshll.u32 v0, $0x7  }
0xc2: {  	v3 =	vshra.s32 v0, $0x2  }
0xc3: {  	(v2sf) =	vpush v3, $0x0;
	_ =	sdelay $0x1  }
0xc4: {  	(v2sf) =	vpush v3, $0x1;
	_ =	sdelay $0x1  }
0xc5: {  	(v2sf) =	vpush v3, $0x2;
	_ =	sdelay $0x1  }
0xc6: {  	(v2sf) =	vpush v3, $0x3;
	_ =	sdelay $0x1  }
0xc7: {  	(v2sf) =	vpush v3, $0x4;
	_ =	sdelay $0x1  }
0xc8: {  	(v2sf) =	vpush v3, $0x5;
	_ =	sdelay $0x1  }
0xc9: {  	(v2sf) =	vpush v3, $0x6;
	_ =	sdelay $0x1  }
.Ltmp0:
0xca: {  	(v2sf) =	vpush v3, $0x7;
	(pc) =	sbr.rel @p1 .LBB2_3-.Ltmp0, $4  }
0xcb: {  	s0 =	spop (v2sf)  }
0xcc: {  	v0 =	vld [tilespmem:s0+$0x0];
	(v2sf) =	vpush v3, $0x8  }
0xcd: {  	v1 =	vld [tilespmem:s0+$0x10];
	s17 =	spop (v2sf)  }
0xce: {  	s29 =	sadd.s32 $0x40, s29;
	v2 =	vld [tilespmem:s17+$0x0];
	(v2sf) =	vpush v3, $0x9  }
0xcf: {  	v4 =	vld [tilespmem:s17+$0x10];
	s0 =	spop (v2sf)  }
0xd0: {  	(v2sf) =	vpush v3, $0xA;
	v5 =	vld [tilespmem:s0+$0x0]  }
0xd1: {  	v6 =	vld [tilespmem:s0+$0x10];
	s28 =	spop (v2sf)  }
0xd2: {  	(v2sf) =	vpush v3, $0xB;
	v7 =	vld [tilespmem:s28+$0x0]  }
0xd3: {  	v8 =	vld [tilespmem:s28+$0x10];
	s17 =	spop (v2sf)  }
0xd4: {  	(v2sf) =	vpush v3, $0xC;
	v9 =	vld [tilespmem:s17+$0x0]  }
0xd5: {  	v10 =	vld [tilespmem:s17+$0x10];
	s18 =	spop (v2sf)  }
0xd6: {  	(v2sf) =	vpush v3, $0xD;
	v11 =	vld [tilespmem:s18+$0x0]  }
0xd7: {  	v12 =	vld [tilespmem:s18+$0x10];
	s19 =	spop (v2sf)  }
0xd8: {  	(v2sf) =	vpush v3, $0xE;
	v13 =	vld [tilespmem:s19+$0x0]  }
0xd9: {  	v14 =	vld [tilespmem:s19+$0x10];
	s20 =	spop (v2sf)  }
0xda: {  	(v2sf) =	vpush v3, $0xF;
	v15 =	vld [tilespmem:s20+$0x0]  }
0xdb: {  	v3 =	vld [tilespmem:s20+$0x10];
	s26 =	spop (v2sf)  }
0xdc: {  	v16 =	vld [tilespmem:s26+$0x0]  }
0xdd: {  	v17 =	vld [tilespmem:s26+$0x10];
	s28 =	spop (v2sf)  }
0xde: {  	v18 =	vld [tilespmem:s28+$0x0]  }
0xdf: {  	v19 =	vld [tilespmem:s28+$0x10];
	s17 =	spop (v2sf)  }
0xe0: {  	v20 =	vld [tilespmem:s17+$0x0]  }
0xe1: {  	v21 =	vld [tilespmem:s17+$0x10];
	s18 =	spop (v2sf)  }
0xe2: {  	v22 =	vld [tilespmem:s18+$0x0]  }
0xe3: {  	v23 =	vld [tilespmem:s18+$0x10];
	s19 =	spop (v2sf)  }
0xe4: {  	v24 =	vld [tilespmem:s19+$0x0]  }
0xe5: {  	v25 =	vld [tilespmem:s19+$0x10];
	s20 =	spop (v2sf)  }
0xe6: {  	v26 =	vld [tilespmem:s20+$0x0]  }
0xe7: {  	v27 =	vld [tilespmem:s20+$0x10];
	s26 =	spop (v2sf)  }
0xe8: {  	v28 =	vld [tilespmem:s26+$0x0]  }
0xe9: {  	v29 =	vld [tilespmem:s26+$0x10];
	s28 =	spop (v2sf)  }
0xea: {  	s6 =	sadd.s32 $0x200, s6;
	v30 =	vld [tilespmem:s28+$0x0]  }
0xeb: {  	v31 =	vld [tilespmem:s28+$0x10];
	[tilespmem:s6+$0x0] =	vst v16  }
0xec: {  	[tilespmem:s6+$0x10] =	vst v17  }
0xed: {  	[tilespmem:s6+$0x20] =	vst v18  }
0xee: {  	[tilespmem:s6+$0x30] =	vst v19  }
0xef: {  	[tilespmem:s6+$0x40] =	vst v20  }
0xf0: {  	[tilespmem:s6+$0x50] =	vst v21  }
0xf1: {  	[tilespmem:s6+$0x60] =	vst v22  }
0xf2: {  	[tilespmem:s6+$0x70] =	vst v23  }
0xf3: {  	[tilespmem:s6+$0x80] =	vst v24  }
0xf4: {  	[tilespmem:s6+$0x90] =	vst v25  }
0xf5: {  	[tilespmem:s6+$0xFFFFFFF0] =	vst v3  }
0xf6: {  	[tilespmem:s6+$0xFFFFFF00] =	vst v0  }
0xf7: {  	[tilespmem:s6+$0xFFFFFF10] =	vst v1  }
0xf8: {  	[tilespmem:s6+$0xFFFFFF20] =	vst v2  }
0xf9: {  	[tilespmem:s6+$0xFFFFFF30] =	vst v4  }
0xfa: {  	[tilespmem:s6+$0xFFFFFF40] =	vst v5  }
0xfb: {  	[tilespmem:s6+$0xFFFFFF50] =	vst v6  }
0xfc: {  	[tilespmem:s6+$0xFFFFFF60] =	vst v7  }
0xfd: {  	[tilespmem:s6+$0xFFFFFF70] =	vst v8  }
0xfe: {  	[tilespmem:s6+$0xFFFFFF80] =	vst v9  }
0xff: {  	[tilespmem:s6+$0xFFFFFF90] =	vst v10  }
0x100: {  	[tilespmem:s6+$0xFFFFFFA0] =	vst v11  }
0x101: {  	[tilespmem:s6+$0xFFFFFFB0] =	vst v12  }
0x102: {  	[tilespmem:s6+$0xFFFFFFC0] =	vst v13  }
0x103: {  	[tilespmem:s6+$0xFFFFFFD0] =	vst v14  }
0x104: {  	[tilespmem:s6+$0xFFFFFFE0] =	vst v15  }
0x105: {  	[tilespmem:s6+$0xA0] =	vst v26  }
0x106: {  	[tilespmem:s6+$0xB0] =	vst v27  }
0x107: {  	[tilespmem:s6+$0xC0] =	vst v28  }
0x108: {  	[tilespmem:s6+$0xD0] =	vst v29  }
0x109: {  	s5 =	sshll.u32 s5, $0x2;
	[tilespmem:s6+$0xE0] =	vst v30  }
0x10a: {  	s0 =	simm.s32 @!p0 $0x2;
	[tilespmem:s6+$0xF0] =	vst v31;
	s6 =	sadd.s32 s11, s5  }
0x10b: {  	[hbm4b:s6+s3] =	stream.linear.scatter [tilespmem:s24], [sflag:$0x1], $0x5000, $0x38;
	[tilespmem:$0x1B000] =	vst v63  }
0x10c: {  	_ =	swait.ge @!p0 [sflag:s0], $0x5000  }
0x10d: {  	s17 =	simm.s32 $0x0;
	[sflag:s0] =	ssyncset.done @!p0 $0x0  }
0x10e: {  	s18 =	sand.u32 $0x3F0, s17;
	[sflag:s0] =	ssyncadd.s32 @!p0 $0xFFFFB000  }
0x10f: {  	v0 =	vld [tilespmem:s18+$0x8C80];
	_ =	sdelay $0x4  }
0x110: {  	v0 =	vshll.u32 v0, $0x7  }
0x111: {  	v0 =	vshra.s32 v0, $0x2  }
0x112: {  	(v2sf) =	vpush v0, $0x0;
	_ =	sdelay $0x1  }
0x113: {  	(v2sf) =	vpush v0, $0x1;
	_ =	sdelay $0x1  }
0x114: {  	(v2sf) =	vpush v0, $0x2;
	_ =	sdelay $0x1  }
0x115: {  	(v2sf) =	vpush v0, $0x3;
	_ =	sdelay $0x1  }
0x116: {  	(v2sf) =	vpush v0, $0x4;
	_ =	sdelay $0x1  }
0x117: {  	(v2sf) =	vpush v0, $0x5;
	_ =	sdelay $0x1  }
0x118: {  	(v2sf) =	vpush v0, $0x6;
	_ =	sdelay $0x1  }
0x119: {  	(v2sf) =	vpush v0, $0x7  }
0x11a: {  	s19 =	spop (v2sf)  }
0x11b: {  	(v2sf) =	vpush v0, $0x8;
	v1 =	vld [tilespmem:s19+$0x0]  }
0x11c: {  	v2 =	vld [tilespmem:s19+$0x10];
	s20 =	spop (v2sf)  }
0x11d: {  	(v2sf) =	vpush v0, $0x9;
	v3 =	vld [tilespmem:s20+$0x0]  }
0x11e: {  	v4 =	vld [tilespmem:s20+$0x10];
	s26 =	spop (v2sf)  }
0x11f: {  	(v2sf) =	vpush v0, $0xA;
	v5 =	vld [tilespmem:s26+$0x0]  }
0x120: {  	v38 =	vld [tilespmem:s26+$0x10];
	s28 =	spop (v2sf)  }
0x121: {  	(v2sf) =	vpush v0, $0xB;
	v39 =	vld [tilespmem:s28+$0x0]  }
0x122: {  	v40 =	vld [tilespmem:s28+$0x10];
	s6 =	spop (v2sf)  }
0x123: {  	(v2sf) =	vpush v0, $0xC;
	v41 =	vld [tilespmem:s6+$0x0]  }
0x124: {  	v42 =	vld [tilespmem:s6+$0x10];
	s17 =	spop (v2sf)  }
0x125: {  	(v2sf) =	vpush v0, $0xD;
	v43 =	vld [tilespmem:s17+$0x0]  }
0x126: {  	v44 =	vld [tilespmem:s17+$0x10];
	s18 =	spop (v2sf)  }
0x127: {  	(v2sf) =	vpush v0, $0xE;
	v45 =	vld [tilespmem:s18+$0x0]  }
0x128: {  	v46 =	vld [tilespmem:s18+$0x10];
	s19 =	spop (v2sf)  }
0x129: {  	(v2sf) =	vpush v0, $0xF;
	v47 =	vld [tilespmem:s19+$0x0]  }
0x12a: {  	v0 =	vld [tilespmem:s19+$0x10];
	s20 =	spop (v2sf)  }
0x12b: {  	v48 =	vld [tilespmem:s20+$0x0]  }
0x12c: {  	v49 =	vld [tilespmem:s20+$0x10];
	s26 =	spop (v2sf)  }
0x12d: {  	v50 =	vld [tilespmem:s26+$0x0]  }
0x12e: {  	v51 =	vld [tilespmem:s26+$0x10];
	s28 =	spop (v2sf)  }
0x12f: {  	v52 =	vld [tilespmem:s28+$0x0]  }
0x130: {  	v53 =	vld [tilespmem:s28+$0x10];
	s6 =	spop (v2sf)  }
0x131: {  	v54 =	vld [tilespmem:s6+$0x0]  }
0x132: {  	v55 =	vld [tilespmem:s6+$0x10];
	s17 =	spop (v2sf)  }
0x133: {  	v56 =	vld [tilespmem:s17+$0x0]  }
0x134: {  	v57 =	vld [tilespmem:s17+$0x10];
	s18 =	spop (v2sf)  }
0x135: {  	v58 =	vld [tilespmem:s18+$0x0]  }
0x136: {  	v59 =	vld [tilespmem:s18+$0x10];
	s19 =	spop (v2sf)  }
0x137: {  	v60 =	vld [tilespmem:s19+$0x0]  }
0x138: {  	v61 =	vld [tilespmem:s19+$0x10];
	s20 =	spop (v2sf)  }
0x139: {  	s6 =	simm.s32 $0xE000;
	v62 =	vld [tilespmem:s20+$0x0]  }
0x13a: {  	v63 =	vld [tilespmem:s20+$0x10];
	[tilespmem:s6+$0x0] =	vst v48  }
0x13b: {  	[tilespmem:s6+$0x10] =	vst v49  }
0x13c: {  	[tilespmem:s6+$0x20] =	vst v50  }
0x13d: {  	[tilespmem:s6+$0x30] =	vst v51  }
0x13e: {  	[tilespmem:s6+$0x40] =	vst v52  }
0x13f: {  	[tilespmem:s6+$0x50] =	vst v53  }
0x140: {  	[tilespmem:s6+$0xFFFFFFF0] =	vst v0  }
0x141: {  	[tilespmem:s6+$0xFFFFFF00] =	vst v1  }
0x142: {  	[tilespmem:s6+$0xFFFFFF10] =	vst v2  }
0x143: {  	[tilespmem:s6+$0xFFFFFF20] =	vst v3  }
0x144: {  	[tilespmem:s6+$0xFFFFFF30] =	vst v4  }
0x145: {  	[tilespmem:s6+$0xFFFFFF40] =	vst v5  }
0x146: {  	[tilespmem:s6+$0xFFFFFF50] =	vst v38  }
0x147: {  	[tilespmem:s6+$0xFFFFFF60] =	vst v39  }
0x148: {  	[tilespmem:s6+$0xFFFFFF70] =	vst v40  }
0x149: {  	[tilespmem:s6+$0xFFFFFF80] =	vst v41  }
0x14a: {  	[tilespmem:s6+$0xFFFFFF90] =	vst v42  }
0x14b: {  	[tilespmem:s6+$0xFFFFFFA0] =	vst v43  }
0x14c: {  	[tilespmem:s6+$0xFFFFFFB0] =	vst v44  }
0x14d: {  	[tilespmem:s6+$0xFFFFFFC0] =	vst v45  }
0x14e: {  	[tilespmem:s6+$0xFFFFFFD0] =	vst v46  }
0x14f: {  	[tilespmem:s6+$0xFFFFFFE0] =	vst v47  }
0x150: {  	[tilespmem:s6+$0x60] =	vst v54  }
0x151: {  	[tilespmem:s6+$0x70] =	vst v55  }
0x152: {  	[tilespmem:s6+$0x80] =	vst v56  }
0x153: {  	[tilespmem:s6+$0x90] =	vst v57  }
0x154: {  	[tilespmem:s6+$0xA0] =	vst v58  }
0x155: {  	[tilespmem:s6+$0xB0] =	vst v59  }
0x156: {  	[tilespmem:s6+$0xC0] =	vst v60  }
0x157: {  	[tilespmem:s6+$0xD0] =	vst v61  }
0x158: {  	s26 =	simm.s32 $0x10;
	[tilespmem:s6+$0xE0] =	vst v62  }
0x159: {  	s0 =	sand.u32 $0x3F0, s26;
	[tilespmem:s6+$0xF0] =	vst v63  }
0x15a: {  	v0 =	vld [tilespmem:s0+$0x8C80];
	_ =	sdelay $0x4  }
0x15b: {  	v0 =	vshll.u32 v0, $0x7  }
0x15c: {  	v3 =	vshra.s32 v0, $0x2  }
0x15d: {  	(v2sf) =	vpush v3, $0x0;
	_ =	sdelay $0x2  }
0x15e: {  	(v2sf) =	vpush v3, $0x1;
	_ =	sdelay $0x1  }
0x15f: {  	(v2sf) =	vpush v3, $0x2;
	_ =	sdelay $0x1  }
0x160: {  	(v2sf) =	vpush v3, $0x3;
	_ =	sdelay $0x1  }
0x161: {  	(v2sf) =	vpush v3, $0x4;
	_ =	sdelay $0x1  }
0x162: {  	(v2sf) =	vpush v3, $0x5;
	_ =	sdelay $0x1  }
0x163: {  	(v2sf) =	vpush v3, $0x6;
	_ =	sdelay $0x1  }
0x164: {  	s28 =	spop (v2sf);
	(v2sf) =	vpush v3, $0x7;
	_ =	sdelay $0x1  }
0x165: {  	v0 =	vld [tilespmem:s28+$0x0];
	(v2sf) =	vpush v3, $0x8  }
0x166: {  	v1 =	vld [tilespmem:s28+$0x10];
	s17 =	spop (v2sf)  }
0x167: {  	s29 =	simm.s32 $0x20;
	v2 =	vld [tilespmem:s17+$0x0];
	(v2sf) =	vpush v3, $0x9  }
.LBB2_5:
0x168: {  	p0 =	sne.s32 s29, $0x270;
	v4 =	vld [tilespmem:s17+$0x10];
	s0 =	spop (v2sf)  }
0x169: {  	v5 =	vld [tilespmem:s0+$0x0];
	(v2sf) =	vpush v3, $0xA  }
0x16a: {  	v6 =	vld [tilespmem:s0+$0x10];
	s0 =	spop (v2sf)  }
0x16b: {  	v7 =	vld [tilespmem:s0+$0x0];
	(v2sf) =	vpush v3, $0xB  }
0x16c: {  	v8 =	vld [tilespmem:s0+$0x10];
	s0 =	spop (v2sf)  }
0x16d: {  	v9 =	vld [tilespmem:s0+$0x0];
	(v2sf) =	vpush v3, $0xC  }
0x16e: {  	v10 =	vld [tilespmem:s0+$0x10];
	s0 =	spop (v2sf)  }
0x16f: {  	v11 =	vld [tilespmem:s0+$0x0];
	(v2sf) =	vpush v3, $0xD  }
0x170: {  	v12 =	vld [tilespmem:s0+$0x10];
	s0 =	spop (v2sf)  }
0x171: {  	v13 =	vld [tilespmem:s0+$0x0];
	(v2sf) =	vpush v3, $0xE  }
0x172: {  	v14 =	vld [tilespmem:s0+$0x10];
	s0 =	spop (v2sf)  }
0x173: {  	v15 =	vld [tilespmem:s0+$0x0];
	(v2sf) =	vpush v3, $0xF  }
0x174: {  	v3 =	vld [tilespmem:s0+$0x10];
	s0 =	spop (v2sf)  }
0x175: {  	v16 =	vld [tilespmem:s0+$0x0]  }
0x176: {  	v17 =	vld [tilespmem:s0+$0x10];
	s0 =	spop (v2sf)  }
0x177: {  	v18 =	vld [tilespmem:s0+$0x0]  }
0x178: {  	v19 =	vld [tilespmem:s0+$0x10];
	s0 =	spop (v2sf)  }
0x179: {  	v20 =	vld [tilespmem:s0+$0x0]  }
0x17a: {  	v21 =	vld [tilespmem:s0+$0x10];
	s0 =	spop (v2sf)  }
0x17b: {  	v22 =	vld [tilespmem:s0+$0x0]  }
0x17c: {  	v23 =	vld [tilespmem:s0+$0x10];
	s0 =	spop (v2sf)  }
0x17d: {  	v24 =	vld [tilespmem:s0+$0x0]  }
0x17e: {  	v25 =	vld [tilespmem:s0+$0x10];
	s0 =	spop (v2sf)  }
0x17f: {  	v26 =	vld [tilespmem:s0+$0x0]  }
0x180: {  	v27 =	vld [tilespmem:s0+$0x10];
	s0 =	spop (v2sf)  }
0x181: {  	v28 =	vld [tilespmem:s0+$0x0]  }
0x182: {  	v29 =	vld [tilespmem:s0+$0x10];
	s0 =	spop (v2sf)  }
0x183: {  	s6 =	sadd.s32 $0x200, s6;
	v30 =	vld [tilespmem:s0+$0x0]  }
0x184: {  	v31 =	vld [tilespmem:s0+$0x10];
	[tilespmem:s6+$0x0] =	vst v16  }
0x185: {  	[tilespmem:s6+$0x10] =	vst v17  }
0x186: {  	[tilespmem:s6+$0x20] =	vst v18  }
0x187: {  	[tilespmem:s6+$0x30] =	vst v19  }
0x188: {  	[tilespmem:s6+$0x40] =	vst v20  }
0x189: {  	[tilespmem:s6+$0x50] =	vst v21  }
0x18a: {  	[tilespmem:s6+$0x60] =	vst v22  }
0x18b: {  	[tilespmem:s6+$0x70] =	vst v23  }
0x18c: {  	[tilespmem:s6+$0x80] =	vst v24  }
0x18d: {  	[tilespmem:s6+$0x90] =	vst v25  }
0x18e: {  	[tilespmem:s6+$0xA0] =	vst v26  }
0x18f: {  	[tilespmem:s6+$0xB0] =	vst v27  }
0x190: {  	[tilespmem:s6+$0xC0] =	vst v28  }
0x191: {  	[tilespmem:s6+$0xD0] =	vst v29  }
0x192: {  	[tilespmem:s6+$0xE0] =	vst v30  }
0x193: {  	[tilespmem:s6+$0xF0] =	vst v31  }
0x194: {  	[tilespmem:s6+$0xFFFFFFF0] =	vst v3  }
0x195: {  	[tilespmem:s6+$0xFFFFFF00] =	vst v0  }
0x196: {  	[tilespmem:s6+$0xFFFFFF10] =	vst v1  }
0x197: {  	[tilespmem:s6+$0xFFFFFF20] =	vst v2  }
0x198: {  	[tilespmem:s6+$0xFFFFFF30] =	vst v4  }
0x199: {  	[tilespmem:s6+$0xFFFFFF40] =	vst v5  }
0x19a: {  	[tilespmem:s6+$0xFFFFFF50] =	vst v6  }
0x19b: {  	[tilespmem:s6+$0xFFFFFF60] =	vst v7  }
0x19c: {  	[tilespmem:s6+$0xFFFFFF70] =	vst v8  }
0x19d: {  	[tilespmem:s6+$0xFFFFFF80] =	vst v9  }
0x19e: {  	[tilespmem:s6+$0xFFFFFF90] =	vst v10  }
0x19f: {  	[tilespmem:s6+$0xFFFFFFA0] =	vst v11  }
0x1a0: {  	[tilespmem:s6+$0xFFFFFFB0] =	vst v12  }
0x1a1: {  	[tilespmem:s6+$0xFFFFFFC0] =	vst v13  }
0x1a2: {  	[tilespmem:s6+$0xFFFFFFD0] =	vst v14  }
0x1a3: {  	s0 =	sand.u32 $0x3F0, s29;
	[tilespmem:s6+$0xFFFFFFE0] =	vst v15  }
0x1a4: {  	v0 =	vld [tilespmem:s0+$0x8C80];
	_ =	sdelay $0x4  }
0x1a5: {  	v0 =	vshll.u32 v0, $0x7  }
0x1a6: {  	v3 =	vshra.s32 v0, $0x2  }
0x1a7: {  	(v2sf) =	vpush v3, $0x0;
	_ =	sdelay $0x1  }
0x1a8: {  	(v2sf) =	vpush v3, $0x1;
	_ =	sdelay $0x1  }
0x1a9: {  	(v2sf) =	vpush v3, $0x2;
	_ =	sdelay $0x1  }
0x1aa: {  	(v2sf) =	vpush v3, $0x3;
	_ =	sdelay $0x1  }
0x1ab: {  	(v2sf) =	vpush v3, $0x4;
	_ =	sdelay $0x1  }
0x1ac: {  	(v2sf) =	vpush v3, $0x5;
	_ =	sdelay $0x1  }
0x1ad: {  	(v2sf) =	vpush v3, $0x6;
	_ =	sdelay $0x1  }
.Ltmp1:
0x1ae: {  	(v2sf) =	vpush v3, $0x7;
	(pc) =	sbr.rel @p0 .LBB2_5-.Ltmp1, $4  }
0x1af: {  	s0 =	spop (v2sf)  }
0x1b0: {  	v0 =	vld [tilespmem:s0+$0x0];
	(v2sf) =	vpush v3, $0x8  }
0x1b1: {  	v1 =	vld [tilespmem:s0+$0x10];
	s17 =	spop (v2sf)  }
0x1b2: {  	s29 =	sadd.s32 $0x10, s29;
	v2 =	vld [tilespmem:s17+$0x0];
	(v2sf) =	vpush v3, $0x9  }
0x1b3: {  	v4 =	vld [tilespmem:s17+$0x10];
	s0 =	spop (v2sf)  }
0x1b4: {  	(v2sf) =	vpush v3, $0xA;
	v5 =	vld [tilespmem:s0+$0x0]  }
0x1b5: {  	v6 =	vld [tilespmem:s0+$0x10];
	s17 =	spop (v2sf)  }
0x1b6: {  	(v2sf) =	vpush v3, $0xB;
	v7 =	vld [tilespmem:s17+$0x0]  }
0x1b7: {  	v8 =	vld [tilespmem:s17+$0x10];
	s18 =	spop (v2sf)  }
0x1b8: {  	(v2sf) =	vpush v3, $0xC;
	v9 =	vld [tilespmem:s18+$0x0]  }
0x1b9: {  	v10 =	vld [tilespmem:s18+$0x10];
	s19 =	spop (v2sf)  }
0x1ba: {  	(v2sf) =	vpush v3, $0xD;
	v11 =	vld [tilespmem:s19+$0x0]  }
0x1bb: {  	v12 =	vld [tilespmem:s19+$0x10];
	s20 =	spop (v2sf)  }
0x1bc: {  	(v2sf) =	vpush v3, $0xE;
	v13 =	vld [tilespmem:s20+$0x0]  }
0x1bd: {  	v14 =	vld [tilespmem:s20+$0x10];
	s26 =	spop (v2sf)  }
0x1be: {  	(v2sf) =	vpush v3, $0xF;
	v15 =	vld [tilespmem:s26+$0x0]  }
0x1bf: {  	v63 =	vld [tilespmem:s26+$0x10];
	s28 =	spop (v2sf)  }
0x1c0: {  	v16 =	vld [tilespmem:s28+$0x0]  }
0x1c1: {  	v17 =	vld [tilespmem:s28+$0x10];
	s29 =	spop (v2sf)  }
0x1c2: {  	v18 =	vld [tilespmem:s29+$0x0]  }
0x1c3: {  	v19 =	vld [tilespmem:s29+$0x10];
	s17 =	spop (v2sf)  }
0x1c4: {  	v20 =	vld [tilespmem:s17+$0x0]  }
0x1c5: {  	v21 =	vld [tilespmem:s17+$0x10];
	s18 =	spop (v2sf)  }
0x1c6: {  	v22 =	vld [tilespmem:s18+$0x0]  }
0x1c7: {  	v23 =	vld [tilespmem:s18+$0x10];
	s19 =	spop (v2sf)  }
0x1c8: {  	v24 =	vld [tilespmem:s19+$0x0]  }
0x1c9: {  	v25 =	vld [tilespmem:s19+$0x10];
	s20 =	spop (v2sf)  }
0x1ca: {  	v26 =	vld [tilespmem:s20+$0x0]  }
0x1cb: {  	v27 =	vld [tilespmem:s20+$0x10];
	s26 =	spop (v2sf)  }
0x1cc: {  	v28 =	vld [tilespmem:s26+$0x0]  }
0x1cd: {  	v29 =	vld [tilespmem:s26+$0x10];
	s28 =	spop (v2sf)  }
0x1ce: {  	s6 =	sadd.s32 $0x200, s6;
	v30 =	vld [tilespmem:s28+$0x0]  }
0x1cf: {  	v31 =	vld [tilespmem:s28+$0x10];
	[tilespmem:s6+$0x0] =	vst v16  }
0x1d0: {  	[tilespmem:s6+$0x10] =	vst v17  }
0x1d1: {  	[tilespmem:s6+$0x20] =	vst v18  }
0x1d2: {  	[tilespmem:s6+$0x30] =	vst v19  }
0x1d3: {  	[tilespmem:s6+$0x40] =	vst v20  }
0x1d4: {  	[tilespmem:s6+$0x50] =	vst v21  }
0x1d5: {  	[tilespmem:s6+$0x60] =	vst v22  }
0x1d6: {  	[tilespmem:s6+$0x70] =	vst v23  }
0x1d7: {  	[tilespmem:s6+$0x80] =	vst v24  }
0x1d8: {  	[tilespmem:s6+$0x90] =	vst v25  }
0x1d9: {  	[tilespmem:s6+$0xFFFFFFF0] =	vst v63  }
0x1da: {  	[tilespmem:s6+$0xFFFFFF00] =	vst v0  }
0x1db: {  	[tilespmem:s6+$0xFFFFFF10] =	vst v1  }
0x1dc: {  	[tilespmem:s6+$0xFFFFFF20] =	vst v2  }
0x1dd: {  	[tilespmem:s6+$0xFFFFFF30] =	vst v4  }
0x1de: {  	[tilespmem:s6+$0xFFFFFF40] =	vst v5  }
0x1df: {  	[tilespmem:s6+$0xFFFFFF50] =	vst v6  }
0x1e0: {  	[tilespmem:s6+$0xFFFFFF60] =	vst v7  }
0x1e1: {  	[tilespmem:s6+$0xFFFFFF70] =	vst v8  }
0x1e2: {  	[tilespmem:s6+$0xFFFFFF80] =	vst v9  }
0x1e3: {  	[tilespmem:s6+$0xFFFFFF90] =	vst v10  }
0x1e4: {  	[tilespmem:s6+$0xFFFFFFA0] =	vst v11  }
0x1e5: {  	[tilespmem:s6+$0xFFFFFFB0] =	vst v12  }
0x1e6: {  	[tilespmem:s6+$0xFFFFFFC0] =	vst v13  }
0x1e7: {  	[tilespmem:s6+$0xFFFFFFD0] =	vst v14  }
0x1e8: {  	[tilespmem:s6+$0xFFFFFFE0] =	vst v15  }
0x1e9: {  	s30 =	sadd.s32 $0x1, s30;
	[tilespmem:s6+$0xA0] =	vst v26  }
0x1ea: {  	p0 =	sne.s32 s30, $0x1E;
	[tilespmem:s6+$0xB0] =	vst v27  }
.Ltmp2:
0x1eb: {  	[tilespmem:s6+$0xC0] =	vst v28;
	(pc) =	sbr.rel @p0 .LBB2_2-.Ltmp2, $4  }
0x1ec: {  	[tilespmem:s6+$0xD0] =	vst v29  }
0x1ed: {  	[tilespmem:s6+$0xE0] =	vst v30  }
0x1ee: {  	s29 =	sadd.s32 s5, s14;
	[tilespmem:s6+$0xF0] =	vst v31  }
0x1ef: {  	[hbm4b:s29+s3] =	stream.linear.scatter [tilespmem:s25], [sflag:$0x2], $0x5000, $0x38;
	[tilespmem:$0x1B000] =	vst v63  }
0x1f0: {  	s0 =	simm.s32 $0x1  }
0x1f1: {  	_ =	swait.ge [sflag:s0], $0x5000  }
0x1f2: {  	[sflag:s0] =	ssyncset.done $0x0  }
0x1f3: {  	s29 =	simm.s32 $0x2;
	[sflag:s0] =	ssyncadd.s32 $0xFFFFB000  }
0x1f4: {  	_ =	swait.ge [sflag:s29], $0x5000  }
0x1f5: {  	[sflag:s29] =	ssyncset.done $0x0  }
0x1f6: {  	s30 =	simm.s32 $0x0;
	s5 =	simm.s32 $0x0;
	[sflag:s29] =	ssyncadd.s32 $0xFFFFB000  }
.LBB2_8:
0x1f7: {  	s0 =	smul.u32 $0x190, s5;
	_ =	sdelay $0x1  }
0x1f8: {  	s6 =	sadd.s32 s15, s0  }
0x1f9: {  	s0 =	sshrl.u32 s6, $0x3  }
0x1fa: {  	s0 =	sadd.s32 s9, s0  }
0x1fb: {  	[tilespmem:s23], [sflag:$0x3] =	stream.linear.gather [hbm4b:s0+s30], $0x190, $0x38;
	[tilespmem:$0x1B000] =	vst v63  }
0x1fc: {  	_ =	swait.ge [sflag:s21], $0x190  }
0x1fd: {  	[sflag:s21] =	ssyncset.done $0x0  }
0x1fe: {  	s28 =	simm.s32 $0x0;
	[sflag:s21] =	ssyncadd.s32 $0xFFFFFE70  }
0x1ff: {  	v0 =	vld [tilespmem:s28+$0x8A00];
	_ =	sdelay $0x4  }
0x200: {  	v0 =	vshll.u32 v0, $0x7  }
0x201: {  	v0 =	vshra.s32 v0, $0x2  }
0x202: {  	(v2sf) =	vpush v0, $0x0;
	_ =	sdelay $0x1  }
0x203: {  	(v2sf) =	vpush v0, $0x1;
	_ =	sdelay $0x1  }
0x204: {  	(v2sf) =	vpush v0, $0x2;
	_ =	sdelay $0x1  }
0x205: {  	(v2sf) =	vpush v0, $0x3;
	_ =	sdelay $0x1  }
0x206: {  	(v2sf) =	vpush v0, $0x4;
	_ =	sdelay $0x1  }
0x207: {  	(v2sf) =	vpush v0, $0x5;
	_ =	sdelay $0x1  }
0x208: {  	(v2sf) =	vpush v0, $0x6;
	_ =	sdelay $0x1  }
0x209: {  	(v2sf) =	vpush v0, $0x7  }
0x20a: {  	s17 =	spop (v2sf)  }
0x20b: {  	(v2sf) =	vpush v0, $0x8;
	v1 =	vld [tilespmem:s17+$0x7D80]  }
0x20c: {  	v2 =	vld [tilespmem:s17+$0x7D90];
	s18 =	spop (v2sf)  }
0x20d: {  	(v2sf) =	vpush v0, $0x9;
	v3 =	vld [tilespmem:s18+$0x7D80]  }
0x20e: {  	v4 =	vld [tilespmem:s18+$0x7D90];
	s19 =	spop (v2sf)  }
0x20f: {  	(v2sf) =	vpush v0, $0xA;
	v5 =	vld [tilespmem:s19+$0x7D80]  }
0x210: {  	v6 =	vld [tilespmem:s19+$0x7D90];
	s20 =	spop (v2sf)  }
0x211: {  	(v2sf) =	vpush v0, $0xB;
	v7 =	vld [tilespmem:s20+$0x7D80]  }
0x212: {  	v8 =	vld [tilespmem:s20+$0x7D90];
	s26 =	spop (v2sf)  }
0x213: {  	(v2sf) =	vpush v0, $0xC;
	v9 =	vld [tilespmem:s26+$0x7D80]  }
0x214: {  	v10 =	vld [tilespmem:s26+$0x7D90];
	s28 =	spop (v2sf)  }
0x215: {  	(v2sf) =	vpush v0, $0xD;
	v11 =	vld [tilespmem:s28+$0x7D80]  }
0x216: {  	v12 =	vld [tilespmem:s28+$0x7D90];
	s17 =	spop (v2sf)  }
0x217: {  	(v2sf) =	vpush v0, $0xE;
	v13 =	vld [tilespmem:s17+$0x7D80]  }
0x218: {  	v14 =	vld [tilespmem:s17+$0x7D90];
	s18 =	spop (v2sf)  }
0x219: {  	(v2sf) =	vpush v0, $0xF;
	v15 =	vld [tilespmem:s18+$0x7D80]  }
0x21a: {  	v0 =	vld [tilespmem:s18+$0x7D90];
	s19 =	spop (v2sf)  }
0x21b: {  	v16 =	vld [tilespmem:s19+$0x7D80]  }
0x21c: {  	v17 =	vld [tilespmem:s19+$0x7D90];
	s20 =	spop (v2sf)  }
0x21d: {  	v18 =	vld [tilespmem:s20+$0x7D80]  }
0x21e: {  	v19 =	vld [tilespmem:s20+$0x7D90];
	s26 =	spop (v2sf)  }
0x21f: {  	v20 =	vld [tilespmem:s26+$0x7D80]  }
0x220: {  	v21 =	vld [tilespmem:s26+$0x7D90];
	s28 =	spop (v2sf)  }
0x221: {  	v22 =	vld [tilespmem:s28+$0x7D80]  }
0x222: {  	v23 =	vld [tilespmem:s28+$0x7D90];
	s17 =	spop (v2sf)  }
0x223: {  	v24 =	vld [tilespmem:s17+$0x7D80]  }
0x224: {  	v25 =	vld [tilespmem:s17+$0x7D90];
	s18 =	spop (v2sf)  }
0x225: {  	v26 =	vld [tilespmem:s18+$0x7D80]  }
0x226: {  	v27 =	vld [tilespmem:s18+$0x7D90];
	s19 =	spop (v2sf)  }
0x227: {  	v28 =	vld [tilespmem:s19+$0x7D80]  }
0x228: {  	v29 =	vld [tilespmem:s19+$0x7D90];
	s20 =	spop (v2sf)  }
0x229: {  	s29 =	simm.s32 $0xE000;
	v30 =	vld [tilespmem:s20+$0x7D80]  }
0x22a: {  	v31 =	vld [tilespmem:s20+$0x7D90];
	[tilespmem:s29+$0x0] =	vst v16  }
0x22b: {  	[tilespmem:s29+$0x10] =	vst v17  }
0x22c: {  	[tilespmem:s29+$0x20] =	vst v18  }
0x22d: {  	[tilespmem:s29+$0x30] =	vst v19  }
0x22e: {  	[tilespmem:s29+$0x40] =	vst v20  }
0x22f: {  	[tilespmem:s29+$0x50] =	vst v21  }
0x230: {  	[tilespmem:s29+$0xFFFFFFF0] =	vst v0  }
0x231: {  	[tilespmem:s29+$0xFFFFFF00] =	vst v1  }
0x232: {  	[tilespmem:s29+$0xFFFFFF10] =	vst v2  }
0x233: {  	[tilespmem:s29+$0xFFFFFF20] =	vst v3  }
0x234: {  	[tilespmem:s29+$0xFFFFFF30] =	vst v4  }
0x235: {  	[tilespmem:s29+$0xFFFFFF40] =	vst v5  }
0x236: {  	[tilespmem:s29+$0xFFFFFF50] =	vst v6  }
0x237: {  	[tilespmem:s29+$0xFFFFFF60] =	vst v7  }
0x238: {  	[tilespmem:s29+$0xFFFFFF70] =	vst v8  }
0x239: {  	[tilespmem:s29+$0xFFFFFF80] =	vst v9  }
0x23a: {  	[tilespmem:s29+$0xFFFFFF90] =	vst v10  }
0x23b: {  	[tilespmem:s29+$0xFFFFFFA0] =	vst v11  }
0x23c: {  	[tilespmem:s29+$0xFFFFFFB0] =	vst v12  }
0x23d: {  	[tilespmem:s29+$0xFFFFFFC0] =	vst v13  }
0x23e: {  	[tilespmem:s29+$0xFFFFFFD0] =	vst v14  }
0x23f: {  	[tilespmem:s29+$0xFFFFFFE0] =	vst v15  }
0x240: {  	[tilespmem:s29+$0x60] =	vst v22  }
0x241: {  	[tilespmem:s29+$0x70] =	vst v23  }
0x242: {  	[tilespmem:s29+$0x80] =	vst v24  }
0x243: {  	[tilespmem:s29+$0x90] =	vst v25  }
0x244: {  	[tilespmem:s29+$0xA0] =	vst v26  }
0x245: {  	[tilespmem:s29+$0xB0] =	vst v27  }
0x246: {  	[tilespmem:s29+$0xC0] =	vst v28  }
0x247: {  	[tilespmem:s29+$0xD0] =	vst v29  }
0x248: {  	[tilespmem:s29+$0xE0] =	vst v30  }
0x249: {  	s26 =	simm.s32 $0x10;
	[tilespmem:s29+$0xF0] =	vst v31  }
0x24a: {  	v0 =	vld [tilespmem:s26+$0x8A00];
	_ =	sdelay $0x4  }
0x24b: {  	v0 =	vshll.u32 v0, $0x7  }
0x24c: {  	v3 =	vshra.s32 v0, $0x2  }
0x24d: {  	(v2sf) =	vpush v3, $0x0;
	_ =	sdelay $0x2  }
0x24e: {  	(v2sf) =	vpush v3, $0x1;
	_ =	sdelay $0x1  }
0x24f: {  	(v2sf) =	vpush v3, $0x2;
	_ =	sdelay $0x1  }
0x250: {  	(v2sf) =	vpush v3, $0x3;
	_ =	sdelay $0x1  }
0x251: {  	(v2sf) =	vpush v3, $0x4;
	_ =	sdelay $0x1  }
0x252: {  	(v2sf) =	vpush v3, $0x5;
	_ =	sdelay $0x1  }
0x253: {  	(v2sf) =	vpush v3, $0x6;
	_ =	sdelay $0x1  }
0x254: {  	s28 =	spop (v2sf);
	(v2sf) =	vpush v3, $0x7;
	_ =	sdelay $0x1  }
0x255: {  	v0 =	vld [tilespmem:s28+$0x7D80];
	(v2sf) =	vpush v3, $0x8  }
0x256: {  	v1 =	vld [tilespmem:s28+$0x7D90];
	s0 =	spop (v2sf)  }
0x257: {  	s17 =	simm.s32 $0x80;
	v2 =	vld [tilespmem:s0+$0x7D80];
	(v2sf) =	vpush v3, $0x9  }
.LBB2_9:
0x258: {  	p0 =	sne.s32 s17, $0x600;
	v4 =	vld [tilespmem:s0+$0x7D90];
	s0 =	spop (v2sf)  }
0x259: {  	v5 =	vld [tilespmem:s0+$0x7D80];
	(v2sf) =	vpush v3, $0xA  }
0x25a: {  	v6 =	vld [tilespmem:s0+$0x7D90];
	s0 =	spop (v2sf)  }
0x25b: {  	v7 =	vld [tilespmem:s0+$0x7D80];
	(v2sf) =	vpush v3, $0xB  }
0x25c: {  	v8 =	vld [tilespmem:s0+$0x7D90];
	s0 =	spop (v2sf)  }
0x25d: {  	v9 =	vld [tilespmem:s0+$0x7D80];
	(v2sf) =	vpush v3, $0xC  }
0x25e: {  	v10 =	vld [tilespmem:s0+$0x7D90];
	s0 =	spop (v2sf)  }
0x25f: {  	v11 =	vld [tilespmem:s0+$0x7D80];
	(v2sf) =	vpush v3, $0xD  }
0x260: {  	v12 =	vld [tilespmem:s0+$0x7D90];
	s0 =	spop (v2sf)  }
0x261: {  	v13 =	vld [tilespmem:s0+$0x7D80];
	(v2sf) =	vpush v3, $0xE  }
0x262: {  	v14 =	vld [tilespmem:s0+$0x7D90];
	s0 =	spop (v2sf)  }
0x263: {  	v15 =	vld [tilespmem:s0+$0x7D80];
	(v2sf) =	vpush v3, $0xF  }
0x264: {  	v3 =	vld [tilespmem:s0+$0x7D90];
	s0 =	spop (v2sf)  }
0x265: {  	v16 =	vld [tilespmem:s0+$0x7D80]  }
0x266: {  	v17 =	vld [tilespmem:s0+$0x7D90];
	s0 =	spop (v2sf)  }
0x267: {  	v18 =	vld [tilespmem:s0+$0x7D80]  }
0x268: {  	v19 =	vld [tilespmem:s0+$0x7D90];
	s0 =	spop (v2sf)  }
0x269: {  	v20 =	vld [tilespmem:s0+$0x7D80]  }
0x26a: {  	v21 =	vld [tilespmem:s0+$0x7D90];
	s0 =	spop (v2sf)  }
0x26b: {  	v22 =	vld [tilespmem:s0+$0x7D80]  }
0x26c: {  	v23 =	vld [tilespmem:s0+$0x7D90];
	s0 =	spop (v2sf)  }
0x26d: {  	v24 =	vld [tilespmem:s0+$0x7D80]  }
0x26e: {  	v25 =	vld [tilespmem:s0+$0x7D90];
	s0 =	spop (v2sf)  }
0x26f: {  	v26 =	vld [tilespmem:s0+$0x7D80]  }
0x270: {  	v27 =	vld [tilespmem:s0+$0x7D90];
	s0 =	spop (v2sf)  }
0x271: {  	v28 =	vld [tilespmem:s0+$0x7D80]  }
0x272: {  	v29 =	vld [tilespmem:s0+$0x7D90];
	s0 =	spop (v2sf)  }
0x273: {  	s29 =	sadd.s32 $0x200, s29;
	v30 =	vld [tilespmem:s0+$0x7D80]  }
0x274: {  	v31 =	vld [tilespmem:s0+$0x7D90];
	[tilespmem:s29+$0x0] =	vst v16  }
0x275: {  	[tilespmem:s29+$0x10] =	vst v17  }
0x276: {  	[tilespmem:s29+$0x20] =	vst v18  }
0x277: {  	[tilespmem:s29+$0x30] =	vst v19  }
0x278: {  	[tilespmem:s29+$0x40] =	vst v20  }
0x279: {  	[tilespmem:s29+$0x50] =	vst v21  }
0x27a: {  	[tilespmem:s29+$0x60] =	vst v22  }
0x27b: {  	[tilespmem:s29+$0x70] =	vst v23  }
0x27c: {  	[tilespmem:s29+$0x80] =	vst v24  }
0x27d: {  	[tilespmem:s29+$0x90] =	vst v25  }
0x27e: {  	[tilespmem:s29+$0xA0] =	vst v26  }
0x27f: {  	[tilespmem:s29+$0xB0] =	vst v27  }
0x280: {  	[tilespmem:s29+$0xC0] =	vst v28  }
0x281: {  	[tilespmem:s29+$0xD0] =	vst v29  }
0x282: {  	[tilespmem:s29+$0xE0] =	vst v30  }
0x283: {  	[tilespmem:s29+$0xF0] =	vst v31  }
0x284: {  	[tilespmem:s29+$0xFFFFFFF0] =	vst v3  }
0x285: {  	[tilespmem:s29+$0xFFFFFF00] =	vst v0  }
0x286: {  	[tilespmem:s29+$0xFFFFFF10] =	vst v1  }
0x287: {  	[tilespmem:s29+$0xFFFFFF20] =	vst v2  }
0x288: {  	[tilespmem:s29+$0xFFFFFF30] =	vst v4  }
0x289: {  	[tilespmem:s29+$0xFFFFFF40] =	vst v5  }
0x28a: {  	[tilespmem:s29+$0xFFFFFF50] =	vst v6  }
0x28b: {  	[tilespmem:s29+$0xFFFFFF60] =	vst v7  }
0x28c: {  	[tilespmem:s29+$0xFFFFFF70] =	vst v8  }
0x28d: {  	[tilespmem:s29+$0xFFFFFF80] =	vst v9  }
0x28e: {  	[tilespmem:s29+$0xFFFFFF90] =	vst v10  }
0x28f: {  	[tilespmem:s29+$0xFFFFFFA0] =	vst v11  }
0x290: {  	[tilespmem:s29+$0xFFFFFFB0] =	vst v12  }
0x291: {  	[tilespmem:s29+$0xFFFFFFC0] =	vst v13  }
0x292: {  	[tilespmem:s29+$0xFFFFFFD0] =	vst v14  }
0x293: {  	s0 =	sshra.s32 s17, $0x2;
	[tilespmem:s29+$0xFFFFFFE0] =	vst v15  }
0x294: {  	v0 =	vld [tilespmem:s0+$0x8A00];
	_ =	sdelay $0x4  }
0x295: {  	v0 =	vshll.u32 v0, $0x7  }
0x296: {  	v3 =	vshra.s32 v0, $0x2  }
0x297: {  	(v2sf) =	vpush v3, $0x0;
	_ =	sdelay $0x1  }
0x298: {  	(v2sf) =	vpush v3, $0x1;
	_ =	sdelay $0x1  }
0x299: {  	(v2sf) =	vpush v3, $0x2;
	_ =	sdelay $0x1  }
0x29a: {  	(v2sf) =	vpush v3, $0x3;
	_ =	sdelay $0x1  }
0x29b: {  	(v2sf) =	vpush v3, $0x4;
	_ =	sdelay $0x1  }
0x29c: {  	(v2sf) =	vpush v3, $0x5;
	_ =	sdelay $0x1  }
0x29d: {  	(v2sf) =	vpush v3, $0x6;
	_ =	sdelay $0x1  }
.Ltmp3:
0x29e: {  	(v2sf) =	vpush v3, $0x7;
	(pc) =	sbr.rel @p0 .LBB2_9-.Ltmp3, $4  }
0x29f: {  	s0 =	spop (v2sf)  }
0x2a0: {  	v0 =	vld [tilespmem:s0+$0x7D80];
	(v2sf) =	vpush v3, $0x8  }
0x2a1: {  	v1 =	vld [tilespmem:s0+$0x7D90];
	s0 =	spop (v2sf)  }
0x2a2: {  	s17 =	sadd.s32 $0x40, s17;
	v2 =	vld [tilespmem:s0+$0x7D80];
	(v2sf) =	vpush v3, $0x9  }
0x2a3: {  	v4 =	vld [tilespmem:s0+$0x7D90];
	s26 =	spop (v2sf)  }
0x2a4: {  	(v2sf) =	vpush v3, $0xA;
	v5 =	vld [tilespmem:s26+$0x7D80]  }
0x2a5: {  	v6 =	vld [tilespmem:s26+$0x7D90];
	s28 =	spop (v2sf)  }
0x2a6: {  	(v2sf) =	vpush v3, $0xB;
	v7 =	vld [tilespmem:s28+$0x7D80]  }
0x2a7: {  	v8 =	vld [tilespmem:s28+$0x7D90];
	s17 =	spop (v2sf)  }
0x2a8: {  	(v2sf) =	vpush v3, $0xC;
	v9 =	vld [tilespmem:s17+$0x7D80]  }
0x2a9: {  	v10 =	vld [tilespmem:s17+$0x7D90];
	s18 =	spop (v2sf)  }
0x2aa: {  	(v2sf) =	vpush v3, $0xD;
	v11 =	vld [tilespmem:s18+$0x7D80]  }
0x2ab: {  	v12 =	vld [tilespmem:s18+$0x7D90];
	s19 =	spop (v2sf)  }
0x2ac: {  	(v2sf) =	vpush v3, $0xE;
	v13 =	vld [tilespmem:s19+$0x7D80]  }
0x2ad: {  	v14 =	vld [tilespmem:s19+$0x7D90];
	s20 =	spop (v2sf)  }
0x2ae: {  	(v2sf) =	vpush v3, $0xF;
	v15 =	vld [tilespmem:s20+$0x7D80]  }
0x2af: {  	v63 =	vld [tilespmem:s20+$0x7D90];
	s26 =	spop (v2sf)  }
0x2b0: {  	v16 =	vld [tilespmem:s26+$0x7D80]  }
0x2b1: {  	v17 =	vld [tilespmem:s26+$0x7D90];
	s28 =	spop (v2sf)  }
0x2b2: {  	v18 =	vld [tilespmem:s28+$0x7D80]  }
0x2b3: {  	v19 =	vld [tilespmem:s28+$0x7D90];
	s17 =	spop (v2sf)  }
0x2b4: {  	v20 =	vld [tilespmem:s17+$0x7D80]  }
0x2b5: {  	v21 =	vld [tilespmem:s17+$0x7D90];
	s18 =	spop (v2sf)  }
0x2b6: {  	v22 =	vld [tilespmem:s18+$0x7D80]  }
0x2b7: {  	v23 =	vld [tilespmem:s18+$0x7D90];
	s19 =	spop (v2sf)  }
0x2b8: {  	v24 =	vld [tilespmem:s19+$0x7D80]  }
0x2b9: {  	v25 =	vld [tilespmem:s19+$0x7D90];
	s20 =	spop (v2sf)  }
0x2ba: {  	v26 =	vld [tilespmem:s20+$0x7D80]  }
0x2bb: {  	v27 =	vld [tilespmem:s20+$0x7D90];
	s26 =	spop (v2sf)  }
0x2bc: {  	v28 =	vld [tilespmem:s26+$0x7D80]  }
0x2bd: {  	v29 =	vld [tilespmem:s26+$0x7D90];
	s28 =	spop (v2sf)  }
0x2be: {  	s17 =	sadd.s32 $0x200, s29;
	v30 =	vld [tilespmem:s28+$0x7D80]  }
0x2bf: {  	v31 =	vld [tilespmem:s28+$0x7D90];
	[tilespmem:s17+$0x0] =	vst v16  }
0x2c0: {  	[tilespmem:s17+$0x10] =	vst v17  }
0x2c1: {  	[tilespmem:s17+$0x20] =	vst v18  }
0x2c2: {  	[tilespmem:s17+$0x30] =	vst v19  }
0x2c3: {  	[tilespmem:s17+$0x40] =	vst v20  }
0x2c4: {  	[tilespmem:s17+$0x50] =	vst v21  }
0x2c5: {  	[tilespmem:s17+$0x60] =	vst v22  }
0x2c6: {  	[tilespmem:s17+$0x70] =	vst v23  }
0x2c7: {  	[tilespmem:s17+$0x80] =	vst v24  }
0x2c8: {  	[tilespmem:s17+$0x90] =	vst v25  }
0x2c9: {  	[tilespmem:s17+$0xFFFFFFF0] =	vst v63  }
0x2ca: {  	[tilespmem:s17+$0xFFFFFF00] =	vst v0  }
0x2cb: {  	[tilespmem:s17+$0xFFFFFF10] =	vst v1  }
0x2cc: {  	[tilespmem:s17+$0xFFFFFF20] =	vst v2  }
0x2cd: {  	[tilespmem:s17+$0xFFFFFF30] =	vst v4  }
0x2ce: {  	[tilespmem:s17+$0xFFFFFF40] =	vst v5  }
0x2cf: {  	[tilespmem:s17+$0xFFFFFF50] =	vst v6  }
0x2d0: {  	[tilespmem:s17+$0xFFFFFF60] =	vst v7  }
0x2d1: {  	[tilespmem:s17+$0xFFFFFF70] =	vst v8  }
0x2d2: {  	[tilespmem:s17+$0xFFFFFF80] =	vst v9  }
0x2d3: {  	[tilespmem:s17+$0xFFFFFF90] =	vst v10  }
0x2d4: {  	[tilespmem:s17+$0xFFFFFFA0] =	vst v11  }
0x2d5: {  	[tilespmem:s17+$0xFFFFFFB0] =	vst v12  }
0x2d6: {  	[tilespmem:s17+$0xFFFFFFC0] =	vst v13  }
0x2d7: {  	[tilespmem:s17+$0xFFFFFFD0] =	vst v14  }
0x2d8: {  	[tilespmem:s17+$0xFFFFFFE0] =	vst v15  }
0x2d9: {  	[tilespmem:s17+$0xA0] =	vst v26  }
0x2da: {  	[tilespmem:s17+$0xB0] =	vst v27  }
0x2db: {  	[tilespmem:s17+$0xC0] =	vst v28  }
0x2dc: {  	s5 =	sadd.s32 $0x1, s5;
	[tilespmem:s17+$0xD0] =	vst v29  }
0x2dd: {  	p0 =	sne.s32 s5, $0x4;
	s29 =	sshll.u32 s6, $0x2;
	[tilespmem:s17+$0xE0] =	vst v30  }
.Ltmp4:
0x2de: {  	s0 =	sadd.s32 s2, s29;
	[tilespmem:s17+$0xF0] =	vst v31;
	(pc) =	sbr.rel @p0 .LBB2_8-.Ltmp4, $4  }
0x2df: {  	[hbm4b:s0+s3] =	stream.linear.scatter [tilespmem:s25], [sflag:$0x3], $0x3200, $0x38;
	[tilespmem:$0x1B000] =	vst v63  }
0x2e0: {  	_ =	swait.ge [sflag:s21], $0x3200  }
0x2e1: {  	[sflag:s21] =	ssyncset.done $0x0  }
0x2e2: {  	[sflag:s21] =	ssyncadd.s32 $0xFFFFCE00  }
0x2e3: {  	_ =	strace $0x80000048  }
0x2e4: {  	s19 =	simm.s32 $0x0;
	s5 =	simm.s32 $0x12F00;
	s0 =	rddreg [dreg:$0x9]  }
0x2e5: {  	[tilespmem:s5], [sflag:$0x3] =	stream.linear.gather [hbm4b:s0+s19], $0x80, $0x200038;
	[tilespmem:$0x1B000] =	vst v63  }
0x2e6: {  	_ =	strace $0x90000048  }
0x2e7: {  	_ =	strace $0x80000049  }
0x2e8: {  	s6 =	simm.s32 $0x12F80;
	s20 =	rddreg [dreg:$0xb]  }
0x2e9: {  	[tilespmem:s6], [sflag:$0x4] =	stream.linear.gather [hbm4b:s20+s19], $0x80, $0x200038;
	[tilespmem:$0x1B000] =	vst v63  }
0x2ea: {  	_ =	strace $0x90000049  }
0x2eb: {  	_ =	strace $0x8000004A  }
0x2ec: {  	_ =	swait.ge [sflag:s21], $0x80  }
0x2ed: {  	[sflag:s21] =	ssyncset.done $0x0  }
0x2ee: {  	[sflag:s21] =	ssyncadd.s32 $0xFFFFFF80  }
0x2ef: {  	_ =	strace $0x9000004A  }
0x2f0: {  	s26 =	simm.s32 $0x13000;
	_ =	strace $0x8000004B  }
0x2f1: {  	[tilespmem:s26], [sflag:$0x7] =	stream.indirect.gather [hbm4b:s1+s31], $0x80, s5, s31, $0x2000b8;
	[tilespmem:$0x1B000] =	vst v63  }
0x2f2: {  	_ =	swait.ge [sflag:s4], $0x4000  }
0x2f3: {  	[sflag:s4] =	ssyncset.done $0x0  }
0x2f4: {  	[sflag:s4] =	ssyncadd.s32 $0xFFFFC000  }
0x2f5: {  	_ =	strace $0x9000004B  }
0x2f6: {  	_ =	strace $0x8000004C  }
0x2f7: {  	s17 =	simm.s32 $0x1;
	s29 =	simm.s32 $0x1;
	s28 =	rddreg [dreg:$0xc]  }
0x2f8: {  	[hbm4b:s28+s19] =	stream.linear.scatter [tilespmem:s26], [sflag:$0x5], $0x4000, $0x200038;
	[tilespmem:$0x1B000] =	vst v63  }
0x2f9: {  	s30 =	simm.s32 $0x1;
	s6 =	simm.s32 $0x2;
	_ =	strace $0x9000004C  }
.LBB2_12:
0x2fa: {  	s0 =	smov.u32 s17;
	s17 =	sadd.s32 $0x1, s17  }
0x2fb: {  	s18 =	rddreg [dreg:$0x4];
	p0 =	seq.s32 s17, s16  }
0x2fc: {  	s5 =	smov.u32 s19;
	s19 =	sadd.s32 $0x1, s19;
	s17 =	simm.s32 @p0 $0x0  }
0x2fd: {  	p6 =	slt.u32 s19, s18;
	p1 =	sne.s32 s0, s17  }
0x2fe: {  	p0 =	por !p6, !p1  }
0x2ff: {  	p0 =	por !p0, !p0  }
0x300: {  	s20 =	sadd.s32 @p0 s12, s17  }
0x301: {  	s18 =	sand.u32 @p0 $0x1, s6;
	_ =	strace @p0 $0x80000049;
	s20 =	sshll.u32 @p0 s20, $0x4  }
0x302: {  	s28 =	simm.s32 @p0 $0x0;
	s26 =	sshll.u32 @p0 s18, $0x7;
	s20 =	sand.u32 @p0 $0x1FFFFFF0, s20  }
0x303: {  	s18 =	sadd.s32 @p0 $0x3, s18;
	s26 =	sor.u32 @p0 $0x12F00, s26;
	s20 =	sadd.s32 @p0 s7, s20  }
0x304: {  	[tilespmem:s26], [sflag:s18] =	stream.linear.gather @p0 [hbm4b:s20+s28], $0x80, $0x200038;
	[tilespmem:$0x1B000] =	vst v63  }
0x305: {  	s28 =	sand.u32 $0x1, s30;
	_ =	strace @p0 $0x90000049  }
0x306: {  	s20 =	sadd.s32 $0x3, s28;
	s18 =	rddreg [dreg:$0x5];
	_ =	strace $0x8000004A  }
0x307: {  	_ =	swait.ge [sflag:s20], $0x80  }
0x308: {  	[sflag:s20] =	ssyncset.done $0x0  }
0x309: {  	s26 =	sshll.u32 s30, $0x7;
	[sflag:s20] =	ssyncadd.s32 $0xFFFFFF80;
	s20 =	sand.u32 $0x1, s29  }
0x30a: {  	s26 =	sand.u32 $0x80, s26;
	_ =	strace $0x9000004A;
	s28 =	sshll.u32 s20, $0xE  }
0x30b: {  	s26 =	sor.u32 $0x12F00, s26;
	_ =	strace $0x8000004B;
	s28 =	sor.u32 $0x13000, s28  }
0x30c: {  	[tilespmem:s28], [sflag:$0x7] =	stream.indirect.gather [hbm4b:s1+s31], $0x80, s26, s31, $0x2000b8;
	[tilespmem:$0x1B000] =	vst v63  }
0x30d: {  	p2 =	seq.s32 s18, s5;
	_ =	swait.ge [sflag:s4], $0x4000  }
0x30e: {  	s0 =	sadd.s32 s12, s0;
	p1 =	por p2, p1;
	[sflag:s4] =	ssyncset.done $0x0  }
0x30f: {  	s0 =	sshll.u32 @p1 s0, $0xB;
	[sflag:s4] =	ssyncadd.s32 $0xFFFFC000  }
0x310: {  	s0 =	sand.u32 @p1 $0x1FFFF800, s0;
	s18 =	sadd.s32 @p1 $0x5, s20;
	_ =	strace $0x9000004B  }
0x311: {  	s20 =	simm.s32 @p1 $0x0;
	s0 =	sadd.s32 @p1 s10, s0;
	_ =	strace @p1 $0x8000004C  }
0x312: {  	[hbm4b:s0+s20] =	stream.linear.scatter @p1 [tilespmem:s28], [sflag:s18], $0x4000, $0x200038;
	[tilespmem:$0x1B000] =	vst v63  }
0x313: {  	s26 =	sand.u32 $0x1, s5;
	_ =	strace @p1 $0x9000004C  }
0x314: {  	s0 =	sadd.s32 $0x5, s26;
	_ =	strace $0x8000004D  }
0x315: {  	_ =	swait.ge [sflag:s0], $0x4000  }
0x316: {  	[sflag:s0] =	ssyncset.done $0x0  }
0x317: {  	[sflag:s0] =	ssyncadd.s32 $0xFFFFC000  }
0x318: {  	_ =	strace $0x9000004D  }
0x319: {  	s5 =	simm.s32 $0x1;
	s28 =	rddreg [dreg:$0x6]  }
0x31a: {  	s5 =	simm.s32 @!p0 $0x0;
	p0 =	sne.s32 s28, s19  }
.Ltmp5:
0x31b: {  	_ = 	snop;
	(pc) =	sbr.rel @p0 .LBB2_12-.Ltmp5, $4  }
0x31c: {  	_ = 	snop  }
0x31d: {  	s18 =	simm.s32 $0x1  }
0x31e: {  	s18 =	simm.s32 @!p1 $0x0  }
0x31f: {  	s6 =	sadd.s32 s5, s6;
	s29 =	sadd.s32 s18, s29;
	s30 =	sadd.s32 s18, s30  }
0x320: {  	s0 =	sand.u32 $0x1, s19  }
0x321: {  	_ =	strace $0x8000004E;
	s0 =	sadd.s32 $0x5, s0  }
0x322: {  	_ =	swait.ge [sflag:s0], $0x4000  }
0x323: {  	s22 =	sadd.s32 $0x1, s22;
	s30 =	rddreg [dreg:$0xa]  }
0x324: {  	p0 =	sne.s32 s22, s30  }
.Ltmp6:
0x325: {  	_ = 	snop;
	(pc) =	sbr.rel @p0 .LBB2_1-.Ltmp6, $4  }
0x326: {  	_ = 	snop  }
0x327: {  	[sflag:s0] =	ssyncset.done $0x0  }
0x328: {  	[sflag:s0] =	ssyncadd.s32 $0xFFFFC000  }
0x329: {  	_ =	strace $0x9000004E  }
0x32a: {  	_ =	sfence.sel $0x180000  }
0x32b: {  	[bflag:$0x0] =	sbarrier.arrive $0xFFFF  }
0x32c: {  	_ =	strace $0x90000047  }
0x32d: {  	s0 =	stileid.u32;
	[bflag:$0x2] =	sbarrier.arrive $0xFFFF  }
0x32e: {  	p0 =	sne.s32 s0, $0x0;
	s0 =	rddreg [dreg:$0x3]  }
0x32f: {  	s0 =	sadd.s32 @!p0 $0x100000, s0  }
0x330: {  	[sflag:s0] =	ssyncadd.tile.s32 @!p0 $0x1;
	_ =	shalt  }
.Lfunc_end2:
_tile_overlayer_lowered:
.L_overlay_start_2:
0x331: {  	(tag) =	ssettag $0x2  }
0x332: {  	s0 =	rddreg [dreg:$0x0];
	s2 =	stileid.u32  }
0x333: {  	s1 =	rddreg [dreg:$0x1];
	p0 =	sne.s32 s2, $0x0  }
0x334: {  	s3 =	rddreg [dreg:$0x2];
	[bflag:$0x3] =	sbarrier.arrive $0xFFFF;
	s2 =	simm.s32 @!p0 $0x1C03  }
0x335: {  	[timem:s3], [sflag:s2] =	dma.local @!p0 [hbm:s0], s1  }
0x336: {  	s0 =	simm.s32 @!p0 $0x3  }
0x337: {  	_ =	swait.ge @!p0 [sflag:s0], s1  }
0x338: {  	s1 =	ssub.s32 @!p0 $0x0, s1;
	[sflag:s0] =	ssyncset.done @!p0 $0x0  }
0x339: {  	[sflag:s0] =	ssyncadd.s32 @!p0 s1  }
0x33a: {  	[bflag:$0x3] =	sbarrier.arrive $0xFFFF  }
0x33b: {  	_ =	shalt  }

// kernel: sparse-core-data-format-call.cloned.1.call-start
scs
called_computation_lowered:
.L_overlay_start_0:
0x0: {  	s2 =	sld [smem:$0x3FD9]  }
0x1: {  	s3 =	sld [smem:$0x3FFE];
	_ =	sdelay $0x1  }
0x2: {  	s1 =	srdreg.scid  }
0x3: {  	s0 =	sand.u32 $0x1, s1  }
0x4: {  	s18 =	sshll.u32 s0, $0xA;
	s2 =	sadd.s32 s3, s2  }
0x5: {  	s2 =	sadd.s32 s2, s18  }
0x6: {  	[smem:$0x3FC0] =	sst s2  }
0x7: {  	_ = 	snop  }
0x8: {  	s2 =	sld [smem:$0x3FD0];
	(tm) =	ssettm $0x1  }
0x9: {  	s19 =	sld [smem:$0x3FFB];
	_ =	sdelay $0x3  }
0xa: {  	_ =	strace s19  }
0xb: {  	s3 =	sld [smem:$0x3FFC];
	_ =	sdelay $0x3  }
0xc: {  	_ =	strace s3  }
0xd: {  	s3 =	sld [smem:$0x3FFD];
	_ =	sdelay $0x3  }
0xe: {  	_ =	strace s3  }
0xf: {  	_ =	strace $0x8FFFFFFF  }
0x10: {  	s20 =	sld [smem:$0x3FDB];
	_ =	sdelay $0x1  }
0x11: {  	s4 =	simm.s32 $_scs_section_size  }
0x12: {  	s5 =	simm.s32 $_size__tile_overlayer_lowered;
	s6 =	simm.s32 $_tile_overlayer_lowered  }
0x13: {  	s23 =	simm.s32 $0x1BFF;
	s22 =	sshll.u32 s6, $0x1;
	s3 =	sadd.s32 s4, s20  }
0x14: {  	s7 =	simm.s32 $0x0;
	s21 =	sshll.u32 s5, $0x1;
	s5 =	sadd.s32 s22, s3  }
0x15: {  	[timem:s7], [sflag:s23] =	dma.local [hbm:s5], s21  }
0x16: {  	_ =	swait.ge [sflag:s23], s21  }
0x17: {  	s4 =	ssub.s32 $0x0, s21;
	[sflag:s23] =	ssyncset.done $0x0  }
0x18: {  	[sflag:s23] =	ssyncadd.s32 s4;
	_ =	sdelay $0x1  }
0x19: {  	s24 =	simm.s32 $0x1B8B  }
0x1a: {  	_ =	swait.ge [sflag:s24], $0x1  }
0x1b: {  	[sflag:s24] =	ssyncset.done $0x0  }
0x1c: {  	s26 =	simm.s32 $0x1B8E;
	s25 =	sld [smem:$0x3FFE];
	[sflag:s24] =	ssyncadd.s32 $0xFFFFFFFF  }
0x1d: {  	s27 =	simm.s32 $execute0_lowered;
	[smem:$0x3FD2] =	sst s26  }
0x1e: {  	s5 =	sshll.u32 s27, $0x1;
	_ =	strace $0x80000050;
	[dreg:$0x1] =	wrdreg $0xFFFFFFFF  }
0x1f: {  	s28 =	simm.s32 $_size_execute0_lowered;
	s3 =	sadd.s32 s3, s5;
	[dreg:$0x0] =	wrdreg $0x0  }
0x20: {  	s5 =	sshll.u32 s28, $0x1;
	[dreg:$0x2] =	wrdreg s3  }
0x21: {  	[dreg:$0x3] =	wrdreg s5  }
0x22: {  	[dreg:$0x4] =	wrdreg $0xC0  }
0x23: {  	_ =	task [dreg:s7], $0x5FFFF  }
0x24: {  	[dreg:$0x1] =	wrdreg $0xFFFFFFFF  }
0x25: {  	[dreg:$0x0] =	wrdreg $0x60  }
0x26: {  	[dreg:$0x2] =	wrdreg s25  }
0x27: {  	[dreg:$0x3] =	wrdreg s2  }
0x28: {  	[dreg:$0x4] =	wrdreg $0x9  }
0x29: {  	_ =	task.clear_ibuf [dreg:s7], $0x5FFFF;
	_ =	strace $0x90000050  }
0x2a: {  	s29 =	simm.s32 $0x9;
	_ =	strace $0x80000052  }
0x2b: {  	_ =	swait.ge [sflag:s29], $0x1  }
0x2c: {  	[sflag:s29] =	ssyncadd.s32 $0xFFFFFFFF  }
0x2d: {  	_ =	strace $0x90000052  }
0x2e: {  	_ =	sfence  }
0x2f: {  	s30 =	sld [smem:$0x0];
	_ =	sdelay $0x2  }
0x30: {  	s31 =	sshll.u32 s1, $0xD;
	s1 =	sshrl.u32 s1, $0x2  }
0x31: {  	s3 =	sand.u32 $0x4000, s31;
	s1 =	sadd.s32 s1, s30  }
0x32: {  	s0 =	sor.u32 s3, s0;
	s1 =	sshll.u32 s1, $0x11  }
0x33: {  	s0 =	sor.u32 s1, s0  }
0x34: {  	s0 =	sadd.s32 $0x8F2B, s0  }
0x35: {  	[sflag:s0] =	ssyncadd.remote.s32 $0x1  }
0x36: {  	_ =	sfence.sel $0xFFFF  }
0x37: {  	[dreg:$0x0] =	wrdreg $0xFFFFFFFF;
	(pc) =	sbr.abs _section_cstart, $3  }
0x38: {  	[dreg:$0x1] =	wrdreg $0xFFFFFFFF  }
0x39: {  	_ =	task.clear_ibuf [dreg:s7], $0x2FFFF;
	_ =	strace $0x9FFFFFFF  }
0x3a: {  	(tm) =	ssettm $0x7FFFFFFF  }
0x3b: {  	_ =	shalt  }
tec
execute0_lowered:
.L_overlay_start_1:
0x0: {  	(tag) =	ssettag $0x1  }
0x1: {  	s0 =	stileid.u32  }
0x2: {  	s1 =	srdreg.scid;
	s7 =	rddreg [dreg:$0x0]  }
0x3: {  	s8 =	simm.s32 $0x2;
	s17 =	simm.s32 $0x0;
	s2 =	sshll.u32 s0, $0x7  }
0x4: {  	s9 =	simm.s32 $0x2000;
	s3 =	sshll.u32 s1, $0x4;
	s1 =	sand.u32 $0x380, s2  }
0x5: {  	s19 =	simm.s32 $0x0;
	s30 =	sand.u32 $0x10, s3;
	s31 =	ssub.s32 $0x400, s1  }
0x6: {  	s18 =	simm.s32 $0x0;
	s2 =	sor.u32 s0, s30;
	s4 =	sand.u32 $0x380, s31  }
0x7: {  	s2 =	sshrl.u32 s2, $0x3;
	p0 =	sne.s32 s4, $0x0;
	s4 =	simm.s32 $0x1  }
0x8: {  	s3 =	sshrl.u32 s31, $0xA;
	s5 =	ssub.s32 $0x35, s2;
	s4 =	simm.s32 @!p0 $0x0  }
0x9: {  	s10 =	simm.s32 $0x0;
	s5 =	sshrl.u32 s5, $0x2;
	s3 =	sadd.s32 s4, s3  }
0xa: {  	s11 =	simm.s32 $0x0;
	s12 =	simm.s32 $0x0;
	s6 =	smul.u32 s3, s5  }
.Ltmp0:
0xb: {  	s13 =	simm.s32 $0x0;
	s4 =	rddreg [dreg:$0x1];
	(pc) =	sbr.rel .LBB1_1-.Ltmp0, $4  }
0xc: {  	s16 =	simm.s32 $0x0;
	s7 =	sadd.s32 $0x259200, s7;
	s3 =	rddreg [dreg:$0x2]  }
0xd: {  	_ =	strace $0x80000051;
	s5 =	simm.s32 $0x1;
	s6 =	smul.u32 $0x3, s6  }
0xe: {  	s15 =	smov.u32 s1;
	s14 =	smov.u32 s2;
	[sflag:s5] =	ssyncpa.u1 $0x0  }
0xf: {  	p0 =	por $0x0, $0x0;
	[sflag:s8] =	ssyncpa.u1 $0x0;
	s8 =	sadd.s32 $0x1, s6  }
.LBB1_4:
0x10: {  	s25 =	sshll.u32 s10, $0xA;
	s24 =	sshra.s32 s24, $0x2;
	s26 =	sshll.u32 s12, $0x3  }
0x11: {  	p1 =	sgt.s32 s11, $0x31;
	s27 =	smov.u32 s11;
	s28 =	sshra.s32 s11, $0x1F  }
0x12: {  	p2 =	sgt.s32 s12, $0x380;
	s31 =	sshra.s32 s12, $0x1F;
	s25 =	sand.u32 $0xFFFFE000, s25  }
0x13: {  	s26 =	sand.u32 $0xFFFFFC00, s26;
	s27 =	simm.s32 @!p1 $0x31;
	s28 =	sand.u32 s28, s11  }
0x14: {  	[tilespmem:s22+$0x2040 ss:$0x81] =	vst.msk $0xffff, v4;
	s23 =	sadd.s32 s24, s23;
	s29 =	sadd.s32 s26, s25;
	s25 =	ssub.s32 s27, s28  }
0x15: {  	[tilespmem:s22+$0x2850 ss:$0x81] =	vst.msk $0xffff, v3;
	s27 =	smov.u32 s12;
	s28 =	smov.u32 s10;
	s26 =	sand.u32 s31, s12  }
0x16: {  	[tilespmem:s22+$0x3060 ss:$0x81] =	vst.msk $0xffff, v2;
	s24 =	sshrl.u32 s29, $0xA;
	s30 =	sadd.s32 $0xFFFFFFCF, s25;
	s27 =	simm.s32 @!p2 $0x380  }
0x17: {  	v5 =	vld [tilespmem:s21+$0xFFFFFFD0];
	[tilespmem:s22+$0x0 ss:$0x81] =	vst.msk $0xffff, v1;
	p2 =	sgt.s32 s10, $0xC0;
	s29 =	sshra.s32 s10, $0x1F;
	s22 =	ssub.s32 $0x32, s25  }
0x18: {  	v58 =	vld [tilespmem:s21+$0xFFFFFFE0];
	p1 =	sgt.s32 s30, $0x0;
	s28 =	simm.s32 @!p2 $0xC0;
	s29 =	sand.u32 s29, s10  }
0x19: {  	v59 =	vld [tilespmem:s21+$0xFFFFFFF0];
	s26 =	ssub.s32 s27, s26;
	s27 =	smulhi.u32 $0xCCCCCD, s24;
	s28 =	ssub.s32 s28, s29  }
0x1a: {  	v60 =	vld [tilespmem:s21+$0x0];
	s30 =	sadd.s32 $0xFFFFFC80, s26;
	s25 =	ssub.s32 $0x400, s26;
	s22 =	simm.s32 @p1 $0x0  }
0x1b: {  	v61 =	vld [tilespmem:s21+$0x10];
	[tilespmem:s23+$0x3870 ss:$0x81] =	vst.msk $0xffff, v0;
	s29 =	sand.u32 $0x78, s12;
	p2 =	sgt.s32 s30, $0x7F;
	s31 =	sadd.s32 $0xFFFFFF40, s28  }
0x1c: {  	v62 =	vld [tilespmem:s21+$0x20];
	[tilespmem:s23+$0x810 ss:$0x81] =	vst.msk $0xffff, v5;
	s27 =	smul.u32 $0x140, s27;
	s30 =	sshll.u32 s10, $0x7;
	s28 =	ssub.s32 $0x140, s28  }
0x1d: {  	v63 =	vld [tilespmem:s21+$0xFFFFFFC0];
	[tilespmem:s23+$0x1020 ss:$0x81] =	vst.msk $0xffff, v58;
	s25 =	simm.s32 @p2 $0x0;
	p1 =	sgt.s32 s31, $0x7F;
	s31 =	smul.u32 $0xA000, s11  }
0x1e: {  	[tilespmem:s23+$0x1830 ss:$0x81] =	vst.msk $0xffff, v59;
	s21 =	sand.u32 $0x380, s30;
	s22 =	smul.u32 s25, s22;
	s28 =	simm.s32 @p1 $0x0  }
0x1f: {  	[tilespmem:s23+$0x2040 ss:$0x81] =	vst.msk $0xffff, v60;
	s21 =	sor.u32 s29, s21;
	s24 =	ssub.s32 s24, s27;
	s29 =	sand.u32 $0x7, s12  }
0x20: {  	[tilespmem:s23+$0x2850 ss:$0x81] =	vst.msk $0xffff, v61;
	s21 =	sshrl.u32 s21, $0x3;
	s25 =	sadd.s32 s4, s31;
	s22 =	smul.u32 s28, s22  }
0x21: {  	[tilespmem:s23+$0x3060 ss:$0x81] =	vst.msk $0xffff, v62;
	s24 =	sshll.u32 s24, $0x7;
	s30 =	sshll.u32 s29, $0x12;
	s21 =	sadd.s32 s21, s25  }
0x22: {  	[tilespmem:s23+$0x0 ss:$0x81] =	vst.msk $0xffff, v63;
	s31 =	sor.u32 $0x400, s30;
	s21 =	sadd.s32 s24, s21;
	s22 =	sand.u32 $0x3FFFFFFF, s22  }
0x23: {  	[hbm4b:s21+s31] =	stream.strided.scatter [tilespmem:s20], [sflag:$0x2], s22, s9, s31, $0x20;
	[tilespmem:$0x10100] =	vst v63  }
.LBB1_5:
0x24: {  	p1 =	slt.u32 s16, $0x2  }
0x25: {  	p2 =	sgt.s32 @!p1 s19, $0x31  }
0x26: {  	s20 =	smov.u32 s19;
	s21 =	sshra.s32 @!p1 s19, $0x1F;
	p2 =	por !p2, p1  }
0x27: {  	s19 =	sand.u32 @!p1 s21, s19;
	s20 =	simm.s32 @p2 $0x31  }
0x28: {  	p3 =	sgt.s32 @!p1 s18, $0x380;
	s19 =	ssub.s32 @!p1 s20, s19  }
0x29: {  	p3 =	por !p3, p1;
	s21 =	sshra.s32 @!p1 s18, $0x1F;
	s20 =	sadd.s32 @!p1 $0xFFFFFFCF, s19  }
0x2a: {  	s19 =	ssub.s32 @!p1 $0x32, s19;
	p2 =	sgt.s32 @!p1 s20, $0x0;
	s20 =	smov.u32 s18  }
0x2b: {  	s18 =	sand.u32 @!p1 s21, s18;
	s20 =	simm.s32 @p3 $0x380;
	p3 =	sgt.s32 @!p1 s17, $0xC0  }
0x2c: {  	s21 =	smov.u32 s17;
	p2 =	por !p2, p1;
	p3 =	por !p3, p1  }
0x2d: {  	s18 =	ssub.s32 @!p1 s20, s18;
	s20 =	sshra.s32 @!p1 s17, $0x1F;
	s19 =	simm.s32 @!p2 $0x0  }
0x2e: {  	s21 =	simm.s32 @p3 $0xC0;
	s17 =	sand.u32 @!p1 s20, s17;
	s20 =	sadd.s32 @!p1 $0xFFFFFC80, s18  }
0x2f: {  	s18 =	ssub.s32 @!p1 $0x400, s18;
	s17 =	ssub.s32 @!p1 s21, s17;
	p2 =	sgt.s32 @!p1 s20, $0x7F  }
0x30: {  	s21 =	smov.u32 s14;
	s20 =	sadd.s32 @!p1 $0xFFFFFF40, s17;
	p2 =	por !p2, p1  }
0x31: {  	s17 =	ssub.s32 @!p1 $0x140, s17;
	p3 =	sgt.s32 @!p1 s20, $0x7F;
	s18 =	simm.s32 @!p2 $0x0  }
0x32: {  	s20 =	sadd.s32 $0x80, s13;
	p2 =	por !p3, p1;
	s18 =	smul.u32 @!p1 s18, s19  }
0x33: {  	s19 =	sadd.s32 $0x4, s14;
	s17 =	simm.s32 @!p2 $0x0;
	p2 =	sgt.s32 s20, $0x13F  }
0x34: {  	s22 =	smov.u32 s15;
	s21 =	smov.u32 @p2 s19  }
0x35: {  	s17 =	smul.u32 @!p1 s17, s18;
	s18 =	sadd.s32 $0x400, s15;
	p3 =	sgt.s32 s21, $0x31  }
0x36: {  	p0 =	por !p0, !p0;
	s23 =	simm.s32 @!p1 $0x2;
	s22 =	smov.u32 @p3 s18  }
0x37: {  	s20 =	simm.s32 @p2 $0x0;
	s19 =	smov.u32 s11;
	p2 =	sgt.s32 s22, $0x3FF  }
0x38: {  	s11 =	smov.u32 s14;
	s22 =	smov.u32 @p2 s1;
	p2 =	sne.s32 s16, s8  }
.Ltmp1:
0x39: {  	s17 =	sand.u32 @!p1 $0x3FFFFFFF, s17;
	s21 =	smov.u32 @p3 s2;
	(pc) =	sbr.rel @!p2 .LBB1_6-.Ltmp1, $4  }
0x3a: {  	s18 =	smov.u32 s12;
	s12 =	smov.u32 s15;
	_ =	swait.ge @!p1 [sflag:s23], s17  }
0x3b: {  	s24 =	ssub.s32 @!p1 $0x0, s17;
	s17 =	smov.u32 s10;
	s10 =	smov.u32 s13  }
0x3c: {  	s13 =	smov.u32 s20;
	s14 =	smov.u32 s21;
	[sflag:s23] =	ssyncset.done @!p1 $0x0  }
0x3d: {  	s16 =	sadd.s32 $0x1, s16;
	[sflag:s23] =	ssyncadd.s32 @!p1 s24;
	s15 =	smov.u32 s22  }
.LBB1_1:
0x3e: {  	p1 =	sge.u32 s16, s6  }
0x3f: {  	s20 =	sshrl.u32 @!p1 s14, $0x3  }
0x40: {  	s21 =	sshll.u32 @!p1 s13, $0x3;
	s20 =	smul.u32 @!p1 $0xC00, s20  }
0x41: {  	s22 =	sshll.u32 @!p1 s14, $0x7;
	s21 =	sand.u32 @!p1 $0xFFFFFC00, s21  }
0x42: {  	s20 =	sadd.s32 @!p1 s20, s21;
	s21 =	sand.u32 @!p1 $0x380, s22  }
0x43: {  	s20 =	sor.u32 @!p1 s21, s20  }
0x44: {  	s21 =	sand.u32 @!p1 $0x7F, s13;
	s22 =	smulhi.u32 @!p1 $0xAAAAAAAB, s20  }
0x45: {  	s20 =	sor.u32 @!p1 s21, s20  }
0x46: {  	s21 =	smulhi.u32 @!p1 $0xAAAAAAAB, s20;
	s22 =	sshrl.u32 @!p1 s22, $0x8  }
0x47: {  	s23 =	smulhi.u32 @!p1 $0x4924925, s22;
	_ =	sdelay $0x1  }
0x48: {  	s21 =	sshrl.u32 @!p1 s21, $0x8;
	s23 =	smul.u32 @!p1 $0x38, s23  }
0x49: {  	s31 =	sadd.s32 $0xFFFFFFFF, s16;
	s21 =	smul.u32 @!p1 $0x180, s21  }
0x4a: {  	s24 =	sxor.u32 @!p1 $0xFFFFFFFF, s16;
	s22 =	ssub.s32 @!p1 s22, s23;
	s23 =	smul.u32 @!p1 $0xA80, s15  }
0x4b: {  	s24 =	sshll.u32 @!p1 s24, $0xE;
	s20 =	ssub.s32 @!p1 s20, s21;
	s21 =	smul.u32 @!p1 $0x30, s22  }
0x4c: {  	s22 =	sand.u32 @!p1 $0x4000, s24;
	s24 =	sand.u32 @!p1 $0x7, s20;
	s23 =	sadd.s32 @!p1 s7, s23  }
0x4d: {  	s20 =	sshrl.u32 @!p1 s20, $0x3;
	s21 =	sadd.s32 @!p1 s21, s23;
	s23 =	sshll.u32 @!p1 s24, $0x12  }
0x4e: {  	s20 =	sadd.s32 @!p1 s20, s21;
	s21 =	sor.u32 @!p1 $0x80, s23;
	s23 =	simm.s32 @!p1 $0x5400  }
0x4f: {  	[tilespmem:s22], [sflag:$0x1] =	stream.strided.gather @!p1 [hbm4b:s20+s21], $0x4000, s23, s21, $0x38;
	[tilespmem:$0x10100] =	vst v63  }
0x50: {  	p1 =	sge.u32 s31, s6  }
.Ltmp2:
0x51: {  	_ = 	snop;
	(pc) =	sbr.rel @p1 .LBB1_5-.Ltmp2, $1  }
0x52: {  	_ =	sdelay $0x3  }
0x53: {  	s20 =	simm.s32 $0x1  }
0x54: {  	_ =	swait.ge [sflag:s5], $0x4000;
	s20 =	simm.s32 @!p0 $0x0  }
0x55: {  	[sflag:s5] =	ssyncset.done $0x0;
	s21 =	sshll.u32 s20, $0xE  }
0x56: {  	[sflag:s5] =	ssyncadd.s32 $0xFFFFC000;
	s21 =	sor.u32 $0x40, s21  }
0x57: {  	s20 =	smul.u32 $0x10200, s20;
	v0 =	vld [tilespmem:s21+$0x30]  }
0x58: {  	v1 =	vld [tilespmem:s21+$0xFFFFFFD0]  }
0x59: {  	s20 =	sshrl.u32 s20, $0x2;
	v5 =	vld [tilespmem:s21+$0xFFFFFFE0]  }
0x5a: {  	v6 =	vld [tilespmem:s21+$0xFFFFFFF0];
	s23 =	sor.u32 $0x8000, s20  }
0x5b: {  	s31 =	sand.u32 $0x1, s16;
	v4 =	vld [tilespmem:s21+$0x0];
	s22 =	sadd.s32 $0x0, s23  }
0x5c: {  	v3 =	vld [tilespmem:s21+$0x10];
	s20 =	smul.u32 $0x10200, s31;
	[tilespmem:s22+$0x3870 ss:$0x81] =	vst.msk $0xffff, v0  }
0x5d: {  	v2 =	vld [tilespmem:s21+$0x20];
	[tilespmem:s22+$0x810 ss:$0x81] =	vst.msk $0xffff, v1  }
0x5e: {  	s20 =	sshrl.u32 s20, $0x2;
	v1 =	vld [tilespmem:s21+$0xFFFFFFC0];
	[tilespmem:s22+$0x1020 ss:$0x81] =	vst.msk $0xffff, v5;
	s21 =	sadd.s32 $0x80, s21  }
0x5f: {  	s24 =	simm.s32 $0x4;
	s25 =	simm.s32 $0x8;
	s20 =	sor.u32 $0x8000, s20;
	[tilespmem:s22+$0x1830 ss:$0x81] =	vst.msk $0xffff, v6;
	v0 =	vld [tilespmem:s21+$0x30]  }
.LBB1_3:
0x60: {  	p1 =	sne.s32 s25, $0x1FC;
	v5 =	vld [tilespmem:s21+$0xFFFFFFD0];
	[tilespmem:s22+$0x2040 ss:$0x81] =	vst.msk $0xffff, v4  }
0x61: {  	v6 =	vld [tilespmem:s21+$0xFFFFFFE0];
	[tilespmem:s22+$0x2850 ss:$0x81] =	vst.msk $0xffff, v3  }
0x62: {  	s26 =	sshra.s32 s24, $0x2;
	s24 =	smov.u32 s25;
	v7 =	vld [tilespmem:s21+$0xFFFFFFF0];
	[tilespmem:s22+$0x3060 ss:$0x81] =	vst.msk $0xffff, v2  }
.Ltmp3:
0x63: {  	v4 =	vld [tilespmem:s21+$0x0];
	[tilespmem:s22+$0x0 ss:$0x81] =	vst.msk $0xffff, v1;
	s22 =	sadd.s32 s26, s23;
	(pc) =	sbr.rel @p1 .LBB1_3-.Ltmp3, $4  }
0x64: {  	v3 =	vld [tilespmem:s21+$0x10];
	[tilespmem:s22+$0x3870 ss:$0x81] =	vst.msk $0xffff, v0  }
0x65: {  	[tilespmem:s22+$0x810 ss:$0x81] =	vst.msk $0xffff, v5;
	v2 =	vld [tilespmem:s21+$0x20]  }
0x66: {  	v1 =	vld [tilespmem:s21+$0xFFFFFFC0];
	[tilespmem:s22+$0x1020 ss:$0x81] =	vst.msk $0xffff, v6;
	s21 =	sadd.s32 $0x80, s21  }
0x67: {  	s25 =	sadd.s32 $0x4, s25;
	v0 =	vld [tilespmem:s21+$0x30];
	[tilespmem:s22+$0x1830 ss:$0x81] =	vst.msk $0xffff, v7  }
.Ltmp4:
0x68: {  	_ = 	snop;
	(pc) =	sbr.rel .LBB1_4-.Ltmp4, $1  }
0x69: {  	_ =	sdelay $0x3  }
.LBB1_6:
0x6a: {  	_ =	sfence.sel $0x180000  }
0x6b: {  	s1 =	simm.s32 $0x1;
	[bflag:$0x0] =	sbarrier.arrive $0xFFFF  }
0x6c: {  	s31 =	simm.s32 $0x2;
	[sflag:s1] =	ssyncpa.u1 $0x1  }
0x6d: {  	[sflag:s31] =	ssyncpa.u1 $0x1  }
0x6e: {  	p0 =	sne.s32 s0, $0x0;
	_ =	strace $0x90000051  }
0x6f: {  	s0 =	sadd.s32 @!p0 $0x100000, s3;
	[bflag:$0x2] =	sbarrier.arrive $0xFFFF  }
0x70: {  	[sflag:s0] =	ssyncadd.tile.s32 @!p0 $0x1;
	_ =	shalt  }
.Lfunc_end1:
_tile_overlayer_lowered:
.L_overlay_start_2:
0x71: {  	(tag) =	ssettag $0x2  }
0x72: {  	s0 =	rddreg [dreg:$0x0];
	s2 =	stileid.u32  }
0x73: {  	s1 =	rddreg [dreg:$0x1];
	p0 =	sne.s32 s2, $0x0  }
0x74: {  	s3 =	rddreg [dreg:$0x2];
	[bflag:$0x3] =	sbarrier.arrive $0xFFFF;
	s2 =	simm.s32 @!p0 $0x1C01  }
0x75: {  	[timem:s3], [sflag:s2] =	dma.local @!p0 [hbm:s0], s1  }
0x76: {  	s0 =	simm.s32 @!p0 $0x1  }
0x77: {  	_ =	swait.ge @!p0 [sflag:s0], s1  }
0x78: {  	s1 =	ssub.s32 @!p0 $0x0, s1;
	[sflag:s0] =	ssyncset.done @!p0 $0x0  }
0x79: {  	[sflag:s0] =	ssyncadd.s32 @!p0 s1  }
0x7a: {  	[bflag:$0x3] =	sbarrier.arrive $0xFFFF  }
0x7b: {  	_ =	shalt  }

</sc_bundles>
